<compile_context>
chip_gen: v7x
topology: tpu7x:2x2x1
jax: 0.10.2.dev20260603
libtpu: 0.0.44.dev20260713+nightly
codegen_flags: <defaults>
</compile_context>

<pallas_src>
import jax
import jax.numpy as jnp
from jax import lax
from jax.experimental import pallas as pl
from jax.experimental.pallas import tpu as pltpu
from jax.experimental.pallas import tpu_sc as plsc

N = 10000
D = 128
E = 320000
NPAD = 10240
TOTC = 160
EPAD = 16 * TOTC * 128
NPT = NPAD // 16
TRASH = NPAD - 1
_PASS = 40
FAST_CID = 0
CHF = 120
CHS = TOTC - CHF

_mesh = plsc.VectorSubcoreMesh(core_axis_name="c", subcore_axis_name="s")


def _cid_sid():
    return lax.axis_index("c"), lax.axis_index("s")




def _sc_agg_body(srcs, dsts, xp, degp_out, aggp_out,
                 src_v, dst_v, bf0, bf1, ones_v, zrow_v,
                 deg_s, agg_s, g0, g1, sd, ss):
    cid, sid = _cid_sid()
    base = sid * NPT

    for k in range(8):
        ones_v[pl.ds(k * 16, 16)] = jnp.full((16,), 1.0, jnp.float32)

    def zfill(i, _):
        for k in range(8):
            bf0[i, pl.ds(k * 16, 16)] = jnp.zeros((16,), jnp.float32)
        return 0
    lax.fori_loop(0, 128, zfill, 0)

    def zfill1(i, _):
        zrow_v[pl.ds(i * 16, 16)] = jnp.zeros((16,), jnp.float32)
        return 0
    lax.fori_loop(0, NPT // 16, zfill1, 0)

    pltpu.sync_copy(zrow_v, deg_s.at[pl.ds(base, NPT)])

    def zago(i, _):
        pltpu.sync_copy(bf0, agg_s.at[pl.ds(base + i * 128, 128), :])
        return 0
    lax.fori_loop(0, NPT // 128, zago, 0)

    plsc.subcore_barrier()

    def _do_chunk(j, n, rows, gsem):
        dd = pltpu.async_copy(ones_v, deg_s.at[dst_v.at[j]], sd, add=True)
        pltpu.sync_copy(rows, agg_s.at[dst_v.at[j]], add=True)
        dd.wait()

        @pl.when(j + 2 < n)
        def _():
            pltpu.async_copy(xp.at[src_v.at[j + 2]], rows, gsem)

    def _load_run(off, n):
        ld0 = pltpu.async_copy(srcs.at[sid, pl.ds(off, n)],
                               src_v.at[pl.ds(0, n)], ss)
        ld1 = pltpu.async_copy(dsts.at[sid, pl.ds(off, n)],
                               dst_v.at[pl.ds(0, n)], ss)
        ld0.wait()
        ld1.wait()
        pltpu.async_copy(xp.at[src_v.at[0]], bf0, g0)
        pltpu.async_copy(xp.at[src_v.at[1]], bf1, g1)

        def pair(i, _):
            j0 = 2 * i
            pltpu.make_async_copy(xp.at[src_v.at[j0]], bf0, g0).wait()
            _do_chunk(j0, n, bf0, g0)
            pltpu.make_async_copy(xp.at[src_v.at[j0 + 1]], bf1, g1).wait()
            _do_chunk(j0 + 1, n, bf1, g1)
            return 0
        lax.fori_loop(0, n // 2, pair, 0)

    @pl.when(cid == FAST_CID)
    def _():
        for p in range(CHF // _PASS):
            _load_run(p * _PASS, _PASS)

    @pl.when(cid != FAST_CID)
    def _():
        _load_run(CHF, CHS)

    plsc.subcore_barrier()

    pltpu.sync_copy(deg_s.at[pl.ds(base, NPT)], degp_out.at[cid, pl.ds(base, NPT)])
    pltpu.sync_copy(agg_s.at[pl.ds(base, NPT), :],
                    aggp_out.at[cid, pl.ds(base, NPT), :])


_sc_agg = pl.kernel(
    _sc_agg_body,
    out_type=(
        jax.ShapeDtypeStruct((2, NPAD), jnp.float32),
        jax.ShapeDtypeStruct((2, NPAD, D), jnp.float32),
    ),
    mesh=_mesh,
    scratch_types=[
        pltpu.VMEM((_PASS, 128), jnp.int32),
        pltpu.VMEM((_PASS, 128), jnp.int32),
        pltpu.VMEM((128, D), jnp.float32),
        pltpu.VMEM((128, D), jnp.float32),
        pltpu.VMEM((128,), jnp.float32),
        pltpu.VMEM((NPT,), jnp.float32),
        pltpu.VMEM_SHARED((NPAD,), jnp.float32),
        pltpu.VMEM_SHARED((NPAD, D), jnp.float32),
        pltpu.SemaphoreType.DMA,
        pltpu.SemaphoreType.DMA,
        pltpu.SemaphoreType.DMA,
        pltpu.SemaphoreType.DMA,
    ],
    compiler_params=pltpu.CompilerParams(needs_layout_passes=False),
)




def _sc_coef_body(srcs, dsts, degp, inv_out, cp_out,
                  src_v, dst_v, d0_v, d1_v, inv_v, w_v, zrow_v,
                  c_s, sem):
    cid, sid = _cid_sid()
    base = sid * NPT

    def zfill1(i, _):
        zrow_v[pl.ds(i * 16, 16)] = jnp.zeros((16,), jnp.float32)
        return 0
    lax.fori_loop(0, NPT // 16, zfill1, 0)

    pltpu.sync_copy(zrow_v, c_s.at[pl.ds(base, NPT)])

    pltpu.sync_copy(degp.at[0], d0_v)
    pltpu.sync_copy(degp.at[1], d1_v)

    def invf(i, _):
        v = d0_v[pl.ds(i * 16, 16)] + d1_v[pl.ds(i * 16, 16)]
        inv_v[pl.ds(i * 16, 16)] = 1.0 / jnp.maximum(v, 1.0)
        return 0
    lax.fori_loop(0, NPAD // 16, invf, 0)

    pltpu.sync_copy(srcs.at[sid, pl.ds(cid * (TOTC // 2), TOTC // 2)], src_v)
    pltpu.sync_copy(dsts.at[sid, pl.ds(cid * (TOTC // 2), TOTC // 2)], dst_v)

    plsc.subcore_barrier()

    def chunk(j, _):
        for k in range(8):
            idx = dst_v[j, pl.ds(k * 16, 16)]
            w_v[pl.ds(k * 16, 16)] = plsc.load_gather(inv_v, [idx])
        pltpu.sync_copy(w_v, c_s.at[src_v.at[j]], add=True)
        return 0
    lax.fori_loop(0, TOTC // 2, chunk, 0)

    plsc.subcore_barrier()

    pltpu.sync_copy(c_s.at[pl.ds(base, NPT)], cp_out.at[cid, pl.ds(base, NPT)])

    @pl.when(cid == 0)
    def _():
        pltpu.sync_copy(inv_v.at[pl.ds(base, NPT)], inv_out.at[pl.ds(base, NPT)])


_sc_coef = pl.kernel(
    _sc_coef_body,
    out_type=(
        jax.ShapeDtypeStruct((NPAD,), jnp.float32),
        jax.ShapeDtypeStruct((2, NPAD), jnp.float32),
    ),
    mesh=_mesh,
    scratch_types=[
        pltpu.VMEM((TOTC // 2, 128), jnp.int32),
        pltpu.VMEM((TOTC // 2, 128), jnp.int32),
        pltpu.VMEM((NPAD,), jnp.float32),
        pltpu.VMEM((NPAD,), jnp.float32),
        pltpu.VMEM((NPAD,), jnp.float32),
        pltpu.VMEM((128,), jnp.float32),
        pltpu.VMEM((NPT,), jnp.float32),
        pltpu.VMEM_SHARED((NPAD,), jnp.float32),
        pltpu.SemaphoreType.DMA,
    ],
    compiler_params=pltpu.CompilerParams(needs_layout_passes=False),
)



_BLK = 128
_NBLK = NPAD // _BLK


def _dotT(a, b):
    return lax.dot_general(a, b, (((1,), (1,)), ((), ())),
                           preferred_element_type=jnp.float32,
                           precision=lax.Precision.DEFAULT)


def _tc_body(xp_ref, aggp_ref, invr_ref, cpr_ref,
             w1l_ref, b1_ref, w1r_ref, w2lp_ref, b2p_ref, w2rp_ref,
             out_ref, s2_acc, sh_acc):
    i = pl.program_id(0)

    @pl.when(i == 0)
    def _():
        s2_acc[...] = jnp.zeros((1, 128), jnp.float32)
        sh_acc[...] = jnp.zeros((1, 128), jnp.float32)

    agg = aggp_ref[0] + aggp_ref[1]
    inv_row = invr_ref[0]
    c_row = cpr_ref[0, 0] + cpr_ref[1, 0]

    rows = lax.broadcasted_iota(jnp.int32, (_BLK, _BLK), 0)
    cols = lax.broadcasted_iota(jnp.int32, (_BLK, _BLK), 1)
    eye = jnp.where(rows == cols, 1.0, 0.0).astype(jnp.float32)
    inv_col = _dotT(eye, inv_row)
    c_col = _dotT(eye, c_row)

    rowid = i * _BLK + lax.broadcasted_iota(jnp.int32, (_BLK, 1), 0)
    mask = rowid < N

    h = _dotT(agg * inv_col, w1l_ref[0]) + _dotT(xp_ref[...], w1r_ref[0])
    h = jax.nn.relu(h + b1_ref[0])
    h = jnp.where(mask, h, 0.0)

    sh_acc[...] += jnp.sum(h, axis=0, keepdims=True)
    s2_acc[...] += jnp.sum(h * c_col, axis=0, keepdims=True)

    @pl.when(i == _NBLK - 1)
    def _():
        o = (_dotT(s2_acc[...], w2lp_ref[0]) + float(N) * b2p_ref[0]
             + _dotT(sh_acc[...], w2rp_ref[0]))
        out_ref[...] = jnp.broadcast_to(o, (8, 128))


_tc_dense = pl.pallas_call(
    _tc_body,
    grid=(_NBLK,),
    in_specs=[
        pl.BlockSpec((_BLK, D), lambda i: (i, 0)),
        pl.BlockSpec((2, _BLK, D), lambda i: (0, i, 0)),
        pl.BlockSpec((1, 1, 128), lambda i: (i, 0, 0)),
        pl.BlockSpec((2, 1, 1, 128), lambda i: (0, i, 0, 0)),
        pl.BlockSpec((1, D, D), lambda i: (0, 0, 0)),
        pl.BlockSpec((1, 1, 128), lambda i: (0, 0, 0)),
        pl.BlockSpec((1, D, D), lambda i: (0, 0, 0)),
        pl.BlockSpec((1, D, D), lambda i: (0, 0, 0)),
        pl.BlockSpec((1, 1, 128), lambda i: (0, 0, 0)),
        pl.BlockSpec((1, D, D), lambda i: (0, 0, 0)),
    ],
    out_specs=pl.BlockSpec((8, 128), lambda i: (0, 0)),
    out_shape=jax.ShapeDtypeStruct((8, 128), jnp.float32),
    scratch_shapes=[
        pltpu.VMEM((1, 128), jnp.float32),
        pltpu.VMEM((1, 128), jnp.float32),
    ],
)


def kernel(x, edge_index, W1_l, b1, W1_r, W2_l, b2, W2_r):
    src = edge_index[0].astype(jnp.int32)
    dst = edge_index[1].astype(jnp.int32)
    fill = jnp.full((EPAD - E,), TRASH, jnp.int32)
    srcs = jnp.concatenate([src, fill]).reshape(16, TOTC, 128)
    dsts = jnp.concatenate([dst, fill]).reshape(16, TOTC, 128)
    xp = jnp.pad(x, ((0, NPAD - N), (0, 0)))

    degp, aggp = _sc_agg(srcs, dsts, xp)
    inv, cp = _sc_coef(srcs, dsts, degp)

    w1lp = W1_l
    w2lp = jnp.pad(W2_l, ((0, D - W2_l.shape[0]), (0, 0)))
    w2rp = jnp.pad(W2_r, ((0, D - W2_r.shape[0]), (0, 0)))
    b2p = jnp.pad(b2, (0, 128 - b2.shape[0])).reshape(1, 1, 128)

    out = _tc_dense(
        xp, aggp,
        inv.reshape(_NBLK, 1, 128), cp.reshape(2, _NBLK, 1, 128),
        w1lp.reshape(1, D, D), b1.reshape(1, 1, 128), W1_r.reshape(1, D, D),
        w2lp.reshape(1, D, D), b2p, w2rp.reshape(1, D, D),
    )
    return out[0:1, 0:10]

# --- scband reference (transcript-rebuilt; emitter-appended) ---
"""Pipeline reference for scband-gnn-44306882625625 (READ-ONLY COPY).

The authoritative reference and input builder live on the scoring server;
editing this copy changes nothing except your own understanding.
"""

import jax, jax.numpy as jnp
import numpy as np

N_NODES = 10000
D_FEAT = 128
N_EDGES = 320000
HIDDEN = 128
OUT = 10


def _glorot(key, shape):
    fan_in, fan_out = shape[1], shape[0]
    lim = float(np.sqrt(6.0 / (fan_in + fan_out)))
    return jax.random.uniform(key, shape, dtype=jnp.float32, minval=-lim, maxval=lim)


def setup_inputs(seed: int = 0) -> dict:
    key = jax.random.key(seed)
    ks = jax.random.split(key, 8)
    x = jax.random.normal(ks[0], (N_NODES, D_FEAT), dtype=jnp.float32)
    edge_index = jax.random.randint(ks[1], (2, N_EDGES), 0, N_NODES, dtype=jnp.int64)
    # SAGEConv layer 1: lin_l (with bias) applied to aggregated neighbors, lin_r (no bias) to root
    W1_l = _glorot(ks[2], (HIDDEN, D_FEAT))
    b1 = jnp.zeros((HIDDEN,), dtype=jnp.float32)
    W1_r = _glorot(ks[3], (HIDDEN, D_FEAT))
    # SAGEConv layer 2
    W2_l = _glorot(ks[4], (OUT, HIDDEN))
    b2 = jnp.zeros((OUT,), dtype=jnp.float32)
    W2_r = _glorot(ks[5], (OUT, HIDDEN))
    return {"x": x, "edge_index": edge_index, "W1_l": W1_l, "b1": b1, "W1_r": W1_r,
            "W2_l": W2_l, "b2": b2, "W2_r": W2_r}


def _sage_conv(x, edge_index, W_l, b_l, W_r):
    # PyG SAGEConv with mean aggregation:
    #   out = lin_l(mean_{j in N(i)} x_j) + lin_r(x_i)
    src = edge_index[0]
    dst = edge_index[1]
    msgs = jnp.take(x, src, axis=0)                                   # gather  [E, d]
    agg = jax.ops.segment_sum(msgs, dst, num_segments=x.shape[0])     # scatter-add [N, d]
    deg = jax.ops.segment_sum(jnp.ones((edge_index.shape[1],), dtype=x.dtype),
                              dst, num_segments=x.shape[0])
    agg = agg / jnp.clip(deg, 1.0, None)[:, None]                     # mean
    return agg @ W_l.T + b_l + x @ W_r.T


def reference(x, edge_index, W1_l, b1, W1_r, W2_l, b2, W2_r):
    h = jax.nn.relu(_sage_conv(x, edge_index, W1_l, b1, W1_r))
    o = _sage_conv(h, edge_index, W2_l, b2, W2_r)        # [N, 10]
    out = jnp.sum(o.T, axis=1)                            # [10]
    out = jnp.reshape(out, (1, 10))
    return out

if __name__ == "__main__":
    import jax
    _d = setup_inputs()
    print(jax.jit(kernel)(*tuple(_d.values())))

</pallas_src>

<mosaic_0001>
#map = affine_map<(d0, d1) -> (0, 0, 0)>
#map1 = affine_map<(d0, d1) -> (0, 0)>
#map2 = affine_map<(d0, d1) -> (0)>
module attributes {stable_mosaic.version = 14 : i64} {
  func.func @_sc_coef_body(%arg0: i32, %arg1: i32, %arg2: memref<16x160x128xi32, #tpu.memory_space<hbm>>, %arg3: memref<16x160x128xi32, #tpu.memory_space<hbm>>, %arg4: memref<2x10240xf32, #tpu.memory_space<hbm>>, %arg5: memref<10240xf32, #tpu.memory_space<hbm>>, %arg6: memref<2x10240xf32, #tpu.memory_space<hbm>>, %arg7: memref<80x128xi32, #tpu.memory_space<vmem>>, %arg8: memref<80x128xi32, #tpu.memory_space<vmem>>, %arg9: memref<10240xf32, #tpu.memory_space<vmem>>, %arg10: memref<10240xf32, #tpu.memory_space<vmem>>, %arg11: memref<10240xf32, #tpu.memory_space<vmem>>, %arg12: memref<128xf32, #tpu.memory_space<vmem>>, %arg13: memref<640xf32, #tpu.memory_space<vmem>>, %arg14: memref<10240xf32, #tpu.memory_space<vmem_shared>>, %arg15: memref<!tpu.dma_semaphore, #tpu.memory_space<semaphore_mem>>) attributes {dimension_semantics = [#tpu.dimension_semantics<core_parallel>, #tpu.dimension_semantics<subcore_parallel>], iteration_bounds = array<i64: 2, 16>, scalar_prefetch = 0 : i64, scratch_operands = 9 : i64, tpu.core_type = #tpu.core_type<sc_vector_subcore>, window_params = [{transform_indices = #map}, {transform_indices = #map}, {transform_indices = #map1}, {transform_indices = #map2}, {transform_indices = #map1}]} {
    %mul3A = arith.constant 640 : i32
    %mul3A_0 = arith.muli %arg1, %mul3A : i32
    %scan3A = arith.constant 0 : i32
    %scan3A_1 = arith.constant 0 : i32
    %scan3A_2 = arith.constant 40 : i32
    %scan3A_3 = arith.addi %scan3A_1, %scan3A_2 : i32
    %scan3A_4 = arith.constant 1 : i32
    %scan3A_5 = scf.for %scan3A_29 = %scan3A_1 to %scan3A_3 step %scan3A_4 iter_args(%scan3A_30 = %scan3A) -> (i32)  : i32 {
      %broadcast_in_dim3A = arith.constant 0.000000e+00 : f32
      %broadcast_in_dim3A_31 = vector.broadcast %broadcast_in_dim3A : f32 to vector<16xf32>
      %mul3A_32 = arith.constant 16 : i32
      %mul3A_33 = arith.muli %scan3A_29, %mul3A_32 : i32
      %swap3A = arith.index_cast %mul3A_33 : i32 to index
      %swap3A_34 = tpu.vector_load %arg13[%swap3A] {strides = array<i32>} : memref<640xf32, #tpu.memory_space<vmem>>, vector<16xf32>,
      tpu.vector_store %arg13[%swap3A], %broadcast_in_dim3A_31 {strides = array<i32>} : memref<640xf32, #tpu.memory_space<vmem>>, vector<16xf32>,
      %scan3A_35 = arith.constant 0 : i32
      scf.yield %scan3A_35 : i32
    }
    %scan3A_6 = arith.constant 40 : i32
    "tpu.region"() ({
      %run_scoped3A_29 = tpu.sem_alloc : memref<!tpu.dma_semaphore, #tpu.memory_space<semaphore_mem>>
      %dma_start3A = tpu.memref_slice %arg14[%mul3A_0] : memref<10240xf32, #tpu.memory_space<vmem_shared>> -> memref<640xf32, #tpu.memory_space<vmem_shared>>
      %dma_start3A_30 = tpu.memref_slice %arg14[%mul3A_0] : memref<10240xf32, #tpu.memory_space<vmem_shared>> -> memref<640xf32, #tpu.memory_space<vmem_shared>>
      tpu.enqueue_dma source(%arg13 : memref<640xf32, #tpu.memory_space<vmem>>) target(%dma_start3A_30 : memref<640xf32, #tpu.memory_space<vmem_shared>>) target_semaphore(%run_scoped3A_29 : memref<!tpu.dma_semaphore, #tpu.memory_space<semaphore_mem>>)
      %dma_wait3A = tpu.memref_slice %arg14[%mul3A_0] : memref<10240xf32, #tpu.memory_space<vmem_shared>> -> memref<640xf32, #tpu.memory_space<vmem_shared>>
      %dma_wait3A_31 = tpu.memref_slice %arg14[%mul3A_0] : memref<10240xf32, #tpu.memory_space<vmem_shared>> -> memref<640xf32, #tpu.memory_space<vmem_shared>>
      tpu.wait_dma2 semaphore(%run_scoped3A_29 : memref<!tpu.dma_semaphore, #tpu.memory_space<semaphore_mem>>) src(%arg13 : memref<640xf32, #tpu.memory_space<vmem>>) dst(%dma_wait3A_31 : memref<640xf32, #tpu.memory_space<vmem_shared>>)
      tpu.yield
    }) : () -> ()
    %run_scoped3A = arith.constant 0 : i32
    "tpu.region"() ({
      %run_scoped3A_29 = tpu.sem_alloc : memref<!tpu.dma_semaphore, #tpu.memory_space<semaphore_mem>>
      %dma_start3A = arith.constant 0 : i32
      %dma_start3A_30 = tpu.memref_slice %arg4[%run_scoped3A, %dma_start3A] : memref<2x10240xf32, #tpu.memory_space<hbm>> -> memref<1x10240xf32, #tpu.memory_space<hbm>>
      %dma_start3A_31 = tpu.memref_squeeze %dma_start3A_30 : memref<1x10240xf32, #tpu.memory_space<hbm>> -> memref<10240xf32, #tpu.memory_space<hbm>>
      %dma_start3A_32 = arith.constant 0 : i32
      %dma_start3A_33 = tpu.memref_slice %arg4[%run_scoped3A, %dma_start3A_32] : memref<2x10240xf32, #tpu.memory_space<hbm>> -> memref<1x10240xf32, #tpu.memory_space<hbm>>
      %dma_start3A_34 = tpu.memref_squeeze %dma_start3A_33 : memref<1x10240xf32, #tpu.memory_space<hbm>> -> memref<10240xf32, #tpu.memory_space<hbm>>
      tpu.enqueue_dma source(%dma_start3A_34 : memref<10240xf32, #tpu.memory_space<hbm>>) target(%arg9 : memref<10240xf32, #tpu.memory_space<vmem>>) target_semaphore(%run_scoped3A_29 : memref<!tpu.dma_semaphore, #tpu.memory_space<semaphore_mem>>)
      %dma_wait3A = arith.constant 0 : i32
      %dma_wait3A_35 = tpu.memref_slice %arg4[%run_scoped3A, %dma_wait3A] : memref<2x10240xf32, #tpu.memory_space<hbm>> -> memref<1x10240xf32, #tpu.memory_space<hbm>>
      %dma_wait3A_36 = tpu.memref_squeeze %dma_wait3A_35 : memref<1x10240xf32, #tpu.memory_space<hbm>> -> memref<10240xf32, #tpu.memory_space<hbm>>
      %dma_wait3A_37 = arith.constant 0 : i32
      %dma_wait3A_38 = tpu.memref_slice %arg4[%run_scoped3A, %dma_wait3A_37] : memref<2x10240xf32, #tpu.memory_space<hbm>> -> memref<1x10240xf32, #tpu.memory_space<hbm>>
      %dma_wait3A_39 = tpu.memref_squeeze %dma_wait3A_38 : memref<1x10240xf32, #tpu.memory_space<hbm>> -> memref<10240xf32, #tpu.memory_space<hbm>>
      tpu.wait_dma2 semaphore(%run_scoped3A_29 : memref<!tpu.dma_semaphore, #tpu.memory_space<semaphore_mem>>) src(%dma_wait3A_39 : memref<10240xf32, #tpu.memory_space<hbm>>) dst(%arg9 : memref<10240xf32, #tpu.memory_space<vmem>>)
      tpu.yield
    }) : () -> ()
    %run_scoped3A_7 = arith.constant 1 : i32
    "tpu.region"() ({
      %run_scoped3A_29 = tpu.sem_alloc : memref<!tpu.dma_semaphore, #tpu.memory_space<semaphore_mem>>
      %dma_start3A = arith.constant 0 : i32
      %dma_start3A_30 = tpu.memref_slice %arg4[%run_scoped3A_7, %dma_start3A] : memref<2x10240xf32, #tpu.memory_space<hbm>> -> memref<1x10240xf32, #tpu.memory_space<hbm>>
      %dma_start3A_31 = tpu.memref_squeeze %dma_start3A_30 : memref<1x10240xf32, #tpu.memory_space<hbm>> -> memref<10240xf32, #tpu.memory_space<hbm>>
      %dma_start3A_32 = arith.constant 0 : i32
      %dma_start3A_33 = tpu.memref_slice %arg4[%run_scoped3A_7, %dma_start3A_32] : memref<2x10240xf32, #tpu.memory_space<hbm>> -> memref<1x10240xf32, #tpu.memory_space<hbm>>
      %dma_start3A_34 = tpu.memref_squeeze %dma_start3A_33 : memref<1x10240xf32, #tpu.memory_space<hbm>> -> memref<10240xf32, #tpu.memory_space<hbm>>
      tpu.enqueue_dma source(%dma_start3A_34 : memref<10240xf32, #tpu.memory_space<hbm>>) target(%arg10 : memref<10240xf32, #tpu.memory_space<vmem>>) target_semaphore(%run_scoped3A_29 : memref<!tpu.dma_semaphore, #tpu.memory_space<semaphore_mem>>)
      %dma_wait3A = arith.constant 0 : i32
      %dma_wait3A_35 = tpu.memref_slice %arg4[%run_scoped3A_7, %dma_wait3A] : memref<2x10240xf32, #tpu.memory_space<hbm>> -> memref<1x10240xf32, #tpu.memory_space<hbm>>
      %dma_wait3A_36 = tpu.memref_squeeze %dma_wait3A_35 : memref<1x10240xf32, #tpu.memory_space<hbm>> -> memref<10240xf32, #tpu.memory_space<hbm>>
      %dma_wait3A_37 = arith.constant 0 : i32
      %dma_wait3A_38 = tpu.memref_slice %arg4[%run_scoped3A_7, %dma_wait3A_37] : memref<2x10240xf32, #tpu.memory_space<hbm>> -> memref<1x10240xf32, #tpu.memory_space<hbm>>
      %dma_wait3A_39 = tpu.memref_squeeze %dma_wait3A_38 : memref<1x10240xf32, #tpu.memory_space<hbm>> -> memref<10240xf32, #tpu.memory_space<hbm>>
      tpu.wait_dma2 semaphore(%run_scoped3A_29 : memref<!tpu.dma_semaphore, #tpu.memory_space<semaphore_mem>>) src(%dma_wait3A_39 : memref<10240xf32, #tpu.memory_space<hbm>>) dst(%arg10 : memref<10240xf32, #tpu.memory_space<vmem>>)
      tpu.yield
    }) : () -> ()
    %scan3A_8 = arith.constant 0 : i32
    %scan3A_9 = arith.constant 0 : i32
    %scan3A_10 = arith.constant 640 : i32
    %scan3A_11 = arith.addi %scan3A_9, %scan3A_10 : i32
    %scan3A_12 = arith.constant 1 : i32
    %scan3A_13 = scf.for %scan3A_29 = %scan3A_9 to %scan3A_11 step %scan3A_12 iter_args(%scan3A_30 = %scan3A_8) -> (i32)  : i32 {
      %mul3A_31 = arith.constant 16 : i32
      %mul3A_32 = arith.muli %scan3A_29, %mul3A_31 : i32
      %get3A = arith.index_cast %mul3A_32 : i32 to index
      %get3A_33 = tpu.vector_load %arg9[%get3A] {strides = array<i32>} : memref<10240xf32, #tpu.memory_space<vmem>>, vector<16xf32>,
      %mul3A_34 = arith.constant 16 : i32
      %mul3A_35 = arith.muli %scan3A_29, %mul3A_34 : i32
      %get3A_36 = arith.index_cast %mul3A_35 : i32 to index
      %get3A_37 = tpu.vector_load %arg10[%get3A_36] {strides = array<i32>} : memref<10240xf32, #tpu.memory_space<vmem>>, vector<16xf32>,
      %add3A = arith.addf %get3A_33, %get3A_37 : vector<16xf32>
      %max3A = arith.constant 1.000000e+00 : f32
      %max3A_38 = vector.broadcast %max3A : f32 to vector<16xf32>
      %max3A_39 = arith.maximumf %add3A, %max3A_38 : vector<16xf32>
      %div3A = arith.constant 1.000000e+00 : f32
      %div3A_40 = vector.broadcast %div3A : f32 to vector<16xf32>
      %div3A_41 = arith.divf %div3A_40, %max3A_39 : vector<16xf32>
      %mul3A_42 = arith.constant 16 : i32
      %mul3A_43 = arith.muli %scan3A_29, %mul3A_42 : i32
      %swap3A = arith.index_cast %mul3A_43 : i32 to index
      %swap3A_44 = tpu.vector_load %arg11[%swap3A] {strides = array<i32>} : memref<10240xf32, #tpu.memory_space<vmem>>, vector<16xf32>,
      tpu.vector_store %arg11[%swap3A], %div3A_41 {strides = array<i32>} : memref<10240xf32, #tpu.memory_space<vmem>>, vector<16xf32>,
      %scan3A_45 = arith.constant 0 : i32
      scf.yield %scan3A_45 : i32
    }
    %scan3A_14 = arith.constant 640 : i32
    %mul3A_15 = arith.constant 80 : i32
    %mul3A_16 = arith.muli %arg0, %mul3A_15 : i32
    "tpu.region"() ({
      %run_scoped3A_29 = tpu.sem_alloc : memref<!tpu.dma_semaphore, #tpu.memory_space<semaphore_mem>>
      %dma_start3A = arith.constant 0 : i32
      %dma_start3A_30 = tpu.memref_slice %arg2[%arg1, %mul3A_16, %dma_start3A] : memref<16x160x128xi32, #tpu.memory_space<hbm>> -> memref<1x80x128xi32, #tpu.memory_space<hbm>>
      %dma_start3A_31 = tpu.memref_squeeze %dma_start3A_30 : memref<1x80x128xi32, #tpu.memory_space<hbm>> -> memref<80x128xi32, #tpu.memory_space<hbm>>
      %dma_start3A_32 = arith.constant 0 : i32
      %dma_start3A_33 = tpu.memref_slice %arg2[%arg1, %mul3A_16, %dma_start3A_32] : memref<16x160x128xi32, #tpu.memory_space<hbm>> -> memref<1x80x128xi32, #tpu.memory_space<hbm>>
      %dma_start3A_34 = tpu.memref_squeeze %dma_start3A_33 : memref<1x80x128xi32, #tpu.memory_space<hbm>> -> memref<80x128xi32, #tpu.memory_space<hbm>>
      tpu.enqueue_dma source(%dma_start3A_34 : memref<80x128xi32, #tpu.memory_space<hbm>>) target(%arg7 : memref<80x128xi32, #tpu.memory_space<vmem>>) target_semaphore(%run_scoped3A_29 : memref<!tpu.dma_semaphore, #tpu.memory_space<semaphore_mem>>)
      %dma_wait3A = arith.constant 0 : i32
      %dma_wait3A_35 = tpu.memref_slice %arg2[%arg1, %mul3A_16, %dma_wait3A] : memref<16x160x128xi32, #tpu.memory_space<hbm>> -> memref<1x80x128xi32, #tpu.memory_space<hbm>>
      %dma_wait3A_36 = tpu.memref_squeeze %dma_wait3A_35 : memref<1x80x128xi32, #tpu.memory_space<hbm>> -> memref<80x128xi32, #tpu.memory_space<hbm>>
      %dma_wait3A_37 = arith.constant 0 : i32
      %dma_wait3A_38 = tpu.memref_slice %arg2[%arg1, %mul3A_16, %dma_wait3A_37] : memref<16x160x128xi32, #tpu.memory_space<hbm>> -> memref<1x80x128xi32, #tpu.memory_space<hbm>>
      %dma_wait3A_39 = tpu.memref_squeeze %dma_wait3A_38 : memref<1x80x128xi32, #tpu.memory_space<hbm>> -> memref<80x128xi32, #tpu.memory_space<hbm>>
      tpu.wait_dma2 semaphore(%run_scoped3A_29 : memref<!tpu.dma_semaphore, #tpu.memory_space<semaphore_mem>>) src(%dma_wait3A_39 : memref<80x128xi32, #tpu.memory_space<hbm>>) dst(%arg7 : memref<80x128xi32, #tpu.memory_space<vmem>>)
      tpu.yield
    }) : () -> ()
    %mul3A_17 = arith.constant 80 : i32
    %mul3A_18 = arith.muli %arg0, %mul3A_17 : i32
    "tpu.region"() ({
      %run_scoped3A_29 = tpu.sem_alloc : memref<!tpu.dma_semaphore, #tpu.memory_space<semaphore_mem>>
      %dma_start3A = arith.constant 0 : i32
      %dma_start3A_30 = tpu.memref_slice %arg3[%arg1, %mul3A_18, %dma_start3A] : memref<16x160x128xi32, #tpu.memory_space<hbm>> -> memref<1x80x128xi32, #tpu.memory_space<hbm>>
      %dma_start3A_31 = tpu.memref_squeeze %dma_start3A_30 : memref<1x80x128xi32, #tpu.memory_space<hbm>> -> memref<80x128xi32, #tpu.memory_space<hbm>>
      %dma_start3A_32 = arith.constant 0 : i32
      %dma_start3A_33 = tpu.memref_slice %arg3[%arg1, %mul3A_18, %dma_start3A_32] : memref<16x160x128xi32, #tpu.memory_space<hbm>> -> memref<1x80x128xi32, #tpu.memory_space<hbm>>
      %dma_start3A_34 = tpu.memref_squeeze %dma_start3A_33 : memref<1x80x128xi32, #tpu.memory_space<hbm>> -> memref<80x128xi32, #tpu.memory_space<hbm>>
      tpu.enqueue_dma source(%dma_start3A_34 : memref<80x128xi32, #tpu.memory_space<hbm>>) target(%arg8 : memref<80x128xi32, #tpu.memory_space<vmem>>) target_semaphore(%run_scoped3A_29 : memref<!tpu.dma_semaphore, #tpu.memory_space<semaphore_mem>>)
      %dma_wait3A = arith.constant 0 : i32
      %dma_wait3A_35 = tpu.memref_slice %arg3[%arg1, %mul3A_18, %dma_wait3A] : memref<16x160x128xi32, #tpu.memory_space<hbm>> -> memref<1x80x128xi32, #tpu.memory_space<hbm>>
      %dma_wait3A_36 = tpu.memref_squeeze %dma_wait3A_35 : memref<1x80x128xi32, #tpu.memory_space<hbm>> -> memref<80x128xi32, #tpu.memory_space<hbm>>
      %dma_wait3A_37 = arith.constant 0 : i32
      %dma_wait3A_38 = tpu.memref_slice %arg3[%arg1, %mul3A_18, %dma_wait3A_37] : memref<16x160x128xi32, #tpu.memory_space<hbm>> -> memref<1x80x128xi32, #tpu.memory_space<hbm>>
      %dma_wait3A_39 = tpu.memref_squeeze %dma_wait3A_38 : memref<1x80x128xi32, #tpu.memory_space<hbm>> -> memref<80x128xi32, #tpu.memory_space<hbm>>
      tpu.wait_dma2 semaphore(%run_scoped3A_29 : memref<!tpu.dma_semaphore, #tpu.memory_space<semaphore_mem>>) src(%dma_wait3A_39 : memref<80x128xi32, #tpu.memory_space<hbm>>) dst(%arg8 : memref<80x128xi32, #tpu.memory_space<vmem>>)
      tpu.yield
    }) : () -> ()
    %barrier3A = arith.constant 0 : index
    tpu.barrier barrier_id(%barrier3A)
    %scan3A_19 = arith.constant 0 : i32
    %scan3A_20 = arith.constant 0 : i32
    %scan3A_21 = arith.constant 80 : i32
    %scan3A_22 = arith.addi %scan3A_20, %scan3A_21 : i32
    %scan3A_23 = arith.constant 1 : i32
    %scan3A_24 = scf.for %scan3A_29 = %scan3A_20 to %scan3A_22 step %scan3A_23 iter_args(%scan3A_30 = %scan3A_19) -> (i32)  : i32 {
      %get3A = arith.index_cast %scan3A_29 : i32 to index
      %get3A_31 = arith.constant 0 : index
      %get3A_32 = tpu.vector_load %arg8[%get3A, %get3A_31] {strides = array<i32>} : memref<80x128xi32, #tpu.memory_space<vmem>>, vector<16xi32>,
      %gather3A = tpu.vector_load_idx %arg11[%get3A_32] : memref<10240xf32, #tpu.memory_space<vmem>>[vector<16xi32>], vector<16xf32>,
      %swap3A = arith.constant 0 : index
      %swap3A_33 = tpu.vector_load %arg12[%swap3A] {strides = array<i32>} : memref<128xf32, #tpu.memory_space<vmem>>, vector<16xf32>,
      tpu.vector_store %arg12[%swap3A], %gather3A {strides = array<i32>} : memref<128xf32, #tpu.memory_space<vmem>>, vector<16xf32>,
      %get3A_34 = arith.index_cast %scan3A_29 : i32 to index
      %get3A_35 = arith.constant 16 : index
      %get3A_36 = tpu.vector_load %arg8[%get3A_34, %get3A_35] {strides = array<i32>} : memref<80x128xi32, #tpu.memory_space<vmem>>, vector<16xi32>,
      %gather3A_37 = tpu.vector_load_idx %arg11[%get3A_36] : memref<10240xf32, #tpu.memory_space<vmem>>[vector<16xi32>], vector<16xf32>,
      %swap3A_38 = arith.constant 16 : index
      %swap3A_39 = tpu.vector_load %arg12[%swap3A_38] {strides = array<i32>} : memref<128xf32, #tpu.memory_space<vmem>>, vector<16xf32>,
      tpu.vector_store %arg12[%swap3A_38], %gather3A_37 {strides = array<i32>} : memref<128xf32, #tpu.memory_space<vmem>>, vector<16xf32>,
      %get3A_40 = arith.index_cast %scan3A_29 : i32 to index
      %get3A_41 = arith.constant 32 : index
      %get3A_42 = tpu.vector_load %arg8[%get3A_40, %get3A_41] {strides = array<i32>} : memref<80x128xi32, #tpu.memory_space<vmem>>, vector<16xi32>,
      %gather3A_43 = tpu.vector_load_idx %arg11[%get3A_42] : memref<10240xf32, #tpu.memory_space<vmem>>[vector<16xi32>], vector<16xf32>,
      %swap3A_44 = arith.constant 32 : index
      %swap3A_45 = tpu.vector_load %arg12[%swap3A_44] {strides = array<i32>} : memref<128xf32, #tpu.memory_space<vmem>>, vector<16xf32>,
      tpu.vector_store %arg12[%swap3A_44], %gather3A_43 {strides = array<i32>} : memref<128xf32, #tpu.memory_space<vmem>>, vector<16xf32>,
      %get3A_46 = arith.index_cast %scan3A_29 : i32 to index
      %get3A_47 = arith.constant 48 : index
      %get3A_48 = tpu.vector_load %arg8[%get3A_46, %get3A_47] {strides = array<i32>} : memref<80x128xi32, #tpu.memory_space<vmem>>, vector<16xi32>,
      %gather3A_49 = tpu.vector_load_idx %arg11[%get3A_48] : memref<10240xf32, #tpu.memory_space<vmem>>[vector<16xi32>], vector<16xf32>,
      %swap3A_50 = arith.constant 48 : index
      %swap3A_51 = tpu.vector_load %arg12[%swap3A_50] {strides = array<i32>} : memref<128xf32, #tpu.memory_space<vmem>>, vector<16xf32>,
      tpu.vector_store %arg12[%swap3A_50], %gather3A_49 {strides = array<i32>} : memref<128xf32, #tpu.memory_space<vmem>>, vector<16xf32>,
      %get3A_52 = arith.index_cast %scan3A_29 : i32 to index
      %get3A_53 = arith.constant 64 : index
      %get3A_54 = tpu.vector_load %arg8[%get3A_52, %get3A_53] {strides = array<i32>} : memref<80x128xi32, #tpu.memory_space<vmem>>, vector<16xi32>,
      %gather3A_55 = tpu.vector_load_idx %arg11[%get3A_54] : memref<10240xf32, #tpu.memory_space<vmem>>[vector<16xi32>], vector<16xf32>,
      %swap3A_56 = arith.constant 64 : index
      %swap3A_57 = tpu.vector_load %arg12[%swap3A_56] {strides = array<i32>} : memref<128xf32, #tpu.memory_space<vmem>>, vector<16xf32>,
      tpu.vector_store %arg12[%swap3A_56], %gather3A_55 {strides = array<i32>} : memref<128xf32, #tpu.memory_space<vmem>>, vector<16xf32>,
      %get3A_58 = arith.index_cast %scan3A_29 : i32 to index
      %get3A_59 = arith.constant 80 : index
      %get3A_60 = tpu.vector_load %arg8[%get3A_58, %get3A_59] {strides = array<i32>} : memref<80x128xi32, #tpu.memory_space<vmem>>, vector<16xi32>,
      %gather3A_61 = tpu.vector_load_idx %arg11[%get3A_60] : memref<10240xf32, #tpu.memory_space<vmem>>[vector<16xi32>], vector<16xf32>,
      %swap3A_62 = arith.constant 80 : index
      %swap3A_63 = tpu.vector_load %arg12[%swap3A_62] {strides = array<i32>} : memref<128xf32, #tpu.memory_space<vmem>>, vector<16xf32>,
      tpu.vector_store %arg12[%swap3A_62], %gather3A_61 {strides = array<i32>} : memref<128xf32, #tpu.memory_space<vmem>>, vector<16xf32>,
      %get3A_64 = arith.index_cast %scan3A_29 : i32 to index
      %get3A_65 = arith.constant 96 : index
      %get3A_66 = tpu.vector_load %arg8[%get3A_64, %get3A_65] {strides = array<i32>} : memref<80x128xi32, #tpu.memory_space<vmem>>, vector<16xi32>,
      %gather3A_67 = tpu.vector_load_idx %arg11[%get3A_66] : memref<10240xf32, #tpu.memory_space<vmem>>[vector<16xi32>], vector<16xf32>,
      %swap3A_68 = arith.constant 96 : index
      %swap3A_69 = tpu.vector_load %arg12[%swap3A_68] {strides = array<i32>} : memref<128xf32, #tpu.memory_space<vmem>>, vector<16xf32>,
      tpu.vector_store %arg12[%swap3A_68], %gather3A_67 {strides = array<i32>} : memref<128xf32, #tpu.memory_space<vmem>>, vector<16xf32>,
      %get3A_70 = arith.index_cast %scan3A_29 : i32 to index
      %get3A_71 = arith.constant 112 : index
      %get3A_72 = tpu.vector_load %arg8[%get3A_70, %get3A_71] {strides = array<i32>} : memref<80x128xi32, #tpu.memory_space<vmem>>, vector<16xi32>,
      %gather3A_73 = tpu.vector_load_idx %arg11[%get3A_72] : memref<10240xf32, #tpu.memory_space<vmem>>[vector<16xi32>], vector<16xf32>,
      %swap3A_74 = arith.constant 112 : index
      %swap3A_75 = tpu.vector_load %arg12[%swap3A_74] {strides = array<i32>} : memref<128xf32, #tpu.memory_space<vmem>>, vector<16xf32>,
      tpu.vector_store %arg12[%swap3A_74], %gather3A_73 {strides = array<i32>} : memref<128xf32, #tpu.memory_space<vmem>>, vector<16xf32>,
      "tpu.region"() ({
        %run_scoped3A_77 = tpu.sem_alloc : memref<!tpu.dma_semaphore, #tpu.memory_space<semaphore_mem>>
        %dma_start3A = arith.constant 0 : i32
        %dma_start3A_78 = tpu.memref_slice %arg7[%scan3A_29, %dma_start3A] : memref<80x128xi32, #tpu.memory_space<vmem>> -> memref<1x128xi32, #tpu.memory_space<vmem>>
        %dma_start3A_79 = tpu.memref_squeeze %dma_start3A_78 : memref<1x128xi32, #tpu.memory_space<vmem>> -> memref<128xi32, #tpu.memory_space<vmem>>
        %dma_start3A_80 = arith.constant 0 : i32
        %dma_start3A_81 = tpu.memref_slice %arg14[%dma_start3A_80] : memref<10240xf32, #tpu.memory_space<vmem_shared>> -> memref<10240xf32, #tpu.memory_space<vmem_shared>>
        tpu.enqueue_indirect_dma source(%arg12 : memref<128xf32, #tpu.memory_space<vmem>>) target(%dma_start3A_81 : memref<10240xf32, #tpu.memory_space<vmem_shared>>) offsets(%dma_start3A_79 : memref<128xi32, #tpu.memory_space<vmem>>) semaphore(%run_scoped3A_77 : memref<!tpu.dma_semaphore, #tpu.memory_space<semaphore_mem>>) {add = true}
        %dma_wait3A = arith.constant 0 : i32
        %dma_wait3A_82 = tpu.memref_slice %arg7[%scan3A_29, %dma_wait3A] : memref<80x128xi32, #tpu.memory_space<vmem>> -> memref<1x128xi32, #tpu.memory_space<vmem>>
        %dma_wait3A_83 = tpu.memref_squeeze %dma_wait3A_82 : memref<1x128xi32, #tpu.memory_space<vmem>> -> memref<128xi32, #tpu.memory_space<vmem>>
        %dma_wait3A_84 = arith.constant 0 : i32
        %dma_wait3A_85 = tpu.memref_slice %arg14[%dma_wait3A_84] : memref<10240xf32, #tpu.memory_space<vmem_shared>> -> memref<10240xf32, #tpu.memory_space<vmem_shared>>
        tpu.wait_indirect_dma semaphore(%run_scoped3A_77 : memref<!tpu.dma_semaphore, #tpu.memory_space<semaphore_mem>>) src(%arg12 : memref<128xf32, #tpu.memory_space<vmem>>) dst(%dma_wait3A_85 : memref<10240xf32, #tpu.memory_space<vmem_shared>>)
        tpu.yield
      }) : () -> ()
      %scan3A_76 = arith.constant 0 : i32
      scf.yield %scan3A_76 : i32
    }
    %scan3A_25 = arith.constant 80 : i32
    %barrier3A_26 = arith.constant 0 : index
    tpu.barrier barrier_id(%barrier3A_26)
    "tpu.region"() ({
      %run_scoped3A_29 = tpu.sem_alloc : memref<!tpu.dma_semaphore, #tpu.memory_space<semaphore_mem>>
      %dma_start3A = tpu.memref_slice %arg6[%arg0, %mul3A_0] : memref<2x10240xf32, #tpu.memory_space<hbm>> -> memref<1x640xf32, #tpu.memory_space<hbm>>
      %dma_start3A_30 = tpu.memref_squeeze %dma_start3A : memref<1x640xf32, #tpu.memory_space<hbm>> -> memref<640xf32, #tpu.memory_space<hbm>>
      %dma_start3A_31 = tpu.memref_slice %arg14[%mul3A_0] : memref<10240xf32, #tpu.memory_space<vmem_shared>> -> memref<640xf32, #tpu.memory_space<vmem_shared>>
      tpu.enqueue_dma source(%dma_start3A_31 : memref<640xf32, #tpu.memory_space<vmem_shared>>) target(%dma_start3A_30 : memref<640xf32, #tpu.memory_space<hbm>>) target_semaphore(%run_scoped3A_29 : memref<!tpu.dma_semaphore, #tpu.memory_space<semaphore_mem>>)
      %dma_wait3A = tpu.memref_slice %arg6[%arg0, %mul3A_0] : memref<2x10240xf32, #tpu.memory_space<hbm>> -> memref<1x640xf32, #tpu.memory_space<hbm>>
      %dma_wait3A_32 = tpu.memref_squeeze %dma_wait3A : memref<1x640xf32, #tpu.memory_space<hbm>> -> memref<640xf32, #tpu.memory_space<hbm>>
      %dma_wait3A_33 = tpu.memref_slice %arg14[%mul3A_0] : memref<10240xf32, #tpu.memory_space<vmem_shared>> -> memref<640xf32, #tpu.memory_space<vmem_shared>>
      tpu.wait_dma2 semaphore(%run_scoped3A_29 : memref<!tpu.dma_semaphore, #tpu.memory_space<semaphore_mem>>) src(%dma_wait3A_33 : memref<640xf32, #tpu.memory_space<vmem_shared>>) dst(%dma_wait3A_32 : memref<640xf32, #tpu.memory_space<hbm>>)
      tpu.yield
    }) : () -> ()
    %eq3A = arith.constant 0 : i32
    %eq3A_27 = arith.cmpi eq, %arg0, %eq3A : i32
    %convert_element_type3A = arith.extui %eq3A_27 : i1 to i32
    %cond3A = arith.constant 0 : i32
    %cond3A_28 = arith.cmpi ne, %convert_element_type3A, %cond3A : i32
    scf.if %cond3A_28 {
      "tpu.region"() ({
        %run_scoped3A_29 = tpu.sem_alloc : memref<!tpu.dma_semaphore, #tpu.memory_space<semaphore_mem>>
        %dma_start3A = tpu.memref_slice %arg11[%mul3A_0] : memref<10240xf32, #tpu.memory_space<vmem>> -> memref<640xf32, #tpu.memory_space<vmem>>
        %dma_start3A_30 = tpu.memref_slice %arg5[%mul3A_0] : memref<10240xf32, #tpu.memory_space<hbm>> -> memref<640xf32, #tpu.memory_space<hbm>>
        %dma_start3A_31 = tpu.memref_slice %arg5[%mul3A_0] : memref<10240xf32, #tpu.memory_space<hbm>> -> memref<640xf32, #tpu.memory_space<hbm>>
        %dma_start3A_32 = tpu.memref_slice %arg11[%mul3A_0] : memref<10240xf32, #tpu.memory_space<vmem>> -> memref<640xf32, #tpu.memory_space<vmem>>
        tpu.enqueue_dma source(%dma_start3A_32 : memref<640xf32, #tpu.memory_space<vmem>>) target(%dma_start3A_31 : memref<640xf32, #tpu.memory_space<hbm>>) target_semaphore(%run_scoped3A_29 : memref<!tpu.dma_semaphore, #tpu.memory_space<semaphore_mem>>)
        %dma_wait3A = tpu.memref_slice %arg11[%mul3A_0] : memref<10240xf32, #tpu.memory_space<vmem>> -> memref<640xf32, #tpu.memory_space<vmem>>
        %dma_wait3A_33 = tpu.memref_slice %arg5[%mul3A_0] : memref<10240xf32, #tpu.memory_space<hbm>> -> memref<640xf32, #tpu.memory_space<hbm>>
        %dma_wait3A_34 = tpu.memref_slice %arg5[%mul3A_0] : memref<10240xf32, #tpu.memory_space<hbm>> -> memref<640xf32, #tpu.memory_space<hbm>>
        %dma_wait3A_35 = tpu.memref_slice %arg11[%mul3A_0] : memref<10240xf32, #tpu.memory_space<vmem>> -> memref<640xf32, #tpu.memory_space<vmem>>
        tpu.wait_dma2 semaphore(%run_scoped3A_29 : memref<!tpu.dma_semaphore, #tpu.memory_space<semaphore_mem>>) src(%dma_wait3A_35 : memref<640xf32, #tpu.memory_space<vmem>>) dst(%dma_wait3A_34 : memref<640xf32, #tpu.memory_space<hbm>>)
        tpu.yield
      }) : () -> ()
    } else {
    }
    return
  }
}

#map = affine_map<(d0, d1) -> (0, 0, 0)>
#map1 = affine_map<(d0, d1) -> (0, 0)>
module attributes {stable_mosaic.version = 14 : i64} {
  func.func @_sc_agg_body(%arg0: i32, %arg1: i32, %arg2: memref<16x160x128xi32, #tpu.memory_space<hbm>>, %arg3: memref<16x160x128xi32, #tpu.memory_space<hbm>>, %arg4: memref<10240x128xf32, #tpu.memory_space<hbm>>, %arg5: memref<2x10240xf32, #tpu.memory_space<hbm>>, %arg6: memref<2x10240x128xf32, #tpu.memory_space<hbm>>, %arg7: memref<40x128xi32, #tpu.memory_space<vmem>>, %arg8: memref<40x128xi32, #tpu.memory_space<vmem>>, %arg9: memref<128x128xf32, #tpu.memory_space<vmem>>, %arg10: memref<128x128xf32, #tpu.memory_space<vmem>>, %arg11: memref<128xf32, #tpu.memory_space<vmem>>, %arg12: memref<640xf32, #tpu.memory_space<vmem>>, %arg13: memref<10240xf32, #tpu.memory_space<vmem_shared>>, %arg14: memref<10240x128xf32, #tpu.memory_space<vmem_shared>>, %arg15: memref<!tpu.dma_semaphore, #tpu.memory_space<semaphore_mem>>, %arg16: memref<!tpu.dma_semaphore, #tpu.memory_space<semaphore_mem>>, %arg17: memref<!tpu.dma_semaphore, #tpu.memory_space<semaphore_mem>>, %arg18: memref<!tpu.dma_semaphore, #tpu.memory_space<semaphore_mem>>) attributes {dimension_semantics = [#tpu.dimension_semantics<core_parallel>, #tpu.dimension_semantics<subcore_parallel>], iteration_bounds = array<i64: 2, 16>, scalar_prefetch = 0 : i64, scratch_operands = 12 : i64, tpu.core_type = #tpu.core_type<sc_vector_subcore>, window_params = [{transform_indices = #map}, {transform_indices = #map}, {transform_indices = #map1}, {transform_indices = #map1}, {transform_indices = #map}]} {
    %mul3A = arith.constant 640 : i32
    %mul3A_0 = arith.muli %arg1, %mul3A : i32
    %broadcast_in_dim3A = arith.constant 1.000000e+00 : f32
    %broadcast_in_dim3A_1 = vector.broadcast %broadcast_in_dim3A : f32 to vector<16xf32>
    %swap3A = arith.constant 0 : index
    %swap3A_2 = tpu.vector_load %arg11[%swap3A] {strides = array<i32>} : memref<128xf32, #tpu.memory_space<vmem>>, vector<16xf32>,
    tpu.vector_store %arg11[%swap3A], %broadcast_in_dim3A_1 {strides = array<i32>} : memref<128xf32, #tpu.memory_space<vmem>>, vector<16xf32>,
    %broadcast_in_dim3A_3 = arith.constant 1.000000e+00 : f32
    %broadcast_in_dim3A_4 = vector.broadcast %broadcast_in_dim3A_3 : f32 to vector<16xf32>
    %swap3A_5 = arith.constant 16 : index
    %swap3A_6 = tpu.vector_load %arg11[%swap3A_5] {strides = array<i32>} : memref<128xf32, #tpu.memory_space<vmem>>, vector<16xf32>,
    tpu.vector_store %arg11[%swap3A_5], %broadcast_in_dim3A_4 {strides = array<i32>} : memref<128xf32, #tpu.memory_space<vmem>>, vector<16xf32>,
    %broadcast_in_dim3A_7 = arith.constant 1.000000e+00 : f32
    %broadcast_in_dim3A_8 = vector.broadcast %broadcast_in_dim3A_7 : f32 to vector<16xf32>
    %swap3A_9 = arith.constant 32 : index
    %swap3A_10 = tpu.vector_load %arg11[%swap3A_9] {strides = array<i32>} : memref<128xf32, #tpu.memory_space<vmem>>, vector<16xf32>,
    tpu.vector_store %arg11[%swap3A_9], %broadcast_in_dim3A_8 {strides = array<i32>} : memref<128xf32, #tpu.memory_space<vmem>>, vector<16xf32>,
    %broadcast_in_dim3A_11 = arith.constant 1.000000e+00 : f32
    %broadcast_in_dim3A_12 = vector.broadcast %broadcast_in_dim3A_11 : f32 to vector<16xf32>
    %swap3A_13 = arith.constant 48 : index
    %swap3A_14 = tpu.vector_load %arg11[%swap3A_13] {strides = array<i32>} : memref<128xf32, #tpu.memory_space<vmem>>, vector<16xf32>,
    tpu.vector_store %arg11[%swap3A_13], %broadcast_in_dim3A_12 {strides = array<i32>} : memref<128xf32, #tpu.memory_space<vmem>>, vector<16xf32>,
    %broadcast_in_dim3A_15 = arith.constant 1.000000e+00 : f32
    %broadcast_in_dim3A_16 = vector.broadcast %broadcast_in_dim3A_15 : f32 to vector<16xf32>
    %swap3A_17 = arith.constant 64 : index
    %swap3A_18 = tpu.vector_load %arg11[%swap3A_17] {strides = array<i32>} : memref<128xf32, #tpu.memory_space<vmem>>, vector<16xf32>,
    tpu.vector_store %arg11[%swap3A_17], %broadcast_in_dim3A_16 {strides = array<i32>} : memref<128xf32, #tpu.memory_space<vmem>>, vector<16xf32>,
    %broadcast_in_dim3A_19 = arith.constant 1.000000e+00 : f32
    %broadcast_in_dim3A_20 = vector.broadcast %broadcast_in_dim3A_19 : f32 to vector<16xf32>
    %swap3A_21 = arith.constant 80 : index
    %swap3A_22 = tpu.vector_load %arg11[%swap3A_21] {strides = array<i32>} : memref<128xf32, #tpu.memory_space<vmem>>, vector<16xf32>,
    tpu.vector_store %arg11[%swap3A_21], %broadcast_in_dim3A_20 {strides = array<i32>} : memref<128xf32, #tpu.memory_space<vmem>>, vector<16xf32>,
    %broadcast_in_dim3A_23 = arith.constant 1.000000e+00 : f32
    %broadcast_in_dim3A_24 = vector.broadcast %broadcast_in_dim3A_23 : f32 to vector<16xf32>
    %swap3A_25 = arith.constant 96 : index
    %swap3A_26 = tpu.vector_load %arg11[%swap3A_25] {strides = array<i32>} : memref<128xf32, #tpu.memory_space<vmem>>, vector<16xf32>,
    tpu.vector_store %arg11[%swap3A_25], %broadcast_in_dim3A_24 {strides = array<i32>} : memref<128xf32, #tpu.memory_space<vmem>>, vector<16xf32>,
    %broadcast_in_dim3A_27 = arith.constant 1.000000e+00 : f32
    %broadcast_in_dim3A_28 = vector.broadcast %broadcast_in_dim3A_27 : f32 to vector<16xf32>
    %swap3A_29 = arith.constant 112 : index
    %swap3A_30 = tpu.vector_load %arg11[%swap3A_29] {strides = array<i32>} : memref<128xf32, #tpu.memory_space<vmem>>, vector<16xf32>,
    tpu.vector_store %arg11[%swap3A_29], %broadcast_in_dim3A_28 {strides = array<i32>} : memref<128xf32, #tpu.memory_space<vmem>>, vector<16xf32>,
    %scan3A = arith.constant 0 : i32
    %scan3A_31 = arith.constant 0 : i32
    %scan3A_32 = arith.constant 128 : i32
    %scan3A_33 = arith.addi %scan3A_31, %scan3A_32 : i32
    %scan3A_34 = arith.constant 1 : i32
    %scan3A_35 = scf.for %scan3A_58 = %scan3A_31 to %scan3A_33 step %scan3A_34 iter_args(%scan3A_59 = %scan3A) -> (i32)  : i32 {
      %broadcast_in_dim3A_60 = arith.constant 0.000000e+00 : f32
      %broadcast_in_dim3A_61 = vector.broadcast %broadcast_in_dim3A_60 : f32 to vector<16xf32>
      %swap3A_62 = arith.index_cast %scan3A_58 : i32 to index
      %swap3A_63 = arith.constant 0 : index
      %swap3A_64 = tpu.vector_load %arg9[%swap3A_62, %swap3A_63] {strides = array<i32>} : memref<128x128xf32, #tpu.memory_space<vmem>>, vector<16xf32>,
      tpu.vector_store %arg9[%swap3A_62, %swap3A_63], %broadcast_in_dim3A_61 {strides = array<i32>} : memref<128x128xf32, #tpu.memory_space<vmem>>, vector<16xf32>,
      %broadcast_in_dim3A_65 = arith.constant 0.000000e+00 : f32
      %broadcast_in_dim3A_66 = vector.broadcast %broadcast_in_dim3A_65 : f32 to vector<16xf32>
      %swap3A_67 = arith.index_cast %scan3A_58 : i32 to index
      %swap3A_68 = arith.constant 16 : index
      %swap3A_69 = tpu.vector_load %arg9[%swap3A_67, %swap3A_68] {strides = array<i32>} : memref<128x128xf32, #tpu.memory_space<vmem>>, vector<16xf32>,
      tpu.vector_store %arg9[%swap3A_67, %swap3A_68], %broadcast_in_dim3A_66 {strides = array<i32>} : memref<128x128xf32, #tpu.memory_space<vmem>>, vector<16xf32>,
      %broadcast_in_dim3A_70 = arith.constant 0.000000e+00 : f32
      %broadcast_in_dim3A_71 = vector.broadcast %broadcast_in_dim3A_70 : f32 to vector<16xf32>
      %swap3A_72 = arith.index_cast %scan3A_58 : i32 to index
      %swap3A_73 = arith.constant 32 : index
      %swap3A_74 = tpu.vector_load %arg9[%swap3A_72, %swap3A_73] {strides = array<i32>} : memref<128x128xf32, #tpu.memory_space<vmem>>, vector<16xf32>,
      tpu.vector_store %arg9[%swap3A_72, %swap3A_73], %broadcast_in_dim3A_71 {strides = array<i32>} : memref<128x128xf32, #tpu.memory_space<vmem>>, vector<16xf32>,
      %broadcast_in_dim3A_75 = arith.constant 0.000000e+00 : f32
      %broadcast_in_dim3A_76 = vector.broadcast %broadcast_in_dim3A_75 : f32 to vector<16xf32>
      %swap3A_77 = arith.index_cast %scan3A_58 : i32 to index
      %swap3A_78 = arith.constant 48 : index
      %swap3A_79 = tpu.vector_load %arg9[%swap3A_77, %swap3A_78] {strides = array<i32>} : memref<128x128xf32, #tpu.memory_space<vmem>>, vector<16xf32>,
      tpu.vector_store %arg9[%swap3A_77, %swap3A_78], %broadcast_in_dim3A_76 {strides = array<i32>} : memref<128x128xf32, #tpu.memory_space<vmem>>, vector<16xf32>,
      %broadcast_in_dim3A_80 = arith.constant 0.000000e+00 : f32
      %broadcast_in_dim3A_81 = vector.broadcast %broadcast_in_dim3A_80 : f32 to vector<16xf32>
      %swap3A_82 = arith.index_cast %scan3A_58 : i32 to index
      %swap3A_83 = arith.constant 64 : index
      %swap3A_84 = tpu.vector_load %arg9[%swap3A_82, %swap3A_83] {strides = array<i32>} : memref<128x128xf32, #tpu.memory_space<vmem>>, vector<16xf32>,
      tpu.vector_store %arg9[%swap3A_82, %swap3A_83], %broadcast_in_dim3A_81 {strides = array<i32>} : memref<128x128xf32, #tpu.memory_space<vmem>>, vector<16xf32>,
      %broadcast_in_dim3A_85 = arith.constant 0.000000e+00 : f32
      %broadcast_in_dim3A_86 = vector.broadcast %broadcast_in_dim3A_85 : f32 to vector<16xf32>
      %swap3A_87 = arith.index_cast %scan3A_58 : i32 to index
      %swap3A_88 = arith.constant 80 : index
      %swap3A_89 = tpu.vector_load %arg9[%swap3A_87, %swap3A_88] {strides = array<i32>} : memref<128x128xf32, #tpu.memory_space<vmem>>, vector<16xf32>,
      tpu.vector_store %arg9[%swap3A_87, %swap3A_88], %broadcast_in_dim3A_86 {strides = array<i32>} : memref<128x128xf32, #tpu.memory_space<vmem>>, vector<16xf32>,
      %broadcast_in_dim3A_90 = arith.constant 0.000000e+00 : f32
      %broadcast_in_dim3A_91 = vector.broadcast %broadcast_in_dim3A_90 : f32 to vector<16xf32>
      %swap3A_92 = arith.index_cast %scan3A_58 : i32 to index
      %swap3A_93 = arith.constant 96 : index
      %swap3A_94 = tpu.vector_load %arg9[%swap3A_92, %swap3A_93] {strides = array<i32>} : memref<128x128xf32, #tpu.memory_space<vmem>>, vector<16xf32>,
      tpu.vector_store %arg9[%swap3A_92, %swap3A_93], %broadcast_in_dim3A_91 {strides = array<i32>} : memref<128x128xf32, #tpu.memory_space<vmem>>, vector<16xf32>,
      %broadcast_in_dim3A_95 = arith.constant 0.000000e+00 : f32
      %broadcast_in_dim3A_96 = vector.broadcast %broadcast_in_dim3A_95 : f32 to vector<16xf32>
      %swap3A_97 = arith.index_cast %scan3A_58 : i32 to index
      %swap3A_98 = arith.constant 112 : index
      %swap3A_99 = tpu.vector_load %arg9[%swap3A_97, %swap3A_98] {strides = array<i32>} : memref<128x128xf32, #tpu.memory_space<vmem>>, vector<16xf32>,
      tpu.vector_store %arg9[%swap3A_97, %swap3A_98], %broadcast_in_dim3A_96 {strides = array<i32>} : memref<128x128xf32, #tpu.memory_space<vmem>>, vector<16xf32>,
      %scan3A_100 = arith.constant 0 : i32
      scf.yield %scan3A_100 : i32
    }
    %scan3A_36 = arith.constant 128 : i32
    %scan3A_37 = arith.constant 0 : i32
    %scan3A_38 = arith.constant 0 : i32
    %scan3A_39 = arith.constant 40 : i32
    %scan3A_40 = arith.addi %scan3A_38, %scan3A_39 : i32
    %scan3A_41 = arith.constant 1 : i32
    %scan3A_42 = scf.for %scan3A_58 = %scan3A_38 to %scan3A_40 step %scan3A_41 iter_args(%scan3A_59 = %scan3A_37) -> (i32)  : i32 {
      %broadcast_in_dim3A_60 = arith.constant 0.000000e+00 : f32
      %broadcast_in_dim3A_61 = vector.broadcast %broadcast_in_dim3A_60 : f32 to vector<16xf32>
      %mul3A_62 = arith.constant 16 : i32
      %mul3A_63 = arith.muli %scan3A_58, %mul3A_62 : i32
      %swap3A_64 = arith.index_cast %mul3A_63 : i32 to index
      %swap3A_65 = tpu.vector_load %arg12[%swap3A_64] {strides = array<i32>} : memref<640xf32, #tpu.memory_space<vmem>>, vector<16xf32>,
      tpu.vector_store %arg12[%swap3A_64], %broadcast_in_dim3A_61 {strides = array<i32>} : memref<640xf32, #tpu.memory_space<vmem>>, vector<16xf32>,
      %scan3A_66 = arith.constant 0 : i32
      scf.yield %scan3A_66 : i32
    }
    %scan3A_43 = arith.constant 40 : i32
    "tpu.region"() ({
      %run_scoped3A = tpu.sem_alloc : memref<!tpu.dma_semaphore, #tpu.memory_space<semaphore_mem>>
      %dma_start3A = tpu.memref_slice %arg13[%mul3A_0] : memref<10240xf32, #tpu.memory_space<vmem_shared>> -> memref<640xf32, #tpu.memory_space<vmem_shared>>
      %dma_start3A_58 = tpu.memref_slice %arg13[%mul3A_0] : memref<10240xf32, #tpu.memory_space<vmem_shared>> -> memref<640xf32, #tpu.memory_space<vmem_shared>>
      tpu.enqueue_dma source(%arg12 : memref<640xf32, #tpu.memory_space<vmem>>) target(%dma_start3A_58 : memref<640xf32, #tpu.memory_space<vmem_shared>>) target_semaphore(%run_scoped3A : memref<!tpu.dma_semaphore, #tpu.memory_space<semaphore_mem>>)
      %dma_wait3A = tpu.memref_slice %arg13[%mul3A_0] : memref<10240xf32, #tpu.memory_space<vmem_shared>> -> memref<640xf32, #tpu.memory_space<vmem_shared>>
      %dma_wait3A_59 = tpu.memref_slice %arg13[%mul3A_0] : memref<10240xf32, #tpu.memory_space<vmem_shared>> -> memref<640xf32, #tpu.memory_space<vmem_shared>>
      tpu.wait_dma2 semaphore(%run_scoped3A : memref<!tpu.dma_semaphore, #tpu.memory_space<semaphore_mem>>) src(%arg12 : memref<640xf32, #tpu.memory_space<vmem>>) dst(%dma_wait3A_59 : memref<640xf32, #tpu.memory_space<vmem_shared>>)
      tpu.yield
    }) : () -> ()
    %scan3A_44 = arith.constant 0 : i32
    %scan3A_45 = arith.constant 0 : i32
    %scan3A_46 = arith.constant 5 : i32
    %scan3A_47 = arith.addi %scan3A_45, %scan3A_46 : i32
    %scan3A_48 = arith.constant 1 : i32
    %scan3A_49 = scf.for %scan3A_58 = %scan3A_45 to %scan3A_47 step %scan3A_48 iter_args(%scan3A_59 = %scan3A_44) -> (i32)  : i32 {
      %mul3A_60 = arith.constant 128 : i32
      %mul3A_61 = arith.muli %scan3A_58, %mul3A_60 : i32
      %add3A = arith.addi %mul3A_0, %mul3A_61 : i32
      "tpu.region"() ({
        %run_scoped3A = tpu.sem_alloc : memref<!tpu.dma_semaphore, #tpu.memory_space<semaphore_mem>>
        %dma_start3A = arith.constant 0 : i32
        %dma_start3A_63 = tpu.memref_slice %arg14[%add3A, %dma_start3A] : memref<10240x128xf32, #tpu.memory_space<vmem_shared>> -> memref<128x128xf32, #tpu.memory_space<vmem_shared>>
        %dma_start3A_64 = arith.constant 0 : i32
        %dma_start3A_65 = tpu.memref_slice %arg14[%add3A, %dma_start3A_64] : memref<10240x128xf32, #tpu.memory_space<vmem_shared>> -> memref<128x128xf32, #tpu.memory_space<vmem_shared>>
        tpu.enqueue_dma source(%arg9 : memref<128x128xf32, #tpu.memory_space<vmem>>) target(%dma_start3A_65 : memref<128x128xf32, #tpu.memory_space<vmem_shared>>) target_semaphore(%run_scoped3A : memref<!tpu.dma_semaphore, #tpu.memory_space<semaphore_mem>>)
        %dma_wait3A = arith.constant 0 : i32
        %dma_wait3A_66 = tpu.memref_slice %arg14[%add3A, %dma_wait3A] : memref<10240x128xf32, #tpu.memory_space<vmem_shared>> -> memref<128x128xf32, #tpu.memory_space<vmem_shared>>
        %dma_wait3A_67 = arith.constant 0 : i32
        %dma_wait3A_68 = tpu.memref_slice %arg14[%add3A, %dma_wait3A_67] : memref<10240x128xf32, #tpu.memory_space<vmem_shared>> -> memref<128x128xf32, #tpu.memory_space<vmem_shared>>
        tpu.wait_dma2 semaphore(%run_scoped3A : memref<!tpu.dma_semaphore, #tpu.memory_space<semaphore_mem>>) src(%arg9 : memref<128x128xf32, #tpu.memory_space<vmem>>) dst(%dma_wait3A_68 : memref<128x128xf32, #tpu.memory_space<vmem_shared>>)
        tpu.yield
      }) : () -> ()
      %scan3A_62 = arith.constant 0 : i32
      scf.yield %scan3A_62 : i32
    }
    %scan3A_50 = arith.constant 5 : i32
    %barrier3A = arith.constant 0 : index
    tpu.barrier barrier_id(%barrier3A)
    %eq3A = arith.constant 0 : i32
    %eq3A_51 = arith.cmpi eq, %arg0, %eq3A : i32
    %convert_element_type3A = arith.extui %eq3A_51 : i1 to i32
    %cond3A = arith.constant 0 : i32
    %cond3A_52 = arith.cmpi ne, %convert_element_type3A, %cond3A : i32
    scf.if %cond3A_52 {
      %dma_start3A = arith.constant 0 : i32
      %dma_start3A_58 = arith.constant 0 : i32
      %dma_start3A_59 = tpu.memref_slice %arg7[%dma_start3A, %dma_start3A_58] : memref<40x128xi32, #tpu.memory_space<vmem>> -> memref<40x128xi32, #tpu.memory_space<vmem>>
      %dma_start3A_60 = arith.constant 0 : i32
      %dma_start3A_61 = arith.constant 0 : i32
      %dma_start3A_62 = tpu.memref_slice %arg2[%arg1, %dma_start3A_60, %dma_start3A_61] : memref<16x160x128xi32, #tpu.memory_space<hbm>> -> memref<1x40x128xi32, #tpu.memory_space<hbm>>
      %dma_start3A_63 = tpu.memref_squeeze %dma_start3A_62 : memref<1x40x128xi32, #tpu.memory_space<hbm>> -> memref<40x128xi32, #tpu.memory_space<hbm>>
      %dma_start3A_64 = arith.constant 0 : i32
      %dma_start3A_65 = arith.constant 0 : i32
      %dma_start3A_66 = tpu.memref_slice %arg7[%dma_start3A_64, %dma_start3A_65] : memref<40x128xi32, #tpu.memory_space<vmem>> -> memref<40x128xi32, #tpu.memory_space<vmem>>
      %dma_start3A_67 = arith.constant 0 : i32
      %dma_start3A_68 = arith.constant 0 : i32
      %dma_start3A_69 = tpu.memref_slice %arg2[%arg1, %dma_start3A_67, %dma_start3A_68] : memref<16x160x128xi32, #tpu.memory_space<hbm>> -> memref<1x40x128xi32, #tpu.memory_space<hbm>>
      %dma_start3A_70 = tpu.memref_squeeze %dma_start3A_69 : memref<1x40x128xi32, #tpu.memory_space<hbm>> -> memref<40x128xi32, #tpu.memory_space<hbm>>
      tpu.enqueue_dma source(%dma_start3A_70 : memref<40x128xi32, #tpu.memory_space<hbm>>) target(%dma_start3A_66 : memref<40x128xi32, #tpu.memory_space<vmem>>) target_semaphore(%arg18 : memref<!tpu.dma_semaphore, #tpu.memory_space<semaphore_mem>>)
      %dma_start3A_71 = arith.constant 0 : i32
      %dma_start3A_72 = arith.constant 0 : i32
      %dma_start3A_73 = tpu.memref_slice %arg8[%dma_start3A_71, %dma_start3A_72] : memref<40x128xi32, #tpu.memory_space<vmem>> -> memref<40x128xi32, #tpu.memory_space<vmem>>
      %dma_start3A_74 = arith.constant 0 : i32
      %dma_start3A_75 = arith.constant 0 : i32
      %dma_start3A_76 = tpu.memref_slice %arg3[%arg1, %dma_start3A_74, %dma_start3A_75] : memref<16x160x128xi32, #tpu.memory_space<hbm>> -> memref<1x40x128xi32, #tpu.memory_space<hbm>>
      %dma_start3A_77 = tpu.memref_squeeze %dma_start3A_76 : memref<1x40x128xi32, #tpu.memory_space<hbm>> -> memref<40x128xi32, #tpu.memory_space<hbm>>
      %dma_start3A_78 = arith.constant 0 : i32
      %dma_start3A_79 = arith.constant 0 : i32
      %dma_start3A_80 = tpu.memref_slice %arg8[%dma_start3A_78, %dma_start3A_79] : memref<40x128xi32, #tpu.memory_space<vmem>> -> memref<40x128xi32, #tpu.memory_space<vmem>>
      %dma_start3A_81 = arith.constant 0 : i32
      %dma_start3A_82 = arith.constant 0 : i32
      %dma_start3A_83 = tpu.memref_slice %arg3[%arg1, %dma_start3A_81, %dma_start3A_82] : memref<16x160x128xi32, #tpu.memory_space<hbm>> -> memref<1x40x128xi32, #tpu.memory_space<hbm>>
      %dma_start3A_84 = tpu.memref_squeeze %dma_start3A_83 : memref<1x40x128xi32, #tpu.memory_space<hbm>> -> memref<40x128xi32, #tpu.memory_space<hbm>>
      tpu.enqueue_dma source(%dma_start3A_84 : memref<40x128xi32, #tpu.memory_space<hbm>>) target(%dma_start3A_80 : memref<40x128xi32, #tpu.memory_space<vmem>>) target_semaphore(%arg18 : memref<!tpu.dma_semaphore, #tpu.memory_space<semaphore_mem>>)
      %dma_wait3A = arith.constant 0 : i32
      %dma_wait3A_85 = arith.constant 0 : i32
      %dma_wait3A_86 = tpu.memref_slice %arg7[%dma_wait3A, %dma_wait3A_85] : memref<40x128xi32, #tpu.memory_space<vmem>> -> memref<40x128xi32, #tpu.memory_space<vmem>>
      %dma_wait3A_87 = arith.constant 0 : i32
      %dma_wait3A_88 = arith.constant 0 : i32
      %dma_wait3A_89 = tpu.memref_slice %arg2[%arg1, %dma_wait3A_87, %dma_wait3A_88] : memref<16x160x128xi32, #tpu.memory_space<hbm>> -> memref<1x40x128xi32, #tpu.memory_space<hbm>>
      %dma_wait3A_90 = tpu.memref_squeeze %dma_wait3A_89 : memref<1x40x128xi32, #tpu.memory_space<hbm>> -> memref<40x128xi32, #tpu.memory_space<hbm>>
      %dma_wait3A_91 = arith.constant 0 : i32
      %dma_wait3A_92 = arith.constant 0 : i32
      %dma_wait3A_93 = tpu.memref_slice %arg7[%dma_wait3A_91, %dma_wait3A_92] : memref<40x128xi32, #tpu.memory_space<vmem>> -> memref<40x128xi32, #tpu.memory_space<vmem>>
      %dma_wait3A_94 = arith.constant 0 : i32
      %dma_wait3A_95 = arith.constant 0 : i32
      %dma_wait3A_96 = tpu.memref_slice %arg2[%arg1, %dma_wait3A_94, %dma_wait3A_95] : memref<16x160x128xi32, #tpu.memory_space<hbm>> -> memref<1x40x128xi32, #tpu.memory_space<hbm>>
      %dma_wait3A_97 = tpu.memref_squeeze %dma_wait3A_96 : memref<1x40x128xi32, #tpu.memory_space<hbm>> -> memref<40x128xi32, #tpu.memory_space<hbm>>
      tpu.wait_dma2 semaphore(%arg18 : memref<!tpu.dma_semaphore, #tpu.memory_space<semaphore_mem>>) src(%dma_wait3A_97 : memref<40x128xi32, #tpu.memory_space<hbm>>) dst(%dma_wait3A_93 : memref<40x128xi32, #tpu.memory_space<vmem>>)
      %dma_wait3A_98 = arith.constant 0 : i32
      %dma_wait3A_99 = arith.constant 0 : i32
      %dma_wait3A_100 = tpu.memref_slice %arg8[%dma_wait3A_98, %dma_wait3A_99] : memref<40x128xi32, #tpu.memory_space<vmem>> -> memref<40x128xi32, #tpu.memory_space<vmem>>
      %dma_wait3A_101 = arith.constant 0 : i32
      %dma_wait3A_102 = arith.constant 0 : i32
      %dma_wait3A_103 = tpu.memref_slice %arg3[%arg1, %dma_wait3A_101, %dma_wait3A_102] : memref<16x160x128xi32, #tpu.memory_space<hbm>> -> memref<1x40x128xi32, #tpu.memory_space<hbm>>
      %dma_wait3A_104 = tpu.memref_squeeze %dma_wait3A_103 : memref<1x40x128xi32, #tpu.memory_space<hbm>> -> memref<40x128xi32, #tpu.memory_space<hbm>>
      %dma_wait3A_105 = arith.constant 0 : i32
      %dma_wait3A_106 = arith.constant 0 : i32
      %dma_wait3A_107 = tpu.memref_slice %arg8[%dma_wait3A_105, %dma_wait3A_106] : memref<40x128xi32, #tpu.memory_space<vmem>> -> memref<40x128xi32, #tpu.memory_space<vmem>>
      %dma_wait3A_108 = arith.constant 0 : i32
      %dma_wait3A_109 = arith.constant 0 : i32
      %dma_wait3A_110 = tpu.memref_slice %arg3[%arg1, %dma_wait3A_108, %dma_wait3A_109] : memref<16x160x128xi32, #tpu.memory_space<hbm>> -> memref<1x40x128xi32, #tpu.memory_space<hbm>>
      %dma_wait3A_111 = tpu.memref_squeeze %dma_wait3A_110 : memref<1x40x128xi32, #tpu.memory_space<hbm>> -> memref<40x128xi32, #tpu.memory_space<hbm>>
      tpu.wait_dma2 semaphore(%arg18 : memref<!tpu.dma_semaphore, #tpu.memory_space<semaphore_mem>>) src(%dma_wait3A_111 : memref<40x128xi32, #tpu.memory_space<hbm>>) dst(%dma_wait3A_107 : memref<40x128xi32, #tpu.memory_space<vmem>>)
      %dma_start3A_112 = arith.constant 0 : i32
      %dma_start3A_113 = arith.constant 0 : i32
      %dma_start3A_114 = tpu.memref_slice %arg7[%dma_start3A_112, %dma_start3A_113] : memref<40x128xi32, #tpu.memory_space<vmem>> -> memref<1x128xi32, #tpu.memory_space<vmem>>
      %dma_start3A_115 = tpu.memref_squeeze %dma_start3A_114 : memref<1x128xi32, #tpu.memory_space<vmem>> -> memref<128xi32, #tpu.memory_space<vmem>>
      %dma_start3A_116 = arith.constant 0 : i32
      %dma_start3A_117 = arith.constant 0 : i32
      %dma_start3A_118 = tpu.memref_slice %arg4[%dma_start3A_116, %dma_start3A_117] : memref<10240x128xf32, #tpu.memory_space<hbm>> -> memref<10240x128xf32, #tpu.memory_space<hbm>>
      tpu.enqueue_indirect_dma source(%dma_start3A_118 : memref<10240x128xf32, #tpu.memory_space<hbm>>) target(%arg9 : memref<128x128xf32, #tpu.memory_space<vmem>>) offsets(%dma_start3A_115 : memref<128xi32, #tpu.memory_space<vmem>>) semaphore(%arg15 : memref<!tpu.dma_semaphore, #tpu.memory_space<semaphore_mem>>)
      %dma_start3A_119 = arith.constant 1 : i32
      %dma_start3A_120 = arith.constant 0 : i32
      %dma_start3A_121 = tpu.memref_slice %arg7[%dma_start3A_119, %dma_start3A_120] : memref<40x128xi32, #tpu.memory_space<vmem>> -> memref<1x128xi32, #tpu.memory_space<vmem>>
      %dma_start3A_122 = tpu.memref_squeeze %dma_start3A_121 : memref<1x128xi32, #tpu.memory_space<vmem>> -> memref<128xi32, #tpu.memory_space<vmem>>
      %dma_start3A_123 = arith.constant 0 : i32
      %dma_start3A_124 = arith.constant 0 : i32
      %dma_start3A_125 = tpu.memref_slice %arg4[%dma_start3A_123, %dma_start3A_124] : memref<10240x128xf32, #tpu.memory_space<hbm>> -> memref<10240x128xf32, #tpu.memory_space<hbm>>
      tpu.enqueue_indirect_dma source(%dma_start3A_125 : memref<10240x128xf32, #tpu.memory_space<hbm>>) target(%arg10 : memref<128x128xf32, #tpu.memory_space<vmem>>) offsets(%dma_start3A_122 : memref<128xi32, #tpu.memory_space<vmem>>) semaphore(%arg16 : memref<!tpu.dma_semaphore, #tpu.memory_space<semaphore_mem>>)
      %scan3A_126 = arith.constant 0 : i32
      %scan3A_127 = arith.constant 0 : i32
      %scan3A_128 = arith.constant 20 : i32
      %scan3A_129 = arith.addi %scan3A_127, %scan3A_128 : i32
      %scan3A_130 = arith.constant 1 : i32
      %scan3A_131 = scf.for %scan3A_287 = %scan3A_127 to %scan3A_129 step %scan3A_130 iter_args(%scan3A_288 = %scan3A_126) -> (i32)  : i32 {
        %mul3A_289 = arith.constant 2 : i32
        %mul3A_290 = arith.muli %mul3A_289, %scan3A_287 : i32
        %dma_wait3A_291 = arith.constant 0 : i32
        %dma_wait3A_292 = tpu.memref_slice %arg7[%mul3A_290, %dma_wait3A_291] : memref<40x128xi32, #tpu.memory_space<vmem>> -> memref<1x128xi32, #tpu.memory_space<vmem>>
        %dma_wait3A_293 = tpu.memref_squeeze %dma_wait3A_292 : memref<1x128xi32, #tpu.memory_space<vmem>> -> memref<128xi32, #tpu.memory_space<vmem>>
        %dma_wait3A_294 = arith.constant 0 : i32
        %dma_wait3A_295 = arith.constant 0 : i32
        %dma_wait3A_296 = tpu.memref_slice %arg4[%dma_wait3A_294, %dma_wait3A_295] : memref<10240x128xf32, #tpu.memory_space<hbm>> -> memref<10240x128xf32, #tpu.memory_space<hbm>>
        tpu.wait_indirect_dma semaphore(%arg15 : memref<!tpu.dma_semaphore, #tpu.memory_space<semaphore_mem>>) src(%dma_wait3A_296 : memref<10240x128xf32, #tpu.memory_space<hbm>>) dst(%arg9 : memref<128x128xf32, #tpu.memory_space<vmem>>)
        %dma_start3A_297 = arith.constant 0 : i32
        %dma_start3A_298 = tpu.memref_slice %arg8[%mul3A_290, %dma_start3A_297] : memref<40x128xi32, #tpu.memory_space<vmem>> -> memref<1x128xi32, #tpu.memory_space<vmem>>
        %dma_start3A_299 = tpu.memref_squeeze %dma_start3A_298 : memref<1x128xi32, #tpu.memory_space<vmem>> -> memref<128xi32, #tpu.memory_space<vmem>>
        %dma_start3A_300 = arith.constant 0 : i32
        %dma_start3A_301 = tpu.memref_slice %arg13[%dma_start3A_300] : memref<10240xf32, #tpu.memory_space<vmem_shared>> -> memref<10240xf32, #tpu.memory_space<vmem_shared>>
        tpu.enqueue_indirect_dma source(%arg11 : memref<128xf32, #tpu.memory_space<vmem>>) target(%dma_start3A_301 : memref<10240xf32, #tpu.memory_space<vmem_shared>>) offsets(%dma_start3A_299 : memref<128xi32, #tpu.memory_space<vmem>>) semaphore(%arg17 : memref<!tpu.dma_semaphore, #tpu.memory_space<semaphore_mem>>) {add = true}
        "tpu.region"() ({
          %run_scoped3A = tpu.sem_alloc : memref<!tpu.dma_semaphore, #tpu.memory_space<semaphore_mem>>
          %dma_start3A_340 = arith.constant 0 : i32
          %dma_start3A_341 = tpu.memref_slice %arg8[%mul3A_290, %dma_start3A_340] : memref<40x128xi32, #tpu.memory_space<vmem>> -> memref<1x128xi32, #tpu.memory_space<vmem>>
          %dma_start3A_342 = tpu.memref_squeeze %dma_start3A_341 : memref<1x128xi32, #tpu.memory_space<vmem>> -> memref<128xi32, #tpu.memory_space<vmem>>
          %dma_start3A_343 = arith.constant 0 : i32
          %dma_start3A_344 = arith.constant 0 : i32
          %dma_start3A_345 = tpu.memref_slice %arg14[%dma_start3A_343, %dma_start3A_344] : memref<10240x128xf32, #tpu.memory_space<vmem_shared>> -> memref<10240x128xf32, #tpu.memory_space<vmem_shared>>
          tpu.enqueue_indirect_dma source(%arg9 : memref<128x128xf32, #tpu.memory_space<vmem>>) target(%dma_start3A_345 : memref<10240x128xf32, #tpu.memory_space<vmem_shared>>) offsets(%dma_start3A_342 : memref<128xi32, #tpu.memory_space<vmem>>) semaphore(%run_scoped3A : memref<!tpu.dma_semaphore, #tpu.memory_space<semaphore_mem>>) {add = true}
          %dma_wait3A_346 = arith.constant 0 : i32
          %dma_wait3A_347 = tpu.memref_slice %arg8[%mul3A_290, %dma_wait3A_346] : memref<40x128xi32, #tpu.memory_space<vmem>> -> memref<1x128xi32, #tpu.memory_space<vmem>>
          %dma_wait3A_348 = tpu.memref_squeeze %dma_wait3A_347 : memref<1x128xi32, #tpu.memory_space<vmem>> -> memref<128xi32, #tpu.memory_space<vmem>>
          %dma_wait3A_349 = arith.constant 0 : i32
          %dma_wait3A_350 = arith.constant 0 : i32
          %dma_wait3A_351 = tpu.memref_slice %arg14[%dma_wait3A_349, %dma_wait3A_350] : memref<10240x128xf32, #tpu.memory_space<vmem_shared>> -> memref<10240x128xf32, #tpu.memory_space<vmem_shared>>
          tpu.wait_indirect_dma semaphore(%run_scoped3A : memref<!tpu.dma_semaphore, #tpu.memory_space<semaphore_mem>>) src(%arg9 : memref<128x128xf32, #tpu.memory_space<vmem>>) dst(%dma_wait3A_351 : memref<10240x128xf32, #tpu.memory_space<vmem_shared>>)
          tpu.yield
        }) : () -> ()
        %dma_wait3A_302 = arith.constant 0 : i32
        %dma_wait3A_303 = tpu.memref_slice %arg8[%mul3A_290, %dma_wait3A_302] : memref<40x128xi32, #tpu.memory_space<vmem>> -> memref<1x128xi32, #tpu.memory_space<vmem>>
        %dma_wait3A_304 = tpu.memref_squeeze %dma_wait3A_303 : memref<1x128xi32, #tpu.memory_space<vmem>> -> memref<128xi32, #tpu.memory_space<vmem>>
        %dma_wait3A_305 = arith.constant 0 : i32
        %dma_wait3A_306 = tpu.memref_slice %arg13[%dma_wait3A_305] : memref<10240xf32, #tpu.memory_space<vmem_shared>> -> memref<10240xf32, #tpu.memory_space<vmem_shared>>
        tpu.wait_indirect_dma semaphore(%arg17 : memref<!tpu.dma_semaphore, #tpu.memory_space<semaphore_mem>>) src(%arg11 : memref<128xf32, #tpu.memory_space<vmem>>) dst(%dma_wait3A_306 : memref<10240xf32, #tpu.memory_space<vmem_shared>>)
        %add3A = arith.constant 2 : i32
        %add3A_307 = arith.addi %mul3A_290, %add3A : i32
        %lt3A = arith.constant 40 : i32
        %lt3A_308 = arith.cmpi slt, %add3A_307, %lt3A : i32
        %convert_element_type3A_309 = arith.extui %lt3A_308 : i1 to i32
        %cond3A_310 = arith.constant 0 : i32
        %cond3A_311 = arith.cmpi ne, %convert_element_type3A_309, %cond3A_310 : i32
        scf.if %cond3A_311 {
          %add3A_340 = arith.constant 2 : i32
          %add3A_341 = arith.addi %mul3A_290, %add3A_340 : i32
          %dma_start3A_342 = arith.constant 0 : i32
          %dma_start3A_343 = tpu.memref_slice %arg7[%add3A_341, %dma_start3A_342] : memref<40x128xi32, #tpu.memory_space<vmem>> -> memref<1x128xi32, #tpu.memory_space<vmem>>
          %dma_start3A_344 = tpu.memref_squeeze %dma_start3A_343 : memref<1x128xi32, #tpu.memory_space<vmem>> -> memref<128xi32, #tpu.memory_space<vmem>>
          %dma_start3A_345 = arith.constant 0 : i32
          %dma_start3A_346 = arith.constant 0 : i32
          %dma_start3A_347 = tpu.memref_slice %arg4[%dma_start3A_345, %dma_start3A_346] : memref<10240x128xf32, #tpu.memory_space<hbm>> -> memref<10240x128xf32, #tpu.memory_space<hbm>>
          tpu.enqueue_indirect_dma source(%dma_start3A_347 : memref<10240x128xf32, #tpu.memory_space<hbm>>) target(%arg9 : memref<128x128xf32, #tpu.memory_space<vmem>>) offsets(%dma_start3A_344 : memref<128xi32, #tpu.memory_space<vmem>>) semaphore(%arg15 : memref<!tpu.dma_semaphore, #tpu.memory_space<semaphore_mem>>)
        } else {
        }
        %add3A_312 = arith.constant 1 : i32
        %add3A_313 = arith.addi %mul3A_290, %add3A_312 : i32
        %dma_wait3A_314 = arith.constant 0 : i32
        %dma_wait3A_315 = tpu.memref_slice %arg7[%add3A_313, %dma_wait3A_314] : memref<40x128xi32, #tpu.memory_space<vmem>> -> memref<1x128xi32, #tpu.memory_space<vmem>>
        %dma_wait3A_316 = tpu.memref_squeeze %dma_wait3A_315 : memref<1x128xi32, #tpu.memory_space<vmem>> -> memref<128xi32, #tpu.memory_space<vmem>>
        %dma_wait3A_317 = arith.constant 0 : i32
        %dma_wait3A_318 = arith.constant 0 : i32
        %dma_wait3A_319 = tpu.memref_slice %arg4[%dma_wait3A_317, %dma_wait3A_318] : memref<10240x128xf32, #tpu.memory_space<hbm>> -> memref<10240x128xf32, #tpu.memory_space<hbm>>
        tpu.wait_indirect_dma semaphore(%arg16 : memref<!tpu.dma_semaphore, #tpu.memory_space<semaphore_mem>>) src(%dma_wait3A_319 : memref<10240x128xf32, #tpu.memory_space<hbm>>) dst(%arg10 : memref<128x128xf32, #tpu.memory_space<vmem>>)
        %add3A_320 = arith.constant 1 : i32
        %add3A_321 = arith.addi %mul3A_290, %add3A_320 : i32
        %dma_start3A_322 = arith.constant 0 : i32
        %dma_start3A_323 = tpu.memref_slice %arg8[%add3A_321, %dma_start3A_322] : memref<40x128xi32, #tpu.memory_space<vmem>> -> memref<1x128xi32, #tpu.memory_space<vmem>>
        %dma_start3A_324 = tpu.memref_squeeze %dma_start3A_323 : memref<1x128xi32, #tpu.memory_space<vmem>> -> memref<128xi32, #tpu.memory_space<vmem>>
        %dma_start3A_325 = arith.constant 0 : i32
        %dma_start3A_326 = tpu.memref_slice %arg13[%dma_start3A_325] : memref<10240xf32, #tpu.memory_space<vmem_shared>> -> memref<10240xf32, #tpu.memory_space<vmem_shared>>
        tpu.enqueue_indirect_dma source(%arg11 : memref<128xf32, #tpu.memory_space<vmem>>) target(%dma_start3A_326 : memref<10240xf32, #tpu.memory_space<vmem_shared>>) offsets(%dma_start3A_324 : memref<128xi32, #tpu.memory_space<vmem>>) semaphore(%arg17 : memref<!tpu.dma_semaphore, #tpu.memory_space<semaphore_mem>>) {add = true}
        "tpu.region"() ({
          %run_scoped3A = tpu.sem_alloc : memref<!tpu.dma_semaphore, #tpu.memory_space<semaphore_mem>>
          %dma_start3A_340 = arith.constant 0 : i32
          %dma_start3A_341 = tpu.memref_slice %arg8[%add3A_321, %dma_start3A_340] : memref<40x128xi32, #tpu.memory_space<vmem>> -> memref<1x128xi32, #tpu.memory_space<vmem>>
          %dma_start3A_342 = tpu.memref_squeeze %dma_start3A_341 : memref<1x128xi32, #tpu.memory_space<vmem>> -> memref<128xi32, #tpu.memory_space<vmem>>
          %dma_start3A_343 = arith.constant 0 : i32
          %dma_start3A_344 = arith.constant 0 : i32
          %dma_start3A_345 = tpu.memref_slice %arg14[%dma_start3A_343, %dma_start3A_344] : memref<10240x128xf32, #tpu.memory_space<vmem_shared>> -> memref<10240x128xf32, #tpu.memory_space<vmem_shared>>
          tpu.enqueue_indirect_dma source(%arg10 : memref<128x128xf32, #tpu.memory_space<vmem>>) target(%dma_start3A_345 : memref<10240x128xf32, #tpu.memory_space<vmem_shared>>) offsets(%dma_start3A_342 : memref<128xi32, #tpu.memory_space<vmem>>) semaphore(%run_scoped3A : memref<!tpu.dma_semaphore, #tpu.memory_space<semaphore_mem>>) {add = true}
          %dma_wait3A_346 = arith.constant 0 : i32
          %dma_wait3A_347 = tpu.memref_slice %arg8[%add3A_321, %dma_wait3A_346] : memref<40x128xi32, #tpu.memory_space<vmem>> -> memref<1x128xi32, #tpu.memory_space<vmem>>
          %dma_wait3A_348 = tpu.memref_squeeze %dma_wait3A_347 : memref<1x128xi32, #tpu.memory_space<vmem>> -> memref<128xi32, #tpu.memory_space<vmem>>
          %dma_wait3A_349 = arith.constant 0 : i32
          %dma_wait3A_350 = arith.constant 0 : i32
          %dma_wait3A_351 = tpu.memref_slice %arg14[%dma_wait3A_349, %dma_wait3A_350] : memref<10240x128xf32, #tpu.memory_space<vmem_shared>> -> memref<10240x128xf32, #tpu.memory_space<vmem_shared>>
          tpu.wait_indirect_dma semaphore(%run_scoped3A : memref<!tpu.dma_semaphore, #tpu.memory_space<semaphore_mem>>) src(%arg10 : memref<128x128xf32, #tpu.memory_space<vmem>>) dst(%dma_wait3A_351 : memref<10240x128xf32, #tpu.memory_space<vmem_shared>>)
          tpu.yield
        }) : () -> ()
        %dma_wait3A_327 = arith.constant 0 : i32
        %dma_wait3A_328 = tpu.memref_slice %arg8[%add3A_321, %dma_wait3A_327] : memref<40x128xi32, #tpu.memory_space<vmem>> -> memref<1x128xi32, #tpu.memory_space<vmem>>
        %dma_wait3A_329 = tpu.memref_squeeze %dma_wait3A_328 : memref<1x128xi32, #tpu.memory_space<vmem>> -> memref<128xi32, #tpu.memory_space<vmem>>
        %dma_wait3A_330 = arith.constant 0 : i32
        %dma_wait3A_331 = tpu.memref_slice %arg13[%dma_wait3A_330] : memref<10240xf32, #tpu.memory_space<vmem_shared>> -> memref<10240xf32, #tpu.memory_space<vmem_shared>>
        tpu.wait_indirect_dma semaphore(%arg17 : memref<!tpu.dma_semaphore, #tpu.memory_space<semaphore_mem>>) src(%arg11 : memref<128xf32, #tpu.memory_space<vmem>>) dst(%dma_wait3A_331 : memref<10240xf32, #tpu.memory_space<vmem_shared>>)
        %add3A_332 = arith.constant 2 : i32
        %add3A_333 = arith.addi %add3A_321, %add3A_332 : i32
        %lt3A_334 = arith.constant 40 : i32
        %lt3A_335 = arith.cmpi slt, %add3A_333, %lt3A_334 : i32
        %convert_element_type3A_336 = arith.extui %lt3A_335 : i1 to i32
        %cond3A_337 = arith.constant 0 : i32
        %cond3A_338 = arith.cmpi ne, %convert_element_type3A_336, %cond3A_337 : i32
        scf.if %cond3A_338 {
          %add3A_340 = arith.constant 2 : i32
          %add3A_341 = arith.addi %add3A_321, %add3A_340 : i32
          %dma_start3A_342 = arith.constant 0 : i32
          %dma_start3A_343 = tpu.memref_slice %arg7[%add3A_341, %dma_start3A_342] : memref<40x128xi32, #tpu.memory_space<vmem>> -> memref<1x128xi32, #tpu.memory_space<vmem>>
          %dma_start3A_344 = tpu.memref_squeeze %dma_start3A_343 : memref<1x128xi32, #tpu.memory_space<vmem>> -> memref<128xi32, #tpu.memory_space<vmem>>
          %dma_start3A_345 = arith.constant 0 : i32
          %dma_start3A_346 = arith.constant 0 : i32
          %dma_start3A_347 = tpu.memref_slice %arg4[%dma_start3A_345, %dma_start3A_346] : memref<10240x128xf32, #tpu.memory_space<hbm>> -> memref<10240x128xf32, #tpu.memory_space<hbm>>
          tpu.enqueue_indirect_dma source(%dma_start3A_347 : memref<10240x128xf32, #tpu.memory_space<hbm>>) target(%arg10 : memref<128x128xf32, #tpu.memory_space<vmem>>) offsets(%dma_start3A_344 : memref<128xi32, #tpu.memory_space<vmem>>) semaphore(%arg16 : memref<!tpu.dma_semaphore, #tpu.memory_space<semaphore_mem>>)
        } else {
        }
        %scan3A_339 = arith.constant 0 : i32
        scf.yield %scan3A_339 : i32
      }
      %scan3A_132 = arith.constant 20 : i32
      %dma_start3A_133 = arith.constant 0 : i32
      %dma_start3A_134 = arith.constant 0 : i32
      %dma_start3A_135 = tpu.memref_slice %arg7[%dma_start3A_133, %dma_start3A_134] : memref<40x128xi32, #tpu.memory_space<vmem>> -> memref<40x128xi32, #tpu.memory_space<vmem>>
      %dma_start3A_136 = arith.constant 40 : i32
      %dma_start3A_137 = arith.constant 0 : i32
      %dma_start3A_138 = tpu.memref_slice %arg2[%arg1, %dma_start3A_136, %dma_start3A_137] : memref<16x160x128xi32, #tpu.memory_space<hbm>> -> memref<1x40x128xi32, #tpu.memory_space<hbm>>
      %dma_start3A_139 = tpu.memref_squeeze %dma_start3A_138 : memref<1x40x128xi32, #tpu.memory_space<hbm>> -> memref<40x128xi32, #tpu.memory_space<hbm>>
      %dma_start3A_140 = arith.constant 0 : i32
      %dma_start3A_141 = arith.constant 0 : i32
      %dma_start3A_142 = tpu.memref_slice %arg7[%dma_start3A_140, %dma_start3A_141] : memref<40x128xi32, #tpu.memory_space<vmem>> -> memref<40x128xi32, #tpu.memory_space<vmem>>
      %dma_start3A_143 = arith.constant 40 : i32
      %dma_start3A_144 = arith.constant 0 : i32
      %dma_start3A_145 = tpu.memref_slice %arg2[%arg1, %dma_start3A_143, %dma_start3A_144] : memref<16x160x128xi32, #tpu.memory_space<hbm>> -> memref<1x40x128xi32, #tpu.memory_space<hbm>>
      %dma_start3A_146 = tpu.memref_squeeze %dma_start3A_145 : memref<1x40x128xi32, #tpu.memory_space<hbm>> -> memref<40x128xi32, #tpu.memory_space<hbm>>
      tpu.enqueue_dma source(%dma_start3A_146 : memref<40x128xi32, #tpu.memory_space<hbm>>) target(%dma_start3A_142 : memref<40x128xi32, #tpu.memory_space<vmem>>) target_semaphore(%arg18 : memref<!tpu.dma_semaphore, #tpu.memory_space<semaphore_mem>>)
      %dma_start3A_147 = arith.constant 0 : i32
      %dma_start3A_148 = arith.constant 0 : i32
      %dma_start3A_149 = tpu.memref_slice %arg8[%dma_start3A_147, %dma_start3A_148] : memref<40x128xi32, #tpu.memory_space<vmem>> -> memref<40x128xi32, #tpu.memory_space<vmem>>
      %dma_start3A_150 = arith.constant 40 : i32
      %dma_start3A_151 = arith.constant 0 : i32
      %dma_start3A_152 = tpu.memref_slice %arg3[%arg1, %dma_start3A_150, %dma_start3A_151] : memref<16x160x128xi32, #tpu.memory_space<hbm>> -> memref<1x40x128xi32, #tpu.memory_space<hbm>>
      %dma_start3A_153 = tpu.memref_squeeze %dma_start3A_152 : memref<1x40x128xi32, #tpu.memory_space<hbm>> -> memref<40x128xi32, #tpu.memory_space<hbm>>
      %dma_start3A_154 = arith.constant 0 : i32
      %dma_start3A_155 = arith.constant 0 : i32
      %dma_start3A_156 = tpu.memref_slice %arg8[%dma_start3A_154, %dma_start3A_155] : memref<40x128xi32, #tpu.memory_space<vmem>> -> memref<40x128xi32, #tpu.memory_space<vmem>>
      %dma_start3A_157 = arith.constant 40 : i32
      %dma_start3A_158 = arith.constant 0 : i32
      %dma_start3A_159 = tpu.memref_slice %arg3[%arg1, %dma_start3A_157, %dma_start3A_158] : memref<16x160x128xi32, #tpu.memory_space<hbm>> -> memref<1x40x128xi32, #tpu.memory_space<hbm>>
      %dma_start3A_160 = tpu.memref_squeeze %dma_start3A_159 : memref<1x40x128xi32, #tpu.memory_space<hbm>> -> memref<40x128xi32, #tpu.memory_space<hbm>>
      tpu.enqueue_dma source(%dma_start3A_160 : memref<40x128xi32, #tpu.memory_space<hbm>>) target(%dma_start3A_156 : memref<40x128xi32, #tpu.memory_space<vmem>>) target_semaphore(%arg18 : memref<!tpu.dma_semaphore, #tpu.memory_space<semaphore_mem>>)
      %dma_wait3A_161 = arith.constant 0 : i32
      %dma_wait3A_162 = arith.constant 0 : i32
      %dma_wait3A_163 = tpu.memref_slice %arg7[%dma_wait3A_161, %dma_wait3A_162] : memref<40x128xi32, #tpu.memory_space<vmem>> -> memref<40x128xi32, #tpu.memory_space<vmem>>
      %dma_wait3A_164 = arith.constant 40 : i32
      %dma_wait3A_165 = arith.constant 0 : i32
      %dma_wait3A_166 = tpu.memref_slice %arg2[%arg1, %dma_wait3A_164, %dma_wait3A_165] : memref<16x160x128xi32, #tpu.memory_space<hbm>> -> memref<1x40x128xi32, #tpu.memory_space<hbm>>
      %dma_wait3A_167 = tpu.memref_squeeze %dma_wait3A_166 : memref<1x40x128xi32, #tpu.memory_space<hbm>> -> memref<40x128xi32, #tpu.memory_space<hbm>>
      %dma_wait3A_168 = arith.constant 0 : i32
      %dma_wait3A_169 = arith.constant 0 : i32
      %dma_wait3A_170 = tpu.memref_slice %arg7[%dma_wait3A_168, %dma_wait3A_169] : memref<40x128xi32, #tpu.memory_space<vmem>> -> memref<40x128xi32, #tpu.memory_space<vmem>>
      %dma_wait3A_171 = arith.constant 40 : i32
      %dma_wait3A_172 = arith.constant 0 : i32
      %dma_wait3A_173 = tpu.memref_slice %arg2[%arg1, %dma_wait3A_171, %dma_wait3A_172] : memref<16x160x128xi32, #tpu.memory_space<hbm>> -> memref<1x40x128xi32, #tpu.memory_space<hbm>>
      %dma_wait3A_174 = tpu.memref_squeeze %dma_wait3A_173 : memref<1x40x128xi32, #tpu.memory_space<hbm>> -> memref<40x128xi32, #tpu.memory_space<hbm>>
      tpu.wait_dma2 semaphore(%arg18 : memref<!tpu.dma_semaphore, #tpu.memory_space<semaphore_mem>>) src(%dma_wait3A_174 : memref<40x128xi32, #tpu.memory_space<hbm>>) dst(%dma_wait3A_170 : memref<40x128xi32, #tpu.memory_space<vmem>>)
      %dma_wait3A_175 = arith.constant 0 : i32
      %dma_wait3A_176 = arith.constant 0 : i32
      %dma_wait3A_177 = tpu.memref_slice %arg8[%dma_wait3A_175, %dma_wait3A_176] : memref<40x128xi32, #tpu.memory_space<vmem>> -> memref<40x128xi32, #tpu.memory_space<vmem>>
      %dma_wait3A_178 = arith.constant 40 : i32
      %dma_wait3A_179 = arith.constant 0 : i32
      %dma_wait3A_180 = tpu.memref_slice %arg3[%arg1, %dma_wait3A_178, %dma_wait3A_179] : memref<16x160x128xi32, #tpu.memory_space<hbm>> -> memref<1x40x128xi32, #tpu.memory_space<hbm>>
      %dma_wait3A_181 = tpu.memref_squeeze %dma_wait3A_180 : memref<1x40x128xi32, #tpu.memory_space<hbm>> -> memref<40x128xi32, #tpu.memory_space<hbm>>
      %dma_wait3A_182 = arith.constant 0 : i32
      %dma_wait3A_183 = arith.constant 0 : i32
      %dma_wait3A_184 = tpu.memref_slice %arg8[%dma_wait3A_182, %dma_wait3A_183] : memref<40x128xi32, #tpu.memory_space<vmem>> -> memref<40x128xi32, #tpu.memory_space<vmem>>
      %dma_wait3A_185 = arith.constant 40 : i32
      %dma_wait3A_186 = arith.constant 0 : i32
      %dma_wait3A_187 = tpu.memref_slice %arg3[%arg1, %dma_wait3A_185, %dma_wait3A_186] : memref<16x160x128xi32, #tpu.memory_space<hbm>> -> memref<1x40x128xi32, #tpu.memory_space<hbm>>
      %dma_wait3A_188 = tpu.memref_squeeze %dma_wait3A_187 : memref<1x40x128xi32, #tpu.memory_space<hbm>> -> memref<40x128xi32, #tpu.memory_space<hbm>>
      tpu.wait_dma2 semaphore(%arg18 : memref<!tpu.dma_semaphore, #tpu.memory_space<semaphore_mem>>) src(%dma_wait3A_188 : memref<40x128xi32, #tpu.memory_space<hbm>>) dst(%dma_wait3A_184 : memref<40x128xi32, #tpu.memory_space<vmem>>)
      %dma_start3A_189 = arith.constant 0 : i32
      %dma_start3A_190 = arith.constant 0 : i32
      %dma_start3A_191 = tpu.memref_slice %arg7[%dma_start3A_189, %dma_start3A_190] : memref<40x128xi32, #tpu.memory_space<vmem>> -> memref<1x128xi32, #tpu.memory_space<vmem>>
      %dma_start3A_192 = tpu.memref_squeeze %dma_start3A_191 : memref<1x128xi32, #tpu.memory_space<vmem>> -> memref<128xi32, #tpu.memory_space<vmem>>
      %dma_start3A_193 = arith.constant 0 : i32
      %dma_start3A_194 = arith.constant 0 : i32
      %dma_start3A_195 = tpu.memref_slice %arg4[%dma_start3A_193, %dma_start3A_194] : memref<10240x128xf32, #tpu.memory_space<hbm>> -> memref<10240x128xf32, #tpu.memory_space<hbm>>
      tpu.enqueue_indirect_dma source(%dma_start3A_195 : memref<10240x128xf32, #tpu.memory_space<hbm>>) target(%arg9 : memref<128x128xf32, #tpu.memory_space<vmem>>) offsets(%dma_start3A_192 : memref<128xi32, #tpu.memory_space<vmem>>) semaphore(%arg15 : memref<!tpu.dma_semaphore, #tpu.memory_space<semaphore_mem>>)
      %dma_start3A_196 = arith.constant 1 : i32
      %dma_start3A_197 = arith.constant 0 : i32
      %dma_start3A_198 = tpu.memref_slice %arg7[%dma_start3A_196, %dma_start3A_197] : memref<40x128xi32, #tpu.memory_space<vmem>> -> memref<1x128xi32, #tpu.memory_space<vmem>>
      %dma_start3A_199 = tpu.memref_squeeze %dma_start3A_198 : memref<1x128xi32, #tpu.memory_space<vmem>> -> memref<128xi32, #tpu.memory_space<vmem>>
      %dma_start3A_200 = arith.constant 0 : i32
      %dma_start3A_201 = arith.constant 0 : i32
      %dma_start3A_202 = tpu.memref_slice %arg4[%dma_start3A_200, %dma_start3A_201] : memref<10240x128xf32, #tpu.memory_space<hbm>> -> memref<10240x128xf32, #tpu.memory_space<hbm>>
      tpu.enqueue_indirect_dma source(%dma_start3A_202 : memref<10240x128xf32, #tpu.memory_space<hbm>>) target(%arg10 : memref<128x128xf32, #tpu.memory_space<vmem>>) offsets(%dma_start3A_199 : memref<128xi32, #tpu.memory_space<vmem>>) semaphore(%arg16 : memref<!tpu.dma_semaphore, #tpu.memory_space<semaphore_mem>>)
      %scan3A_203 = arith.constant 0 : i32
      %scan3A_204 = arith.constant 0 : i32
      %scan3A_205 = arith.constant 20 : i32
      %scan3A_206 = arith.addi %scan3A_204, %scan3A_205 : i32
      %scan3A_207 = arith.constant 1 : i32
      %scan3A_208 = scf.for %scan3A_287 = %scan3A_204 to %scan3A_206 step %scan3A_207 iter_args(%scan3A_288 = %scan3A_203) -> (i32)  : i32 {
        %mul3A_289 = arith.constant 2 : i32
        %mul3A_290 = arith.muli %mul3A_289, %scan3A_287 : i32
        %dma_wait3A_291 = arith.constant 0 : i32
        %dma_wait3A_292 = tpu.memref_slice %arg7[%mul3A_290, %dma_wait3A_291] : memref<40x128xi32, #tpu.memory_space<vmem>> -> memref<1x128xi32, #tpu.memory_space<vmem>>
        %dma_wait3A_293 = tpu.memref_squeeze %dma_wait3A_292 : memref<1x128xi32, #tpu.memory_space<vmem>> -> memref<128xi32, #tpu.memory_space<vmem>>
        %dma_wait3A_294 = arith.constant 0 : i32
        %dma_wait3A_295 = arith.constant 0 : i32
        %dma_wait3A_296 = tpu.memref_slice %arg4[%dma_wait3A_294, %dma_wait3A_295] : memref<10240x128xf32, #tpu.memory_space<hbm>> -> memref<10240x128xf32, #tpu.memory_space<hbm>>
        tpu.wait_indirect_dma semaphore(%arg15 : memref<!tpu.dma_semaphore, #tpu.memory_space<semaphore_mem>>) src(%dma_wait3A_296 : memref<10240x128xf32, #tpu.memory_space<hbm>>) dst(%arg9 : memref<128x128xf32, #tpu.memory_space<vmem>>)
        %dma_start3A_297 = arith.constant 0 : i32
        %dma_start3A_298 = tpu.memref_slice %arg8[%mul3A_290, %dma_start3A_297] : memref<40x128xi32, #tpu.memory_space<vmem>> -> memref<1x128xi32, #tpu.memory_space<vmem>>
        %dma_start3A_299 = tpu.memref_squeeze %dma_start3A_298 : memref<1x128xi32, #tpu.memory_space<vmem>> -> memref<128xi32, #tpu.memory_space<vmem>>
        %dma_start3A_300 = arith.constant 0 : i32
        %dma_start3A_301 = tpu.memref_slice %arg13[%dma_start3A_300] : memref<10240xf32, #tpu.memory_space<vmem_shared>> -> memref<10240xf32, #tpu.memory_space<vmem_shared>>
        tpu.enqueue_indirect_dma source(%arg11 : memref<128xf32, #tpu.memory_space<vmem>>) target(%dma_start3A_301 : memref<10240xf32, #tpu.memory_space<vmem_shared>>) offsets(%dma_start3A_299 : memref<128xi32, #tpu.memory_space<vmem>>) semaphore(%arg17 : memref<!tpu.dma_semaphore, #tpu.memory_space<semaphore_mem>>) {add = true}
        "tpu.region"() ({
          %run_scoped3A = tpu.sem_alloc : memref<!tpu.dma_semaphore, #tpu.memory_space<semaphore_mem>>
          %dma_start3A_340 = arith.constant 0 : i32
          %dma_start3A_341 = tpu.memref_slice %arg8[%mul3A_290, %dma_start3A_340] : memref<40x128xi32, #tpu.memory_space<vmem>> -> memref<1x128xi32, #tpu.memory_space<vmem>>
          %dma_start3A_342 = tpu.memref_squeeze %dma_start3A_341 : memref<1x128xi32, #tpu.memory_space<vmem>> -> memref<128xi32, #tpu.memory_space<vmem>>
          %dma_start3A_343 = arith.constant 0 : i32
          %dma_start3A_344 = arith.constant 0 : i32
          %dma_start3A_345 = tpu.memref_slice %arg14[%dma_start3A_343, %dma_start3A_344] : memref<10240x128xf32, #tpu.memory_space<vmem_shared>> -> memref<10240x128xf32, #tpu.memory_space<vmem_shared>>
          tpu.enqueue_indirect_dma source(%arg9 : memref<128x128xf32, #tpu.memory_space<vmem>>) target(%dma_start3A_345 : memref<10240x128xf32, #tpu.memory_space<vmem_shared>>) offsets(%dma_start3A_342 : memref<128xi32, #tpu.memory_space<vmem>>) semaphore(%run_scoped3A : memref<!tpu.dma_semaphore, #tpu.memory_space<semaphore_mem>>) {add = true}
          %dma_wait3A_346 = arith.constant 0 : i32
          %dma_wait3A_347 = tpu.memref_slice %arg8[%mul3A_290, %dma_wait3A_346] : memref<40x128xi32, #tpu.memory_space<vmem>> -> memref<1x128xi32, #tpu.memory_space<vmem>>
          %dma_wait3A_348 = tpu.memref_squeeze %dma_wait3A_347 : memref<1x128xi32, #tpu.memory_space<vmem>> -> memref<128xi32, #tpu.memory_space<vmem>>
          %dma_wait3A_349 = arith.constant 0 : i32
          %dma_wait3A_350 = arith.constant 0 : i32
          %dma_wait3A_351 = tpu.memref_slice %arg14[%dma_wait3A_349, %dma_wait3A_350] : memref<10240x128xf32, #tpu.memory_space<vmem_shared>> -> memref<10240x128xf32, #tpu.memory_space<vmem_shared>>
          tpu.wait_indirect_dma semaphore(%run_scoped3A : memref<!tpu.dma_semaphore, #tpu.memory_space<semaphore_mem>>) src(%arg9 : memref<128x128xf32, #tpu.memory_space<vmem>>) dst(%dma_wait3A_351 : memref<10240x128xf32, #tpu.memory_space<vmem_shared>>)
          tpu.yield
        }) : () -> ()
        %dma_wait3A_302 = arith.constant 0 : i32
        %dma_wait3A_303 = tpu.memref_slice %arg8[%mul3A_290, %dma_wait3A_302] : memref<40x128xi32, #tpu.memory_space<vmem>> -> memref<1x128xi32, #tpu.memory_space<vmem>>
        %dma_wait3A_304 = tpu.memref_squeeze %dma_wait3A_303 : memref<1x128xi32, #tpu.memory_space<vmem>> -> memref<128xi32, #tpu.memory_space<vmem>>
        %dma_wait3A_305 = arith.constant 0 : i32
        %dma_wait3A_306 = tpu.memref_slice %arg13[%dma_wait3A_305] : memref<10240xf32, #tpu.memory_space<vmem_shared>> -> memref<10240xf32, #tpu.memory_space<vmem_shared>>
        tpu.wait_indirect_dma semaphore(%arg17 : memref<!tpu.dma_semaphore, #tpu.memory_space<semaphore_mem>>) src(%arg11 : memref<128xf32, #tpu.memory_space<vmem>>) dst(%dma_wait3A_306 : memref<10240xf32, #tpu.memory_space<vmem_shared>>)
        %add3A = arith.constant 2 : i32
        %add3A_307 = arith.addi %mul3A_290, %add3A : i32
        %lt3A = arith.constant 40 : i32
        %lt3A_308 = arith.cmpi slt, %add3A_307, %lt3A : i32
        %convert_element_type3A_309 = arith.extui %lt3A_308 : i1 to i32
        %cond3A_310 = arith.constant 0 : i32
        %cond3A_311 = arith.cmpi ne, %convert_element_type3A_309, %cond3A_310 : i32
        scf.if %cond3A_311 {
          %add3A_340 = arith.constant 2 : i32
          %add3A_341 = arith.addi %mul3A_290, %add3A_340 : i32
          %dma_start3A_342 = arith.constant 0 : i32
          %dma_start3A_343 = tpu.memref_slice %arg7[%add3A_341, %dma_start3A_342] : memref<40x128xi32, #tpu.memory_space<vmem>> -> memref<1x128xi32, #tpu.memory_space<vmem>>
          %dma_start3A_344 = tpu.memref_squeeze %dma_start3A_343 : memref<1x128xi32, #tpu.memory_space<vmem>> -> memref<128xi32, #tpu.memory_space<vmem>>
          %dma_start3A_345 = arith.constant 0 : i32
          %dma_start3A_346 = arith.constant 0 : i32
          %dma_start3A_347 = tpu.memref_slice %arg4[%dma_start3A_345, %dma_start3A_346] : memref<10240x128xf32, #tpu.memory_space<hbm>> -> memref<10240x128xf32, #tpu.memory_space<hbm>>
          tpu.enqueue_indirect_dma source(%dma_start3A_347 : memref<10240x128xf32, #tpu.memory_space<hbm>>) target(%arg9 : memref<128x128xf32, #tpu.memory_space<vmem>>) offsets(%dma_start3A_344 : memref<128xi32, #tpu.memory_space<vmem>>) semaphore(%arg15 : memref<!tpu.dma_semaphore, #tpu.memory_space<semaphore_mem>>)
        } else {
        }
        %add3A_312 = arith.constant 1 : i32
        %add3A_313 = arith.addi %mul3A_290, %add3A_312 : i32
        %dma_wait3A_314 = arith.constant 0 : i32
        %dma_wait3A_315 = tpu.memref_slice %arg7[%add3A_313, %dma_wait3A_314] : memref<40x128xi32, #tpu.memory_space<vmem>> -> memref<1x128xi32, #tpu.memory_space<vmem>>
        %dma_wait3A_316 = tpu.memref_squeeze %dma_wait3A_315 : memref<1x128xi32, #tpu.memory_space<vmem>> -> memref<128xi32, #tpu.memory_space<vmem>>
        %dma_wait3A_317 = arith.constant 0 : i32
        %dma_wait3A_318 = arith.constant 0 : i32
        %dma_wait3A_319 = tpu.memref_slice %arg4[%dma_wait3A_317, %dma_wait3A_318] : memref<10240x128xf32, #tpu.memory_space<hbm>> -> memref<10240x128xf32, #tpu.memory_space<hbm>>
        tpu.wait_indirect_dma semaphore(%arg16 : memref<!tpu.dma_semaphore, #tpu.memory_space<semaphore_mem>>) src(%dma_wait3A_319 : memref<10240x128xf32, #tpu.memory_space<hbm>>) dst(%arg10 : memref<128x128xf32, #tpu.memory_space<vmem>>)
        %add3A_320 = arith.constant 1 : i32
        %add3A_321 = arith.addi %mul3A_290, %add3A_320 : i32
        %dma_start3A_322 = arith.constant 0 : i32
        %dma_start3A_323 = tpu.memref_slice %arg8[%add3A_321, %dma_start3A_322] : memref<40x128xi32, #tpu.memory_space<vmem>> -> memref<1x128xi32, #tpu.memory_space<vmem>>
        %dma_start3A_324 = tpu.memref_squeeze %dma_start3A_323 : memref<1x128xi32, #tpu.memory_space<vmem>> -> memref<128xi32, #tpu.memory_space<vmem>>
        %dma_start3A_325 = arith.constant 0 : i32
        %dma_start3A_326 = tpu.memref_slice %arg13[%dma_start3A_325] : memref<10240xf32, #tpu.memory_space<vmem_shared>> -> memref<10240xf32, #tpu.memory_space<vmem_shared>>
        tpu.enqueue_indirect_dma source(%arg11 : memref<128xf32, #tpu.memory_space<vmem>>) target(%dma_start3A_326 : memref<10240xf32, #tpu.memory_space<vmem_shared>>) offsets(%dma_start3A_324 : memref<128xi32, #tpu.memory_space<vmem>>) semaphore(%arg17 : memref<!tpu.dma_semaphore, #tpu.memory_space<semaphore_mem>>) {add = true}
        "tpu.region"() ({
          %run_scoped3A = tpu.sem_alloc : memref<!tpu.dma_semaphore, #tpu.memory_space<semaphore_mem>>
          %dma_start3A_340 = arith.constant 0 : i32
          %dma_start3A_341 = tpu.memref_slice %arg8[%add3A_321, %dma_start3A_340] : memref<40x128xi32, #tpu.memory_space<vmem>> -> memref<1x128xi32, #tpu.memory_space<vmem>>
          %dma_start3A_342 = tpu.memref_squeeze %dma_start3A_341 : memref<1x128xi32, #tpu.memory_space<vmem>> -> memref<128xi32, #tpu.memory_space<vmem>>
          %dma_start3A_343 = arith.constant 0 : i32
          %dma_start3A_344 = arith.constant 0 : i32
          %dma_start3A_345 = tpu.memref_slice %arg14[%dma_start3A_343, %dma_start3A_344] : memref<10240x128xf32, #tpu.memory_space<vmem_shared>> -> memref<10240x128xf32, #tpu.memory_space<vmem_shared>>
          tpu.enqueue_indirect_dma source(%arg10 : memref<128x128xf32, #tpu.memory_space<vmem>>) target(%dma_start3A_345 : memref<10240x128xf32, #tpu.memory_space<vmem_shared>>) offsets(%dma_start3A_342 : memref<128xi32, #tpu.memory_space<vmem>>) semaphore(%run_scoped3A : memref<!tpu.dma_semaphore, #tpu.memory_space<semaphore_mem>>) {add = true}
          %dma_wait3A_346 = arith.constant 0 : i32
          %dma_wait3A_347 = tpu.memref_slice %arg8[%add3A_321, %dma_wait3A_346] : memref<40x128xi32, #tpu.memory_space<vmem>> -> memref<1x128xi32, #tpu.memory_space<vmem>>
          %dma_wait3A_348 = tpu.memref_squeeze %dma_wait3A_347 : memref<1x128xi32, #tpu.memory_space<vmem>> -> memref<128xi32, #tpu.memory_space<vmem>>
          %dma_wait3A_349 = arith.constant 0 : i32
          %dma_wait3A_350 = arith.constant 0 : i32
          %dma_wait3A_351 = tpu.memref_slice %arg14[%dma_wait3A_349, %dma_wait3A_350] : memref<10240x128xf32, #tpu.memory_space<vmem_shared>> -> memref<10240x128xf32, #tpu.memory_space<vmem_shared>>
          tpu.wait_indirect_dma semaphore(%run_scoped3A : memref<!tpu.dma_semaphore, #tpu.memory_space<semaphore_mem>>) src(%arg10 : memref<128x128xf32, #tpu.memory_space<vmem>>) dst(%dma_wait3A_351 : memref<10240x128xf32, #tpu.memory_space<vmem_shared>>)
          tpu.yield
        }) : () -> ()
        %dma_wait3A_327 = arith.constant 0 : i32
        %dma_wait3A_328 = tpu.memref_slice %arg8[%add3A_321, %dma_wait3A_327] : memref<40x128xi32, #tpu.memory_space<vmem>> -> memref<1x128xi32, #tpu.memory_space<vmem>>
        %dma_wait3A_329 = tpu.memref_squeeze %dma_wait3A_328 : memref<1x128xi32, #tpu.memory_space<vmem>> -> memref<128xi32, #tpu.memory_space<vmem>>
        %dma_wait3A_330 = arith.constant 0 : i32
        %dma_wait3A_331 = tpu.memref_slice %arg13[%dma_wait3A_330] : memref<10240xf32, #tpu.memory_space<vmem_shared>> -> memref<10240xf32, #tpu.memory_space<vmem_shared>>
        tpu.wait_indirect_dma semaphore(%arg17 : memref<!tpu.dma_semaphore, #tpu.memory_space<semaphore_mem>>) src(%arg11 : memref<128xf32, #tpu.memory_space<vmem>>) dst(%dma_wait3A_331 : memref<10240xf32, #tpu.memory_space<vmem_shared>>)
        %add3A_332 = arith.constant 2 : i32
        %add3A_333 = arith.addi %add3A_321, %add3A_332 : i32
        %lt3A_334 = arith.constant 40 : i32
        %lt3A_335 = arith.cmpi slt, %add3A_333, %lt3A_334 : i32
        %convert_element_type3A_336 = arith.extui %lt3A_335 : i1 to i32
        %cond3A_337 = arith.constant 0 : i32
        %cond3A_338 = arith.cmpi ne, %convert_element_type3A_336, %cond3A_337 : i32
        scf.if %cond3A_338 {
          %add3A_340 = arith.constant 2 : i32
          %add3A_341 = arith.addi %add3A_321, %add3A_340 : i32
          %dma_start3A_342 = arith.constant 0 : i32
          %dma_start3A_343 = tpu.memref_slice %arg7[%add3A_341, %dma_start3A_342] : memref<40x128xi32, #tpu.memory_space<vmem>> -> memref<1x128xi32, #tpu.memory_space<vmem>>
          %dma_start3A_344 = tpu.memref_squeeze %dma_start3A_343 : memref<1x128xi32, #tpu.memory_space<vmem>> -> memref<128xi32, #tpu.memory_space<vmem>>
          %dma_start3A_345 = arith.constant 0 : i32
          %dma_start3A_346 = arith.constant 0 : i32
          %dma_start3A_347 = tpu.memref_slice %arg4[%dma_start3A_345, %dma_start3A_346] : memref<10240x128xf32, #tpu.memory_space<hbm>> -> memref<10240x128xf32, #tpu.memory_space<hbm>>
          tpu.enqueue_indirect_dma source(%dma_start3A_347 : memref<10240x128xf32, #tpu.memory_space<hbm>>) target(%arg10 : memref<128x128xf32, #tpu.memory_space<vmem>>) offsets(%dma_start3A_344 : memref<128xi32, #tpu.memory_space<vmem>>) semaphore(%arg16 : memref<!tpu.dma_semaphore, #tpu.memory_space<semaphore_mem>>)
        } else {
        }
        %scan3A_339 = arith.constant 0 : i32
        scf.yield %scan3A_339 : i32
      }
      %scan3A_209 = arith.constant 20 : i32
      %dma_start3A_210 = arith.constant 0 : i32
      %dma_start3A_211 = arith.constant 0 : i32
      %dma_start3A_212 = tpu.memref_slice %arg7[%dma_start3A_210, %dma_start3A_211] : memref<40x128xi32, #tpu.memory_space<vmem>> -> memref<40x128xi32, #tpu.memory_space<vmem>>
      %dma_start3A_213 = arith.constant 80 : i32
      %dma_start3A_214 = arith.constant 0 : i32
      %dma_start3A_215 = tpu.memref_slice %arg2[%arg1, %dma_start3A_213, %dma_start3A_214] : memref<16x160x128xi32, #tpu.memory_space<hbm>> -> memref<1x40x128xi32, #tpu.memory_space<hbm>>
      %dma_start3A_216 = tpu.memref_squeeze %dma_start3A_215 : memref<1x40x128xi32, #tpu.memory_space<hbm>> -> memref<40x128xi32, #tpu.memory_space<hbm>>
      %dma_start3A_217 = arith.constant 0 : i32
      %dma_start3A_218 = arith.constant 0 : i32
      %dma_start3A_219 = tpu.memref_slice %arg7[%dma_start3A_217, %dma_start3A_218] : memref<40x128xi32, #tpu.memory_space<vmem>> -> memref<40x128xi32, #tpu.memory_space<vmem>>
      %dma_start3A_220 = arith.constant 80 : i32
      %dma_start3A_221 = arith.constant 0 : i32
      %dma_start3A_222 = tpu.memref_slice %arg2[%arg1, %dma_start3A_220, %dma_start3A_221] : memref<16x160x128xi32, #tpu.memory_space<hbm>> -> memref<1x40x128xi32, #tpu.memory_space<hbm>>
      %dma_start3A_223 = tpu.memref_squeeze %dma_start3A_222 : memref<1x40x128xi32, #tpu.memory_space<hbm>> -> memref<40x128xi32, #tpu.memory_space<hbm>>
      tpu.enqueue_dma source(%dma_start3A_223 : memref<40x128xi32, #tpu.memory_space<hbm>>) target(%dma_start3A_219 : memref<40x128xi32, #tpu.memory_space<vmem>>) target_semaphore(%arg18 : memref<!tpu.dma_semaphore, #tpu.memory_space<semaphore_mem>>)
      %dma_start3A_224 = arith.constant 0 : i32
      %dma_start3A_225 = arith.constant 0 : i32
      %dma_start3A_226 = tpu.memref_slice %arg8[%dma_start3A_224, %dma_start3A_225] : memref<40x128xi32, #tpu.memory_space<vmem>> -> memref<40x128xi32, #tpu.memory_space<vmem>>
      %dma_start3A_227 = arith.constant 80 : i32
      %dma_start3A_228 = arith.constant 0 : i32
      %dma_start3A_229 = tpu.memref_slice %arg3[%arg1, %dma_start3A_227, %dma_start3A_228] : memref<16x160x128xi32, #tpu.memory_space<hbm>> -> memref<1x40x128xi32, #tpu.memory_space<hbm>>
      %dma_start3A_230 = tpu.memref_squeeze %dma_start3A_229 : memref<1x40x128xi32, #tpu.memory_space<hbm>> -> memref<40x128xi32, #tpu.memory_space<hbm>>
      %dma_start3A_231 = arith.constant 0 : i32
      %dma_start3A_232 = arith.constant 0 : i32
      %dma_start3A_233 = tpu.memref_slice %arg8[%dma_start3A_231, %dma_start3A_232] : memref<40x128xi32, #tpu.memory_space<vmem>> -> memref<40x128xi32, #tpu.memory_space<vmem>>
      %dma_start3A_234 = arith.constant 80 : i32
      %dma_start3A_235 = arith.constant 0 : i32
      %dma_start3A_236 = tpu.memref_slice %arg3[%arg1, %dma_start3A_234, %dma_start3A_235] : memref<16x160x128xi32, #tpu.memory_space<hbm>> -> memref<1x40x128xi32, #tpu.memory_space<hbm>>
      %dma_start3A_237 = tpu.memref_squeeze %dma_start3A_236 : memref<1x40x128xi32, #tpu.memory_space<hbm>> -> memref<40x128xi32, #tpu.memory_space<hbm>>
      tpu.enqueue_dma source(%dma_start3A_237 : memref<40x128xi32, #tpu.memory_space<hbm>>) target(%dma_start3A_233 : memref<40x128xi32, #tpu.memory_space<vmem>>) target_semaphore(%arg18 : memref<!tpu.dma_semaphore, #tpu.memory_space<semaphore_mem>>)
      %dma_wait3A_238 = arith.constant 0 : i32
      %dma_wait3A_239 = arith.constant 0 : i32
      %dma_wait3A_240 = tpu.memref_slice %arg7[%dma_wait3A_238, %dma_wait3A_239] : memref<40x128xi32, #tpu.memory_space<vmem>> -> memref<40x128xi32, #tpu.memory_space<vmem>>
      %dma_wait3A_241 = arith.constant 80 : i32
      %dma_wait3A_242 = arith.constant 0 : i32
      %dma_wait3A_243 = tpu.memref_slice %arg2[%arg1, %dma_wait3A_241, %dma_wait3A_242] : memref<16x160x128xi32, #tpu.memory_space<hbm>> -> memref<1x40x128xi32, #tpu.memory_space<hbm>>
      %dma_wait3A_244 = tpu.memref_squeeze %dma_wait3A_243 : memref<1x40x128xi32, #tpu.memory_space<hbm>> -> memref<40x128xi32, #tpu.memory_space<hbm>>
      %dma_wait3A_245 = arith.constant 0 : i32
      %dma_wait3A_246 = arith.constant 0 : i32
      %dma_wait3A_247 = tpu.memref_slice %arg7[%dma_wait3A_245, %dma_wait3A_246] : memref<40x128xi32, #tpu.memory_space<vmem>> -> memref<40x128xi32, #tpu.memory_space<vmem>>
      %dma_wait3A_248 = arith.constant 80 : i32
      %dma_wait3A_249 = arith.constant 0 : i32
      %dma_wait3A_250 = tpu.memref_slice %arg2[%arg1, %dma_wait3A_248, %dma_wait3A_249] : memref<16x160x128xi32, #tpu.memory_space<hbm>> -> memref<1x40x128xi32, #tpu.memory_space<hbm>>
      %dma_wait3A_251 = tpu.memref_squeeze %dma_wait3A_250 : memref<1x40x128xi32, #tpu.memory_space<hbm>> -> memref<40x128xi32, #tpu.memory_space<hbm>>
      tpu.wait_dma2 semaphore(%arg18 : memref<!tpu.dma_semaphore, #tpu.memory_space<semaphore_mem>>) src(%dma_wait3A_251 : memref<40x128xi32, #tpu.memory_space<hbm>>) dst(%dma_wait3A_247 : memref<40x128xi32, #tpu.memory_space<vmem>>)
      %dma_wait3A_252 = arith.constant 0 : i32
      %dma_wait3A_253 = arith.constant 0 : i32
      %dma_wait3A_254 = tpu.memref_slice %arg8[%dma_wait3A_252, %dma_wait3A_253] : memref<40x128xi32, #tpu.memory_space<vmem>> -> memref<40x128xi32, #tpu.memory_space<vmem>>
      %dma_wait3A_255 = arith.constant 80 : i32
      %dma_wait3A_256 = arith.constant 0 : i32
      %dma_wait3A_257 = tpu.memref_slice %arg3[%arg1, %dma_wait3A_255, %dma_wait3A_256] : memref<16x160x128xi32, #tpu.memory_space<hbm>> -> memref<1x40x128xi32, #tpu.memory_space<hbm>>
      %dma_wait3A_258 = tpu.memref_squeeze %dma_wait3A_257 : memref<1x40x128xi32, #tpu.memory_space<hbm>> -> memref<40x128xi32, #tpu.memory_space<hbm>>
      %dma_wait3A_259 = arith.constant 0 : i32
      %dma_wait3A_260 = arith.constant 0 : i32
      %dma_wait3A_261 = tpu.memref_slice %arg8[%dma_wait3A_259, %dma_wait3A_260] : memref<40x128xi32, #tpu.memory_space<vmem>> -> memref<40x128xi32, #tpu.memory_space<vmem>>
      %dma_wait3A_262 = arith.constant 80 : i32
      %dma_wait3A_263 = arith.constant 0 : i32
      %dma_wait3A_264 = tpu.memref_slice %arg3[%arg1, %dma_wait3A_262, %dma_wait3A_263] : memref<16x160x128xi32, #tpu.memory_space<hbm>> -> memref<1x40x128xi32, #tpu.memory_space<hbm>>
      %dma_wait3A_265 = tpu.memref_squeeze %dma_wait3A_264 : memref<1x40x128xi32, #tpu.memory_space<hbm>> -> memref<40x128xi32, #tpu.memory_space<hbm>>
      tpu.wait_dma2 semaphore(%arg18 : memref<!tpu.dma_semaphore, #tpu.memory_space<semaphore_mem>>) src(%dma_wait3A_265 : memref<40x128xi32, #tpu.memory_space<hbm>>) dst(%dma_wait3A_261 : memref<40x128xi32, #tpu.memory_space<vmem>>)
      %dma_start3A_266 = arith.constant 0 : i32
      %dma_start3A_267 = arith.constant 0 : i32
      %dma_start3A_268 = tpu.memref_slice %arg7[%dma_start3A_266, %dma_start3A_267] : memref<40x128xi32, #tpu.memory_space<vmem>> -> memref<1x128xi32, #tpu.memory_space<vmem>>
      %dma_start3A_269 = tpu.memref_squeeze %dma_start3A_268 : memref<1x128xi32, #tpu.memory_space<vmem>> -> memref<128xi32, #tpu.memory_space<vmem>>
      %dma_start3A_270 = arith.constant 0 : i32
      %dma_start3A_271 = arith.constant 0 : i32
      %dma_start3A_272 = tpu.memref_slice %arg4[%dma_start3A_270, %dma_start3A_271] : memref<10240x128xf32, #tpu.memory_space<hbm>> -> memref<10240x128xf32, #tpu.memory_space<hbm>>
      tpu.enqueue_indirect_dma source(%dma_start3A_272 : memref<10240x128xf32, #tpu.memory_space<hbm>>) target(%arg9 : memref<128x128xf32, #tpu.memory_space<vmem>>) offsets(%dma_start3A_269 : memref<128xi32, #tpu.memory_space<vmem>>) semaphore(%arg15 : memref<!tpu.dma_semaphore, #tpu.memory_space<semaphore_mem>>)
      %dma_start3A_273 = arith.constant 1 : i32
      %dma_start3A_274 = arith.constant 0 : i32
      %dma_start3A_275 = tpu.memref_slice %arg7[%dma_start3A_273, %dma_start3A_274] : memref<40x128xi32, #tpu.memory_space<vmem>> -> memref<1x128xi32, #tpu.memory_space<vmem>>
      %dma_start3A_276 = tpu.memref_squeeze %dma_start3A_275 : memref<1x128xi32, #tpu.memory_space<vmem>> -> memref<128xi32, #tpu.memory_space<vmem>>
      %dma_start3A_277 = arith.constant 0 : i32
      %dma_start3A_278 = arith.constant 0 : i32
      %dma_start3A_279 = tpu.memref_slice %arg4[%dma_start3A_277, %dma_start3A_278] : memref<10240x128xf32, #tpu.memory_space<hbm>> -> memref<10240x128xf32, #tpu.memory_space<hbm>>
      tpu.enqueue_indirect_dma source(%dma_start3A_279 : memref<10240x128xf32, #tpu.memory_space<hbm>>) target(%arg10 : memref<128x128xf32, #tpu.memory_space<vmem>>) offsets(%dma_start3A_276 : memref<128xi32, #tpu.memory_space<vmem>>) semaphore(%arg16 : memref<!tpu.dma_semaphore, #tpu.memory_space<semaphore_mem>>)
      %scan3A_280 = arith.constant 0 : i32
      %scan3A_281 = arith.constant 0 : i32
      %scan3A_282 = arith.constant 20 : i32
      %scan3A_283 = arith.addi %scan3A_281, %scan3A_282 : i32
      %scan3A_284 = arith.constant 1 : i32
      %scan3A_285 = scf.for %scan3A_287 = %scan3A_281 to %scan3A_283 step %scan3A_284 iter_args(%scan3A_288 = %scan3A_280) -> (i32)  : i32 {
        %mul3A_289 = arith.constant 2 : i32
        %mul3A_290 = arith.muli %mul3A_289, %scan3A_287 : i32
        %dma_wait3A_291 = arith.constant 0 : i32
        %dma_wait3A_292 = tpu.memref_slice %arg7[%mul3A_290, %dma_wait3A_291] : memref<40x128xi32, #tpu.memory_space<vmem>> -> memref<1x128xi32, #tpu.memory_space<vmem>>
        %dma_wait3A_293 = tpu.memref_squeeze %dma_wait3A_292 : memref<1x128xi32, #tpu.memory_space<vmem>> -> memref<128xi32, #tpu.memory_space<vmem>>
        %dma_wait3A_294 = arith.constant 0 : i32
        %dma_wait3A_295 = arith.constant 0 : i32
        %dma_wait3A_296 = tpu.memref_slice %arg4[%dma_wait3A_294, %dma_wait3A_295] : memref<10240x128xf32, #tpu.memory_space<hbm>> -> memref<10240x128xf32, #tpu.memory_space<hbm>>
        tpu.wait_indirect_dma semaphore(%arg15 : memref<!tpu.dma_semaphore, #tpu.memory_space<semaphore_mem>>) src(%dma_wait3A_296 : memref<10240x128xf32, #tpu.memory_space<hbm>>) dst(%arg9 : memref<128x128xf32, #tpu.memory_space<vmem>>)
        %dma_start3A_297 = arith.constant 0 : i32
        %dma_start3A_298 = tpu.memref_slice %arg8[%mul3A_290, %dma_start3A_297] : memref<40x128xi32, #tpu.memory_space<vmem>> -> memref<1x128xi32, #tpu.memory_space<vmem>>
        %dma_start3A_299 = tpu.memref_squeeze %dma_start3A_298 : memref<1x128xi32, #tpu.memory_space<vmem>> -> memref<128xi32, #tpu.memory_space<vmem>>
        %dma_start3A_300 = arith.constant 0 : i32
        %dma_start3A_301 = tpu.memref_slice %arg13[%dma_start3A_300] : memref<10240xf32, #tpu.memory_space<vmem_shared>> -> memref<10240xf32, #tpu.memory_space<vmem_shared>>
        tpu.enqueue_indirect_dma source(%arg11 : memref<128xf32, #tpu.memory_space<vmem>>) target(%dma_start3A_301 : memref<10240xf32, #tpu.memory_space<vmem_shared>>) offsets(%dma_start3A_299 : memref<128xi32, #tpu.memory_space<vmem>>) semaphore(%arg17 : memref<!tpu.dma_semaphore, #tpu.memory_space<semaphore_mem>>) {add = true}
        "tpu.region"() ({
          %run_scoped3A = tpu.sem_alloc : memref<!tpu.dma_semaphore, #tpu.memory_space<semaphore_mem>>
          %dma_start3A_340 = arith.constant 0 : i32
          %dma_start3A_341 = tpu.memref_slice %arg8[%mul3A_290, %dma_start3A_340] : memref<40x128xi32, #tpu.memory_space<vmem>> -> memref<1x128xi32, #tpu.memory_space<vmem>>
          %dma_start3A_342 = tpu.memref_squeeze %dma_start3A_341 : memref<1x128xi32, #tpu.memory_space<vmem>> -> memref<128xi32, #tpu.memory_space<vmem>>
          %dma_start3A_343 = arith.constant 0 : i32
          %dma_start3A_344 = arith.constant 0 : i32
          %dma_start3A_345 = tpu.memref_slice %arg14[%dma_start3A_343, %dma_start3A_344] : memref<10240x128xf32, #tpu.memory_space<vmem_shared>> -> memref<10240x128xf32, #tpu.memory_space<vmem_shared>>
          tpu.enqueue_indirect_dma source(%arg9 : memref<128x128xf32, #tpu.memory_space<vmem>>) target(%dma_start3A_345 : memref<10240x128xf32, #tpu.memory_space<vmem_shared>>) offsets(%dma_start3A_342 : memref<128xi32, #tpu.memory_space<vmem>>) semaphore(%run_scoped3A : memref<!tpu.dma_semaphore, #tpu.memory_space<semaphore_mem>>) {add = true}
          %dma_wait3A_346 = arith.constant 0 : i32
          %dma_wait3A_347 = tpu.memref_slice %arg8[%mul3A_290, %dma_wait3A_346] : memref<40x128xi32, #tpu.memory_space<vmem>> -> memref<1x128xi32, #tpu.memory_space<vmem>>
          %dma_wait3A_348 = tpu.memref_squeeze %dma_wait3A_347 : memref<1x128xi32, #tpu.memory_space<vmem>> -> memref<128xi32, #tpu.memory_space<vmem>>
          %dma_wait3A_349 = arith.constant 0 : i32
          %dma_wait3A_350 = arith.constant 0 : i32
          %dma_wait3A_351 = tpu.memref_slice %arg14[%dma_wait3A_349, %dma_wait3A_350] : memref<10240x128xf32, #tpu.memory_space<vmem_shared>> -> memref<10240x128xf32, #tpu.memory_space<vmem_shared>>
          tpu.wait_indirect_dma semaphore(%run_scoped3A : memref<!tpu.dma_semaphore, #tpu.memory_space<semaphore_mem>>) src(%arg9 : memref<128x128xf32, #tpu.memory_space<vmem>>) dst(%dma_wait3A_351 : memref<10240x128xf32, #tpu.memory_space<vmem_shared>>)
          tpu.yield
        }) : () -> ()
        %dma_wait3A_302 = arith.constant 0 : i32
        %dma_wait3A_303 = tpu.memref_slice %arg8[%mul3A_290, %dma_wait3A_302] : memref<40x128xi32, #tpu.memory_space<vmem>> -> memref<1x128xi32, #tpu.memory_space<vmem>>
        %dma_wait3A_304 = tpu.memref_squeeze %dma_wait3A_303 : memref<1x128xi32, #tpu.memory_space<vmem>> -> memref<128xi32, #tpu.memory_space<vmem>>
        %dma_wait3A_305 = arith.constant 0 : i32
        %dma_wait3A_306 = tpu.memref_slice %arg13[%dma_wait3A_305] : memref<10240xf32, #tpu.memory_space<vmem_shared>> -> memref<10240xf32, #tpu.memory_space<vmem_shared>>
        tpu.wait_indirect_dma semaphore(%arg17 : memref<!tpu.dma_semaphore, #tpu.memory_space<semaphore_mem>>) src(%arg11 : memref<128xf32, #tpu.memory_space<vmem>>) dst(%dma_wait3A_306 : memref<10240xf32, #tpu.memory_space<vmem_shared>>)
        %add3A = arith.constant 2 : i32
        %add3A_307 = arith.addi %mul3A_290, %add3A : i32
        %lt3A = arith.constant 40 : i32
        %lt3A_308 = arith.cmpi slt, %add3A_307, %lt3A : i32
        %convert_element_type3A_309 = arith.extui %lt3A_308 : i1 to i32
        %cond3A_310 = arith.constant 0 : i32
        %cond3A_311 = arith.cmpi ne, %convert_element_type3A_309, %cond3A_310 : i32
        scf.if %cond3A_311 {
          %add3A_340 = arith.constant 2 : i32
          %add3A_341 = arith.addi %mul3A_290, %add3A_340 : i32
          %dma_start3A_342 = arith.constant 0 : i32
          %dma_start3A_343 = tpu.memref_slice %arg7[%add3A_341, %dma_start3A_342] : memref<40x128xi32, #tpu.memory_space<vmem>> -> memref<1x128xi32, #tpu.memory_space<vmem>>
          %dma_start3A_344 = tpu.memref_squeeze %dma_start3A_343 : memref<1x128xi32, #tpu.memory_space<vmem>> -> memref<128xi32, #tpu.memory_space<vmem>>
          %dma_start3A_345 = arith.constant 0 : i32
          %dma_start3A_346 = arith.constant 0 : i32
          %dma_start3A_347 = tpu.memref_slice %arg4[%dma_start3A_345, %dma_start3A_346] : memref<10240x128xf32, #tpu.memory_space<hbm>> -> memref<10240x128xf32, #tpu.memory_space<hbm>>
          tpu.enqueue_indirect_dma source(%dma_start3A_347 : memref<10240x128xf32, #tpu.memory_space<hbm>>) target(%arg9 : memref<128x128xf32, #tpu.memory_space<vmem>>) offsets(%dma_start3A_344 : memref<128xi32, #tpu.memory_space<vmem>>) semaphore(%arg15 : memref<!tpu.dma_semaphore, #tpu.memory_space<semaphore_mem>>)
        } else {
        }
        %add3A_312 = arith.constant 1 : i32
        %add3A_313 = arith.addi %mul3A_290, %add3A_312 : i32
        %dma_wait3A_314 = arith.constant 0 : i32
        %dma_wait3A_315 = tpu.memref_slice %arg7[%add3A_313, %dma_wait3A_314] : memref<40x128xi32, #tpu.memory_space<vmem>> -> memref<1x128xi32, #tpu.memory_space<vmem>>
        %dma_wait3A_316 = tpu.memref_squeeze %dma_wait3A_315 : memref<1x128xi32, #tpu.memory_space<vmem>> -> memref<128xi32, #tpu.memory_space<vmem>>
        %dma_wait3A_317 = arith.constant 0 : i32
        %dma_wait3A_318 = arith.constant 0 : i32
        %dma_wait3A_319 = tpu.memref_slice %arg4[%dma_wait3A_317, %dma_wait3A_318] : memref<10240x128xf32, #tpu.memory_space<hbm>> -> memref<10240x128xf32, #tpu.memory_space<hbm>>
        tpu.wait_indirect_dma semaphore(%arg16 : memref<!tpu.dma_semaphore, #tpu.memory_space<semaphore_mem>>) src(%dma_wait3A_319 : memref<10240x128xf32, #tpu.memory_space<hbm>>) dst(%arg10 : memref<128x128xf32, #tpu.memory_space<vmem>>)
        %add3A_320 = arith.constant 1 : i32
        %add3A_321 = arith.addi %mul3A_290, %add3A_320 : i32
        %dma_start3A_322 = arith.constant 0 : i32
        %dma_start3A_323 = tpu.memref_slice %arg8[%add3A_321, %dma_start3A_322] : memref<40x128xi32, #tpu.memory_space<vmem>> -> memref<1x128xi32, #tpu.memory_space<vmem>>
        %dma_start3A_324 = tpu.memref_squeeze %dma_start3A_323 : memref<1x128xi32, #tpu.memory_space<vmem>> -> memref<128xi32, #tpu.memory_space<vmem>>
        %dma_start3A_325 = arith.constant 0 : i32
        %dma_start3A_326 = tpu.memref_slice %arg13[%dma_start3A_325] : memref<10240xf32, #tpu.memory_space<vmem_shared>> -> memref<10240xf32, #tpu.memory_space<vmem_shared>>
        tpu.enqueue_indirect_dma source(%arg11 : memref<128xf32, #tpu.memory_space<vmem>>) target(%dma_start3A_326 : memref<10240xf32, #tpu.memory_space<vmem_shared>>) offsets(%dma_start3A_324 : memref<128xi32, #tpu.memory_space<vmem>>) semaphore(%arg17 : memref<!tpu.dma_semaphore, #tpu.memory_space<semaphore_mem>>) {add = true}
        "tpu.region"() ({
          %run_scoped3A = tpu.sem_alloc : memref<!tpu.dma_semaphore, #tpu.memory_space<semaphore_mem>>
          %dma_start3A_340 = arith.constant 0 : i32
          %dma_start3A_341 = tpu.memref_slice %arg8[%add3A_321, %dma_start3A_340] : memref<40x128xi32, #tpu.memory_space<vmem>> -> memref<1x128xi32, #tpu.memory_space<vmem>>
          %dma_start3A_342 = tpu.memref_squeeze %dma_start3A_341 : memref<1x128xi32, #tpu.memory_space<vmem>> -> memref<128xi32, #tpu.memory_space<vmem>>
          %dma_start3A_343 = arith.constant 0 : i32
          %dma_start3A_344 = arith.constant 0 : i32
          %dma_start3A_345 = tpu.memref_slice %arg14[%dma_start3A_343, %dma_start3A_344] : memref<10240x128xf32, #tpu.memory_space<vmem_shared>> -> memref<10240x128xf32, #tpu.memory_space<vmem_shared>>
          tpu.enqueue_indirect_dma source(%arg10 : memref<128x128xf32, #tpu.memory_space<vmem>>) target(%dma_start3A_345 : memref<10240x128xf32, #tpu.memory_space<vmem_shared>>) offsets(%dma_start3A_342 : memref<128xi32, #tpu.memory_space<vmem>>) semaphore(%run_scoped3A : memref<!tpu.dma_semaphore, #tpu.memory_space<semaphore_mem>>) {add = true}
          %dma_wait3A_346 = arith.constant 0 : i32
          %dma_wait3A_347 = tpu.memref_slice %arg8[%add3A_321, %dma_wait3A_346] : memref<40x128xi32, #tpu.memory_space<vmem>> -> memref<1x128xi32, #tpu.memory_space<vmem>>
          %dma_wait3A_348 = tpu.memref_squeeze %dma_wait3A_347 : memref<1x128xi32, #tpu.memory_space<vmem>> -> memref<128xi32, #tpu.memory_space<vmem>>
          %dma_wait3A_349 = arith.constant 0 : i32
          %dma_wait3A_350 = arith.constant 0 : i32
          %dma_wait3A_351 = tpu.memref_slice %arg14[%dma_wait3A_349, %dma_wait3A_350] : memref<10240x128xf32, #tpu.memory_space<vmem_shared>> -> memref<10240x128xf32, #tpu.memory_space<vmem_shared>>
          tpu.wait_indirect_dma semaphore(%run_scoped3A : memref<!tpu.dma_semaphore, #tpu.memory_space<semaphore_mem>>) src(%arg10 : memref<128x128xf32, #tpu.memory_space<vmem>>) dst(%dma_wait3A_351 : memref<10240x128xf32, #tpu.memory_space<vmem_shared>>)
          tpu.yield
        }) : () -> ()
        %dma_wait3A_327 = arith.constant 0 : i32
        %dma_wait3A_328 = tpu.memref_slice %arg8[%add3A_321, %dma_wait3A_327] : memref<40x128xi32, #tpu.memory_space<vmem>> -> memref<1x128xi32, #tpu.memory_space<vmem>>
        %dma_wait3A_329 = tpu.memref_squeeze %dma_wait3A_328 : memref<1x128xi32, #tpu.memory_space<vmem>> -> memref<128xi32, #tpu.memory_space<vmem>>
        %dma_wait3A_330 = arith.constant 0 : i32
        %dma_wait3A_331 = tpu.memref_slice %arg13[%dma_wait3A_330] : memref<10240xf32, #tpu.memory_space<vmem_shared>> -> memref<10240xf32, #tpu.memory_space<vmem_shared>>
        tpu.wait_indirect_dma semaphore(%arg17 : memref<!tpu.dma_semaphore, #tpu.memory_space<semaphore_mem>>) src(%arg11 : memref<128xf32, #tpu.memory_space<vmem>>) dst(%dma_wait3A_331 : memref<10240xf32, #tpu.memory_space<vmem_shared>>)
        %add3A_332 = arith.constant 2 : i32
        %add3A_333 = arith.addi %add3A_321, %add3A_332 : i32
        %lt3A_334 = arith.constant 40 : i32
        %lt3A_335 = arith.cmpi slt, %add3A_333, %lt3A_334 : i32
        %convert_element_type3A_336 = arith.extui %lt3A_335 : i1 to i32
        %cond3A_337 = arith.constant 0 : i32
        %cond3A_338 = arith.cmpi ne, %convert_element_type3A_336, %cond3A_337 : i32
        scf.if %cond3A_338 {
          %add3A_340 = arith.constant 2 : i32
          %add3A_341 = arith.addi %add3A_321, %add3A_340 : i32
          %dma_start3A_342 = arith.constant 0 : i32
          %dma_start3A_343 = tpu.memref_slice %arg7[%add3A_341, %dma_start3A_342] : memref<40x128xi32, #tpu.memory_space<vmem>> -> memref<1x128xi32, #tpu.memory_space<vmem>>
          %dma_start3A_344 = tpu.memref_squeeze %dma_start3A_343 : memref<1x128xi32, #tpu.memory_space<vmem>> -> memref<128xi32, #tpu.memory_space<vmem>>
          %dma_start3A_345 = arith.constant 0 : i32
          %dma_start3A_346 = arith.constant 0 : i32
          %dma_start3A_347 = tpu.memref_slice %arg4[%dma_start3A_345, %dma_start3A_346] : memref<10240x128xf32, #tpu.memory_space<hbm>> -> memref<10240x128xf32, #tpu.memory_space<hbm>>
          tpu.enqueue_indirect_dma source(%dma_start3A_347 : memref<10240x128xf32, #tpu.memory_space<hbm>>) target(%arg10 : memref<128x128xf32, #tpu.memory_space<vmem>>) offsets(%dma_start3A_344 : memref<128xi32, #tpu.memory_space<vmem>>) semaphore(%arg16 : memref<!tpu.dma_semaphore, #tpu.memory_space<semaphore_mem>>)
        } else {
        }
        %scan3A_339 = arith.constant 0 : i32
        scf.yield %scan3A_339 : i32
      }
      %scan3A_286 = arith.constant 20 : i32
    } else {
    }
    %ne3A = arith.constant 0 : i32
    %ne3A_53 = arith.cmpi ne, %arg0, %ne3A : i32
    %convert_element_type3A_54 = arith.extui %ne3A_53 : i1 to i32
    %cond3A_55 = arith.constant 0 : i32
    %cond3A_56 = arith.cmpi ne, %convert_element_type3A_54, %cond3A_55 : i32
    scf.if %cond3A_56 {
      %dma_start3A = arith.constant 0 : i32
      %dma_start3A_58 = arith.constant 0 : i32
      %dma_start3A_59 = tpu.memref_slice %arg7[%dma_start3A, %dma_start3A_58] : memref<40x128xi32, #tpu.memory_space<vmem>> -> memref<40x128xi32, #tpu.memory_space<vmem>>
      %dma_start3A_60 = arith.constant 120 : i32
      %dma_start3A_61 = arith.constant 0 : i32
      %dma_start3A_62 = tpu.memref_slice %arg2[%arg1, %dma_start3A_60, %dma_start3A_61] : memref<16x160x128xi32, #tpu.memory_space<hbm>> -> memref<1x40x128xi32, #tpu.memory_space<hbm>>
      %dma_start3A_63 = tpu.memref_squeeze %dma_start3A_62 : memref<1x40x128xi32, #tpu.memory_space<hbm>> -> memref<40x128xi32, #tpu.memory_space<hbm>>
      %dma_start3A_64 = arith.constant 0 : i32
      %dma_start3A_65 = arith.constant 0 : i32
      %dma_start3A_66 = tpu.memref_slice %arg7[%dma_start3A_64, %dma_start3A_65] : memref<40x128xi32, #tpu.memory_space<vmem>> -> memref<40x128xi32, #tpu.memory_space<vmem>>
      %dma_start3A_67 = arith.constant 120 : i32
      %dma_start3A_68 = arith.constant 0 : i32
      %dma_start3A_69 = tpu.memref_slice %arg2[%arg1, %dma_start3A_67, %dma_start3A_68] : memref<16x160x128xi32, #tpu.memory_space<hbm>> -> memref<1x40x128xi32, #tpu.memory_space<hbm>>
      %dma_start3A_70 = tpu.memref_squeeze %dma_start3A_69 : memref<1x40x128xi32, #tpu.memory_space<hbm>> -> memref<40x128xi32, #tpu.memory_space<hbm>>
      tpu.enqueue_dma source(%dma_start3A_70 : memref<40x128xi32, #tpu.memory_space<hbm>>) target(%dma_start3A_66 : memref<40x128xi32, #tpu.memory_space<vmem>>) target_semaphore(%arg18 : memref<!tpu.dma_semaphore, #tpu.memory_space<semaphore_mem>>)
      %dma_start3A_71 = arith.constant 0 : i32
      %dma_start3A_72 = arith.constant 0 : i32
      %dma_start3A_73 = tpu.memref_slice %arg8[%dma_start3A_71, %dma_start3A_72] : memref<40x128xi32, #tpu.memory_space<vmem>> -> memref<40x128xi32, #tpu.memory_space<vmem>>
      %dma_start3A_74 = arith.constant 120 : i32
      %dma_start3A_75 = arith.constant 0 : i32
      %dma_start3A_76 = tpu.memref_slice %arg3[%arg1, %dma_start3A_74, %dma_start3A_75] : memref<16x160x128xi32, #tpu.memory_space<hbm>> -> memref<1x40x128xi32, #tpu.memory_space<hbm>>
      %dma_start3A_77 = tpu.memref_squeeze %dma_start3A_76 : memref<1x40x128xi32, #tpu.memory_space<hbm>> -> memref<40x128xi32, #tpu.memory_space<hbm>>
      %dma_start3A_78 = arith.constant 0 : i32
      %dma_start3A_79 = arith.constant 0 : i32
      %dma_start3A_80 = tpu.memref_slice %arg8[%dma_start3A_78, %dma_start3A_79] : memref<40x128xi32, #tpu.memory_space<vmem>> -> memref<40x128xi32, #tpu.memory_space<vmem>>
      %dma_start3A_81 = arith.constant 120 : i32
      %dma_start3A_82 = arith.constant 0 : i32
      %dma_start3A_83 = tpu.memref_slice %arg3[%arg1, %dma_start3A_81, %dma_start3A_82] : memref<16x160x128xi32, #tpu.memory_space<hbm>> -> memref<1x40x128xi32, #tpu.memory_space<hbm>>
      %dma_start3A_84 = tpu.memref_squeeze %dma_start3A_83 : memref<1x40x128xi32, #tpu.memory_space<hbm>> -> memref<40x128xi32, #tpu.memory_space<hbm>>
      tpu.enqueue_dma source(%dma_start3A_84 : memref<40x128xi32, #tpu.memory_space<hbm>>) target(%dma_start3A_80 : memref<40x128xi32, #tpu.memory_space<vmem>>) target_semaphore(%arg18 : memref<!tpu.dma_semaphore, #tpu.memory_space<semaphore_mem>>)
      %dma_wait3A = arith.constant 0 : i32
      %dma_wait3A_85 = arith.constant 0 : i32
      %dma_wait3A_86 = tpu.memref_slice %arg7[%dma_wait3A, %dma_wait3A_85] : memref<40x128xi32, #tpu.memory_space<vmem>> -> memref<40x128xi32, #tpu.memory_space<vmem>>
      %dma_wait3A_87 = arith.constant 120 : i32
      %dma_wait3A_88 = arith.constant 0 : i32
      %dma_wait3A_89 = tpu.memref_slice %arg2[%arg1, %dma_wait3A_87, %dma_wait3A_88] : memref<16x160x128xi32, #tpu.memory_space<hbm>> -> memref<1x40x128xi32, #tpu.memory_space<hbm>>
      %dma_wait3A_90 = tpu.memref_squeeze %dma_wait3A_89 : memref<1x40x128xi32, #tpu.memory_space<hbm>> -> memref<40x128xi32, #tpu.memory_space<hbm>>
      %dma_wait3A_91 = arith.constant 0 : i32
      %dma_wait3A_92 = arith.constant 0 : i32
      %dma_wait3A_93 = tpu.memref_slice %arg7[%dma_wait3A_91, %dma_wait3A_92] : memref<40x128xi32, #tpu.memory_space<vmem>> -> memref<40x128xi32, #tpu.memory_space<vmem>>
      %dma_wait3A_94 = arith.constant 120 : i32
      %dma_wait3A_95 = arith.constant 0 : i32
      %dma_wait3A_96 = tpu.memref_slice %arg2[%arg1, %dma_wait3A_94, %dma_wait3A_95] : memref<16x160x128xi32, #tpu.memory_space<hbm>> -> memref<1x40x128xi32, #tpu.memory_space<hbm>>
      %dma_wait3A_97 = tpu.memref_squeeze %dma_wait3A_96 : memref<1x40x128xi32, #tpu.memory_space<hbm>> -> memref<40x128xi32, #tpu.memory_space<hbm>>
      tpu.wait_dma2 semaphore(%arg18 : memref<!tpu.dma_semaphore, #tpu.memory_space<semaphore_mem>>) src(%dma_wait3A_97 : memref<40x128xi32, #tpu.memory_space<hbm>>) dst(%dma_wait3A_93 : memref<40x128xi32, #tpu.memory_space<vmem>>)
      %dma_wait3A_98 = arith.constant 0 : i32
      %dma_wait3A_99 = arith.constant 0 : i32
      %dma_wait3A_100 = tpu.memref_slice %arg8[%dma_wait3A_98, %dma_wait3A_99] : memref<40x128xi32, #tpu.memory_space<vmem>> -> memref<40x128xi32, #tpu.memory_space<vmem>>
      %dma_wait3A_101 = arith.constant 120 : i32
      %dma_wait3A_102 = arith.constant 0 : i32
      %dma_wait3A_103 = tpu.memref_slice %arg3[%arg1, %dma_wait3A_101, %dma_wait3A_102] : memref<16x160x128xi32, #tpu.memory_space<hbm>> -> memref<1x40x128xi32, #tpu.memory_space<hbm>>
      %dma_wait3A_104 = tpu.memref_squeeze %dma_wait3A_103 : memref<1x40x128xi32, #tpu.memory_space<hbm>> -> memref<40x128xi32, #tpu.memory_space<hbm>>
      %dma_wait3A_105 = arith.constant 0 : i32
      %dma_wait3A_106 = arith.constant 0 : i32
      %dma_wait3A_107 = tpu.memref_slice %arg8[%dma_wait3A_105, %dma_wait3A_106] : memref<40x128xi32, #tpu.memory_space<vmem>> -> memref<40x128xi32, #tpu.memory_space<vmem>>
      %dma_wait3A_108 = arith.constant 120 : i32
      %dma_wait3A_109 = arith.constant 0 : i32
      %dma_wait3A_110 = tpu.memref_slice %arg3[%arg1, %dma_wait3A_108, %dma_wait3A_109] : memref<16x160x128xi32, #tpu.memory_space<hbm>> -> memref<1x40x128xi32, #tpu.memory_space<hbm>>
      %dma_wait3A_111 = tpu.memref_squeeze %dma_wait3A_110 : memref<1x40x128xi32, #tpu.memory_space<hbm>> -> memref<40x128xi32, #tpu.memory_space<hbm>>
      tpu.wait_dma2 semaphore(%arg18 : memref<!tpu.dma_semaphore, #tpu.memory_space<semaphore_mem>>) src(%dma_wait3A_111 : memref<40x128xi32, #tpu.memory_space<hbm>>) dst(%dma_wait3A_107 : memref<40x128xi32, #tpu.memory_space<vmem>>)
      %dma_start3A_112 = arith.constant 0 : i32
      %dma_start3A_113 = arith.constant 0 : i32
      %dma_start3A_114 = tpu.memref_slice %arg7[%dma_start3A_112, %dma_start3A_113] : memref<40x128xi32, #tpu.memory_space<vmem>> -> memref<1x128xi32, #tpu.memory_space<vmem>>
      %dma_start3A_115 = tpu.memref_squeeze %dma_start3A_114 : memref<1x128xi32, #tpu.memory_space<vmem>> -> memref<128xi32, #tpu.memory_space<vmem>>
      %dma_start3A_116 = arith.constant 0 : i32
      %dma_start3A_117 = arith.constant 0 : i32
      %dma_start3A_118 = tpu.memref_slice %arg4[%dma_start3A_116, %dma_start3A_117] : memref<10240x128xf32, #tpu.memory_space<hbm>> -> memref<10240x128xf32, #tpu.memory_space<hbm>>
      tpu.enqueue_indirect_dma source(%dma_start3A_118 : memref<10240x128xf32, #tpu.memory_space<hbm>>) target(%arg9 : memref<128x128xf32, #tpu.memory_space<vmem>>) offsets(%dma_start3A_115 : memref<128xi32, #tpu.memory_space<vmem>>) semaphore(%arg15 : memref<!tpu.dma_semaphore, #tpu.memory_space<semaphore_mem>>)
      %dma_start3A_119 = arith.constant 1 : i32
      %dma_start3A_120 = arith.constant 0 : i32
      %dma_start3A_121 = tpu.memref_slice %arg7[%dma_start3A_119, %dma_start3A_120] : memref<40x128xi32, #tpu.memory_space<vmem>> -> memref<1x128xi32, #tpu.memory_space<vmem>>
      %dma_start3A_122 = tpu.memref_squeeze %dma_start3A_121 : memref<1x128xi32, #tpu.memory_space<vmem>> -> memref<128xi32, #tpu.memory_space<vmem>>
      %dma_start3A_123 = arith.constant 0 : i32
      %dma_start3A_124 = arith.constant 0 : i32
      %dma_start3A_125 = tpu.memref_slice %arg4[%dma_start3A_123, %dma_start3A_124] : memref<10240x128xf32, #tpu.memory_space<hbm>> -> memref<10240x128xf32, #tpu.memory_space<hbm>>
      tpu.enqueue_indirect_dma source(%dma_start3A_125 : memref<10240x128xf32, #tpu.memory_space<hbm>>) target(%arg10 : memref<128x128xf32, #tpu.memory_space<vmem>>) offsets(%dma_start3A_122 : memref<128xi32, #tpu.memory_space<vmem>>) semaphore(%arg16 : memref<!tpu.dma_semaphore, #tpu.memory_space<semaphore_mem>>)
      %scan3A_126 = arith.constant 0 : i32
      %scan3A_127 = arith.constant 0 : i32
      %scan3A_128 = arith.constant 20 : i32
      %scan3A_129 = arith.addi %scan3A_127, %scan3A_128 : i32
      %scan3A_130 = arith.constant 1 : i32
      %scan3A_131 = scf.for %scan3A_133 = %scan3A_127 to %scan3A_129 step %scan3A_130 iter_args(%scan3A_134 = %scan3A_126) -> (i32)  : i32 {
        %mul3A_135 = arith.constant 2 : i32
        %mul3A_136 = arith.muli %mul3A_135, %scan3A_133 : i32
        %dma_wait3A_137 = arith.constant 0 : i32
        %dma_wait3A_138 = tpu.memref_slice %arg7[%mul3A_136, %dma_wait3A_137] : memref<40x128xi32, #tpu.memory_space<vmem>> -> memref<1x128xi32, #tpu.memory_space<vmem>>
        %dma_wait3A_139 = tpu.memref_squeeze %dma_wait3A_138 : memref<1x128xi32, #tpu.memory_space<vmem>> -> memref<128xi32, #tpu.memory_space<vmem>>
        %dma_wait3A_140 = arith.constant 0 : i32
        %dma_wait3A_141 = arith.constant 0 : i32
        %dma_wait3A_142 = tpu.memref_slice %arg4[%dma_wait3A_140, %dma_wait3A_141] : memref<10240x128xf32, #tpu.memory_space<hbm>> -> memref<10240x128xf32, #tpu.memory_space<hbm>>
        tpu.wait_indirect_dma semaphore(%arg15 : memref<!tpu.dma_semaphore, #tpu.memory_space<semaphore_mem>>) src(%dma_wait3A_142 : memref<10240x128xf32, #tpu.memory_space<hbm>>) dst(%arg9 : memref<128x128xf32, #tpu.memory_space<vmem>>)
        %dma_start3A_143 = arith.constant 0 : i32
        %dma_start3A_144 = tpu.memref_slice %arg8[%mul3A_136, %dma_start3A_143] : memref<40x128xi32, #tpu.memory_space<vmem>> -> memref<1x128xi32, #tpu.memory_space<vmem>>
        %dma_start3A_145 = tpu.memref_squeeze %dma_start3A_144 : memref<1x128xi32, #tpu.memory_space<vmem>> -> memref<128xi32, #tpu.memory_space<vmem>>
        %dma_start3A_146 = arith.constant 0 : i32
        %dma_start3A_147 = tpu.memref_slice %arg13[%dma_start3A_146] : memref<10240xf32, #tpu.memory_space<vmem_shared>> -> memref<10240xf32, #tpu.memory_space<vmem_shared>>
        tpu.enqueue_indirect_dma source(%arg11 : memref<128xf32, #tpu.memory_space<vmem>>) target(%dma_start3A_147 : memref<10240xf32, #tpu.memory_space<vmem_shared>>) offsets(%dma_start3A_145 : memref<128xi32, #tpu.memory_space<vmem>>) semaphore(%arg17 : memref<!tpu.dma_semaphore, #tpu.memory_space<semaphore_mem>>) {add = true}
        "tpu.region"() ({
          %run_scoped3A = tpu.sem_alloc : memref<!tpu.dma_semaphore, #tpu.memory_space<semaphore_mem>>
          %dma_start3A_186 = arith.constant 0 : i32
          %dma_start3A_187 = tpu.memref_slice %arg8[%mul3A_136, %dma_start3A_186] : memref<40x128xi32, #tpu.memory_space<vmem>> -> memref<1x128xi32, #tpu.memory_space<vmem>>
          %dma_start3A_188 = tpu.memref_squeeze %dma_start3A_187 : memref<1x128xi32, #tpu.memory_space<vmem>> -> memref<128xi32, #tpu.memory_space<vmem>>
          %dma_start3A_189 = arith.constant 0 : i32
          %dma_start3A_190 = arith.constant 0 : i32
          %dma_start3A_191 = tpu.memref_slice %arg14[%dma_start3A_189, %dma_start3A_190] : memref<10240x128xf32, #tpu.memory_space<vmem_shared>> -> memref<10240x128xf32, #tpu.memory_space<vmem_shared>>
          tpu.enqueue_indirect_dma source(%arg9 : memref<128x128xf32, #tpu.memory_space<vmem>>) target(%dma_start3A_191 : memref<10240x128xf32, #tpu.memory_space<vmem_shared>>) offsets(%dma_start3A_188 : memref<128xi32, #tpu.memory_space<vmem>>) semaphore(%run_scoped3A : memref<!tpu.dma_semaphore, #tpu.memory_space<semaphore_mem>>) {add = true}
          %dma_wait3A_192 = arith.constant 0 : i32
          %dma_wait3A_193 = tpu.memref_slice %arg8[%mul3A_136, %dma_wait3A_192] : memref<40x128xi32, #tpu.memory_space<vmem>> -> memref<1x128xi32, #tpu.memory_space<vmem>>
          %dma_wait3A_194 = tpu.memref_squeeze %dma_wait3A_193 : memref<1x128xi32, #tpu.memory_space<vmem>> -> memref<128xi32, #tpu.memory_space<vmem>>
          %dma_wait3A_195 = arith.constant 0 : i32
          %dma_wait3A_196 = arith.constant 0 : i32
          %dma_wait3A_197 = tpu.memref_slice %arg14[%dma_wait3A_195, %dma_wait3A_196] : memref<10240x128xf32, #tpu.memory_space<vmem_shared>> -> memref<10240x128xf32, #tpu.memory_space<vmem_shared>>
          tpu.wait_indirect_dma semaphore(%run_scoped3A : memref<!tpu.dma_semaphore, #tpu.memory_space<semaphore_mem>>) src(%arg9 : memref<128x128xf32, #tpu.memory_space<vmem>>) dst(%dma_wait3A_197 : memref<10240x128xf32, #tpu.memory_space<vmem_shared>>)
          tpu.yield
        }) : () -> ()
        %dma_wait3A_148 = arith.constant 0 : i32
        %dma_wait3A_149 = tpu.memref_slice %arg8[%mul3A_136, %dma_wait3A_148] : memref<40x128xi32, #tpu.memory_space<vmem>> -> memref<1x128xi32, #tpu.memory_space<vmem>>
        %dma_wait3A_150 = tpu.memref_squeeze %dma_wait3A_149 : memref<1x128xi32, #tpu.memory_space<vmem>> -> memref<128xi32, #tpu.memory_space<vmem>>
        %dma_wait3A_151 = arith.constant 0 : i32
        %dma_wait3A_152 = tpu.memref_slice %arg13[%dma_wait3A_151] : memref<10240xf32, #tpu.memory_space<vmem_shared>> -> memref<10240xf32, #tpu.memory_space<vmem_shared>>
        tpu.wait_indirect_dma semaphore(%arg17 : memref<!tpu.dma_semaphore, #tpu.memory_space<semaphore_mem>>) src(%arg11 : memref<128xf32, #tpu.memory_space<vmem>>) dst(%dma_wait3A_152 : memref<10240xf32, #tpu.memory_space<vmem_shared>>)
        %add3A = arith.constant 2 : i32
        %add3A_153 = arith.addi %mul3A_136, %add3A : i32
        %lt3A = arith.constant 40 : i32
        %lt3A_154 = arith.cmpi slt, %add3A_153, %lt3A : i32
        %convert_element_type3A_155 = arith.extui %lt3A_154 : i1 to i32
        %cond3A_156 = arith.constant 0 : i32
        %cond3A_157 = arith.cmpi ne, %convert_element_type3A_155, %cond3A_156 : i32
        scf.if %cond3A_157 {
          %add3A_186 = arith.constant 2 : i32
          %add3A_187 = arith.addi %mul3A_136, %add3A_186 : i32
          %dma_start3A_188 = arith.constant 0 : i32
          %dma_start3A_189 = tpu.memref_slice %arg7[%add3A_187, %dma_start3A_188] : memref<40x128xi32, #tpu.memory_space<vmem>> -> memref<1x128xi32, #tpu.memory_space<vmem>>
          %dma_start3A_190 = tpu.memref_squeeze %dma_start3A_189 : memref<1x128xi32, #tpu.memory_space<vmem>> -> memref<128xi32, #tpu.memory_space<vmem>>
          %dma_start3A_191 = arith.constant 0 : i32
          %dma_start3A_192 = arith.constant 0 : i32
          %dma_start3A_193 = tpu.memref_slice %arg4[%dma_start3A_191, %dma_start3A_192] : memref<10240x128xf32, #tpu.memory_space<hbm>> -> memref<10240x128xf32, #tpu.memory_space<hbm>>
          tpu.enqueue_indirect_dma source(%dma_start3A_193 : memref<10240x128xf32, #tpu.memory_space<hbm>>) target(%arg9 : memref<128x128xf32, #tpu.memory_space<vmem>>) offsets(%dma_start3A_190 : memref<128xi32, #tpu.memory_space<vmem>>) semaphore(%arg15 : memref<!tpu.dma_semaphore, #tpu.memory_space<semaphore_mem>>)
        } else {
        }
        %add3A_158 = arith.constant 1 : i32
        %add3A_159 = arith.addi %mul3A_136, %add3A_158 : i32
        %dma_wait3A_160 = arith.constant 0 : i32
        %dma_wait3A_161 = tpu.memref_slice %arg7[%add3A_159, %dma_wait3A_160] : memref<40x128xi32, #tpu.memory_space<vmem>> -> memref<1x128xi32, #tpu.memory_space<vmem>>
        %dma_wait3A_162 = tpu.memref_squeeze %dma_wait3A_161 : memref<1x128xi32, #tpu.memory_space<vmem>> -> memref<128xi32, #tpu.memory_space<vmem>>
        %dma_wait3A_163 = arith.constant 0 : i32
        %dma_wait3A_164 = arith.constant 0 : i32
        %dma_wait3A_165 = tpu.memref_slice %arg4[%dma_wait3A_163, %dma_wait3A_164] : memref<10240x128xf32, #tpu.memory_space<hbm>> -> memref<10240x128xf32, #tpu.memory_space<hbm>>
        tpu.wait_indirect_dma semaphore(%arg16 : memref<!tpu.dma_semaphore, #tpu.memory_space<semaphore_mem>>) src(%dma_wait3A_165 : memref<10240x128xf32, #tpu.memory_space<hbm>>) dst(%arg10 : memref<128x128xf32, #tpu.memory_space<vmem>>)
        %add3A_166 = arith.constant 1 : i32
        %add3A_167 = arith.addi %mul3A_136, %add3A_166 : i32
        %dma_start3A_168 = arith.constant 0 : i32
        %dma_start3A_169 = tpu.memref_slice %arg8[%add3A_167, %dma_start3A_168] : memref<40x128xi32, #tpu.memory_space<vmem>> -> memref<1x128xi32, #tpu.memory_space<vmem>>
        %dma_start3A_170 = tpu.memref_squeeze %dma_start3A_169 : memref<1x128xi32, #tpu.memory_space<vmem>> -> memref<128xi32, #tpu.memory_space<vmem>>
        %dma_start3A_171 = arith.constant 0 : i32
        %dma_start3A_172 = tpu.memref_slice %arg13[%dma_start3A_171] : memref<10240xf32, #tpu.memory_space<vmem_shared>> -> memref<10240xf32, #tpu.memory_space<vmem_shared>>
        tpu.enqueue_indirect_dma source(%arg11 : memref<128xf32, #tpu.memory_space<vmem>>) target(%dma_start3A_172 : memref<10240xf32, #tpu.memory_space<vmem_shared>>) offsets(%dma_start3A_170 : memref<128xi32, #tpu.memory_space<vmem>>) semaphore(%arg17 : memref<!tpu.dma_semaphore, #tpu.memory_space<semaphore_mem>>) {add = true}
        "tpu.region"() ({
          %run_scoped3A = tpu.sem_alloc : memref<!tpu.dma_semaphore, #tpu.memory_space<semaphore_mem>>
          %dma_start3A_186 = arith.constant 0 : i32
          %dma_start3A_187 = tpu.memref_slice %arg8[%add3A_167, %dma_start3A_186] : memref<40x128xi32, #tpu.memory_space<vmem>> -> memref<1x128xi32, #tpu.memory_space<vmem>>
          %dma_start3A_188 = tpu.memref_squeeze %dma_start3A_187 : memref<1x128xi32, #tpu.memory_space<vmem>> -> memref<128xi32, #tpu.memory_space<vmem>>
          %dma_start3A_189 = arith.constant 0 : i32
          %dma_start3A_190 = arith.constant 0 : i32
          %dma_start3A_191 = tpu.memref_slice %arg14[%dma_start3A_189, %dma_start3A_190] : memref<10240x128xf32, #tpu.memory_space<vmem_shared>> -> memref<10240x128xf32, #tpu.memory_space<vmem_shared>>
          tpu.enqueue_indirect_dma source(%arg10 : memref<128x128xf32, #tpu.memory_space<vmem>>) target(%dma_start3A_191 : memref<10240x128xf32, #tpu.memory_space<vmem_shared>>) offsets(%dma_start3A_188 : memref<128xi32, #tpu.memory_space<vmem>>) semaphore(%run_scoped3A : memref<!tpu.dma_semaphore, #tpu.memory_space<semaphore_mem>>) {add = true}
          %dma_wait3A_192 = arith.constant 0 : i32
          %dma_wait3A_193 = tpu.memref_slice %arg8[%add3A_167, %dma_wait3A_192] : memref<40x128xi32, #tpu.memory_space<vmem>> -> memref<1x128xi32, #tpu.memory_space<vmem>>
          %dma_wait3A_194 = tpu.memref_squeeze %dma_wait3A_193 : memref<1x128xi32, #tpu.memory_space<vmem>> -> memref<128xi32, #tpu.memory_space<vmem>>
          %dma_wait3A_195 = arith.constant 0 : i32
          %dma_wait3A_196 = arith.constant 0 : i32
          %dma_wait3A_197 = tpu.memref_slice %arg14[%dma_wait3A_195, %dma_wait3A_196] : memref<10240x128xf32, #tpu.memory_space<vmem_shared>> -> memref<10240x128xf32, #tpu.memory_space<vmem_shared>>
          tpu.wait_indirect_dma semaphore(%run_scoped3A : memref<!tpu.dma_semaphore, #tpu.memory_space<semaphore_mem>>) src(%arg10 : memref<128x128xf32, #tpu.memory_space<vmem>>) dst(%dma_wait3A_197 : memref<10240x128xf32, #tpu.memory_space<vmem_shared>>)
          tpu.yield
        }) : () -> ()
        %dma_wait3A_173 = arith.constant 0 : i32
        %dma_wait3A_174 = tpu.memref_slice %arg8[%add3A_167, %dma_wait3A_173] : memref<40x128xi32, #tpu.memory_space<vmem>> -> memref<1x128xi32, #tpu.memory_space<vmem>>
        %dma_wait3A_175 = tpu.memref_squeeze %dma_wait3A_174 : memref<1x128xi32, #tpu.memory_space<vmem>> -> memref<128xi32, #tpu.memory_space<vmem>>
        %dma_wait3A_176 = arith.constant 0 : i32
        %dma_wait3A_177 = tpu.memref_slice %arg13[%dma_wait3A_176] : memref<10240xf32, #tpu.memory_space<vmem_shared>> -> memref<10240xf32, #tpu.memory_space<vmem_shared>>
        tpu.wait_indirect_dma semaphore(%arg17 : memref<!tpu.dma_semaphore, #tpu.memory_space<semaphore_mem>>) src(%arg11 : memref<128xf32, #tpu.memory_space<vmem>>) dst(%dma_wait3A_177 : memref<10240xf32, #tpu.memory_space<vmem_shared>>)
        %add3A_178 = arith.constant 2 : i32
        %add3A_179 = arith.addi %add3A_167, %add3A_178 : i32
        %lt3A_180 = arith.constant 40 : i32
        %lt3A_181 = arith.cmpi slt, %add3A_179, %lt3A_180 : i32
        %convert_element_type3A_182 = arith.extui %lt3A_181 : i1 to i32
        %cond3A_183 = arith.constant 0 : i32
        %cond3A_184 = arith.cmpi ne, %convert_element_type3A_182, %cond3A_183 : i32
        scf.if %cond3A_184 {
          %add3A_186 = arith.constant 2 : i32
          %add3A_187 = arith.addi %add3A_167, %add3A_186 : i32
          %dma_start3A_188 = arith.constant 0 : i32
          %dma_start3A_189 = tpu.memref_slice %arg7[%add3A_187, %dma_start3A_188] : memref<40x128xi32, #tpu.memory_space<vmem>> -> memref<1x128xi32, #tpu.memory_space<vmem>>
          %dma_start3A_190 = tpu.memref_squeeze %dma_start3A_189 : memref<1x128xi32, #tpu.memory_space<vmem>> -> memref<128xi32, #tpu.memory_space<vmem>>
          %dma_start3A_191 = arith.constant 0 : i32
          %dma_start3A_192 = arith.constant 0 : i32
          %dma_start3A_193 = tpu.memref_slice %arg4[%dma_start3A_191, %dma_start3A_192] : memref<10240x128xf32, #tpu.memory_space<hbm>> -> memref<10240x128xf32, #tpu.memory_space<hbm>>
          tpu.enqueue_indirect_dma source(%dma_start3A_193 : memref<10240x128xf32, #tpu.memory_space<hbm>>) target(%arg10 : memref<128x128xf32, #tpu.memory_space<vmem>>) offsets(%dma_start3A_190 : memref<128xi32, #tpu.memory_space<vmem>>) semaphore(%arg16 : memref<!tpu.dma_semaphore, #tpu.memory_space<semaphore_mem>>)
        } else {
        }
        %scan3A_185 = arith.constant 0 : i32
        scf.yield %scan3A_185 : i32
      }
      %scan3A_132 = arith.constant 20 : i32
    } else {
    }
    %barrier3A_57 = arith.constant 0 : index
    tpu.barrier barrier_id(%barrier3A_57)
    "tpu.region"() ({
      %run_scoped3A = tpu.sem_alloc : memref<!tpu.dma_semaphore, #tpu.memory_space<semaphore_mem>>
      %dma_start3A = tpu.memref_slice %arg5[%arg0, %mul3A_0] : memref<2x10240xf32, #tpu.memory_space<hbm>> -> memref<1x640xf32, #tpu.memory_space<hbm>>
      %dma_start3A_58 = tpu.memref_squeeze %dma_start3A : memref<1x640xf32, #tpu.memory_space<hbm>> -> memref<640xf32, #tpu.memory_space<hbm>>
      %dma_start3A_59 = tpu.memref_slice %arg13[%mul3A_0] : memref<10240xf32, #tpu.memory_space<vmem_shared>> -> memref<640xf32, #tpu.memory_space<vmem_shared>>
      tpu.enqueue_dma source(%dma_start3A_59 : memref<640xf32, #tpu.memory_space<vmem_shared>>) target(%dma_start3A_58 : memref<640xf32, #tpu.memory_space<hbm>>) target_semaphore(%run_scoped3A : memref<!tpu.dma_semaphore, #tpu.memory_space<semaphore_mem>>)
      %dma_wait3A = tpu.memref_slice %arg5[%arg0, %mul3A_0] : memref<2x10240xf32, #tpu.memory_space<hbm>> -> memref<1x640xf32, #tpu.memory_space<hbm>>
      %dma_wait3A_60 = tpu.memref_squeeze %dma_wait3A : memref<1x640xf32, #tpu.memory_space<hbm>> -> memref<640xf32, #tpu.memory_space<hbm>>
      %dma_wait3A_61 = tpu.memref_slice %arg13[%mul3A_0] : memref<10240xf32, #tpu.memory_space<vmem_shared>> -> memref<640xf32, #tpu.memory_space<vmem_shared>>
      tpu.wait_dma2 semaphore(%run_scoped3A : memref<!tpu.dma_semaphore, #tpu.memory_space<semaphore_mem>>) src(%dma_wait3A_61 : memref<640xf32, #tpu.memory_space<vmem_shared>>) dst(%dma_wait3A_60 : memref<640xf32, #tpu.memory_space<hbm>>)
      tpu.yield
    }) : () -> ()
    "tpu.region"() ({
      %run_scoped3A = tpu.sem_alloc : memref<!tpu.dma_semaphore, #tpu.memory_space<semaphore_mem>>
      %dma_start3A = arith.constant 0 : i32
      %dma_start3A_58 = tpu.memref_slice %arg6[%arg0, %mul3A_0, %dma_start3A] : memref<2x10240x128xf32, #tpu.memory_space<hbm>> -> memref<1x640x128xf32, #tpu.memory_space<hbm>>
      %dma_start3A_59 = tpu.memref_squeeze %dma_start3A_58 : memref<1x640x128xf32, #tpu.memory_space<hbm>> -> memref<640x128xf32, #tpu.memory_space<hbm>>
      %dma_start3A_60 = arith.constant 0 : i32
      %dma_start3A_61 = tpu.memref_slice %arg14[%mul3A_0, %dma_start3A_60] : memref<10240x128xf32, #tpu.memory_space<vmem_shared>> -> memref<640x128xf32, #tpu.memory_space<vmem_shared>>
      tpu.enqueue_dma source(%dma_start3A_61 : memref<640x128xf32, #tpu.memory_space<vmem_shared>>) target(%dma_start3A_59 : memref<640x128xf32, #tpu.memory_space<hbm>>) target_semaphore(%run_scoped3A : memref<!tpu.dma_semaphore, #tpu.memory_space<semaphore_mem>>)
      %dma_wait3A = arith.constant 0 : i32
      %dma_wait3A_62 = tpu.memref_slice %arg6[%arg0, %mul3A_0, %dma_wait3A] : memref<2x10240x128xf32, #tpu.memory_space<hbm>> -> memref<1x640x128xf32, #tpu.memory_space<hbm>>
      %dma_wait3A_63 = tpu.memref_squeeze %dma_wait3A_62 : memref<1x640x128xf32, #tpu.memory_space<hbm>> -> memref<640x128xf32, #tpu.memory_space<hbm>>
      %dma_wait3A_64 = arith.constant 0 : i32
      %dma_wait3A_65 = tpu.memref_slice %arg14[%mul3A_0, %dma_wait3A_64] : memref<10240x128xf32, #tpu.memory_space<vmem_shared>> -> memref<640x128xf32, #tpu.memory_space<vmem_shared>>
      tpu.wait_dma2 semaphore(%run_scoped3A : memref<!tpu.dma_semaphore, #tpu.memory_space<semaphore_mem>>) src(%dma_wait3A_65 : memref<640x128xf32, #tpu.memory_space<vmem_shared>>) dst(%dma_wait3A_63 : memref<640x128xf32, #tpu.memory_space<hbm>>)
      tpu.yield
    }) : () -> ()
    return
  }
}

module attributes {stable_mosaic.version = 14 : i64} {
  func.func @_tc_body(%arg0: i32, %arg1: memref<128x128xf32, #tpu.memory_space<vmem>>, %arg2: memref<2x128x128xf32, #tpu.memory_space<vmem>>, %arg3: memref<1x1x128xf32, #tpu.memory_space<vmem>>, %arg4: memref<2x1x1x128xf32, #tpu.memory_space<vmem>>, %arg5: memref<1x128x128xf32, #tpu.memory_space<vmem>>, %arg6: memref<1x1x128xf32, #tpu.memory_space<vmem>>, %arg7: memref<1x128x128xf32, #tpu.memory_space<vmem>>, %arg8: memref<1x128x128xf32, #tpu.memory_space<vmem>>, %arg9: memref<1x1x128xf32, #tpu.memory_space<vmem>>, %arg10: memref<1x128x128xf32, #tpu.memory_space<vmem>>, %arg11: memref<8x128xf32, #tpu.memory_space<vmem>>, %arg12: memref<1x128xf32, #tpu.memory_space<vmem>>, %arg13: memref<1x128xf32, #tpu.memory_space<vmem>>) attributes {dimension_semantics = [#tpu.dimension_semantics<arbitrary>], iteration_bounds = array<i64: 80>, scalar_prefetch = 0 : i64, scratch_operands = 2 : i64, tpu.core_type = #tpu.core_type<tc>, window_params = [{transform_indices = @transform_0, window_bounds = array<i64: 128, 128>}, {transform_indices = @transform_1, window_bounds = array<i64: 2, 128, 128>}, {transform_indices = @transform_2, window_bounds = array<i64: 1, 1, 128>}, {transform_indices = @transform_3, window_bounds = array<i64: 2, 1, 1, 128>}, {pipeline_mode = #tpu.pipeline_mode<synchronous>, transform_indices = @transform_4, window_bounds = array<i64: 1, 128, 128>}, {pipeline_mode = #tpu.pipeline_mode<synchronous>, transform_indices = @transform_5, window_bounds = array<i64: 1, 1, 128>}, {pipeline_mode = #tpu.pipeline_mode<synchronous>, transform_indices = @transform_6, window_bounds = array<i64: 1, 128, 128>}, {pipeline_mode = #tpu.pipeline_mode<synchronous>, transform_indices = @transform_7, window_bounds = array<i64: 1, 128, 128>}, {pipeline_mode = #tpu.pipeline_mode<synchronous>, transform_indices = @transform_8, window_bounds = array<i64: 1, 1, 128>}, {pipeline_mode = #tpu.pipeline_mode<synchronous>, transform_indices = @transform_9, window_bounds = array<i64: 1, 128, 128>}, {pipeline_mode = #tpu.pipeline_mode<synchronous>, transform_indices = @transform_10, window_bounds = array<i64: 8, 128>}]} {
    %eq3A = arith.constant 0 : i32
    %eq3A_0 = arith.cmpi eq, %arg0, %eq3A : i32
    %convert_element_type3A = arith.extui %eq3A_0 : i1 to i32
    %cond3A = arith.constant 0 : i32
    %cond3A_1 = arith.cmpi ne, %convert_element_type3A, %cond3A : i32
    scf.if %cond3A_1 {
      %broadcast_in_dim3A_101 = arith.constant 0.000000e+00 : f32
      %broadcast_in_dim3A_102 = vector.broadcast %broadcast_in_dim3A_101 : f32 to vector<1x128xf32>
      %swap3A_103 = arith.constant 0 : index
      %swap3A_104 = arith.constant 0 : index
      %swap3A_105 = vector.load %arg12[%swap3A_103, %swap3A_104] : memref<1x128xf32, #tpu.memory_space<vmem>>, vector<1x128xf32>
      tpu.vector_store %arg12[%swap3A_103, %swap3A_104], %broadcast_in_dim3A_102 {strides = array<i32>} : memref<1x128xf32, #tpu.memory_space<vmem>>, vector<1x128xf32>,
      %broadcast_in_dim3A_106 = arith.constant 0.000000e+00 : f32
      %broadcast_in_dim3A_107 = vector.broadcast %broadcast_in_dim3A_106 : f32 to vector<1x128xf32>
      %swap3A_108 = arith.constant 0 : index
      %swap3A_109 = arith.constant 0 : index
      %swap3A_110 = vector.load %arg13[%swap3A_108, %swap3A_109] : memref<1x128xf32, #tpu.memory_space<vmem>>, vector<1x128xf32>
      tpu.vector_store %arg13[%swap3A_108, %swap3A_109], %broadcast_in_dim3A_107 {strides = array<i32>} : memref<1x128xf32, #tpu.memory_space<vmem>>, vector<1x128xf32>,
    } else {
    }
    %get3A = arith.constant 0 : index
    %get3A_2 = arith.constant 0 : index
    %get3A_3 = arith.constant 0 : index
    %get3A_4 = vector.load %arg2[%get3A, %get3A_2, %get3A_3] : memref<2x128x128xf32, #tpu.memory_space<vmem>>, vector<1x128x128xf32>
    %get3A_5 = vector.shape_cast %get3A_4 : vector<1x128x128xf32> to vector<128x128xf32>
    %get3A_6 = arith.constant 1 : index
    %get3A_7 = arith.constant 0 : index
    %get3A_8 = arith.constant 0 : index
    %get3A_9 = vector.load %arg2[%get3A_6, %get3A_7, %get3A_8] : memref<2x128x128xf32, #tpu.memory_space<vmem>>, vector<1x128x128xf32>
    %get3A_10 = vector.shape_cast %get3A_9 : vector<1x128x128xf32> to vector<128x128xf32>
    %add3A = arith.addf %get3A_5, %get3A_10 : vector<128x128xf32>
    %get3A_11 = arith.constant 0 : index
    %get3A_12 = arith.constant 0 : index
    %get3A_13 = arith.constant 0 : index
    %get3A_14 = vector.load %arg3[%get3A_11, %get3A_12, %get3A_13] : memref<1x1x128xf32, #tpu.memory_space<vmem>>, vector<1x1x128xf32>
    %get3A_15 = vector.shape_cast %get3A_14 : vector<1x1x128xf32> to vector<1x128xf32>
    %get3A_16 = arith.constant 0 : index
    %get3A_17 = arith.constant 0 : index
    %get3A_18 = arith.constant 0 : index
    %get3A_19 = arith.constant 0 : index
    %get3A_20 = vector.load %arg4[%get3A_16, %get3A_17, %get3A_18, %get3A_19] : memref<2x1x1x128xf32, #tpu.memory_space<vmem>>, vector<1x1x1x128xf32>
    %get3A_21 = vector.shape_cast %get3A_20 : vector<1x1x1x128xf32> to vector<1x128xf32>
    %get3A_22 = arith.constant 1 : index
    %get3A_23 = arith.constant 0 : index
    %get3A_24 = arith.constant 0 : index
    %get3A_25 = arith.constant 0 : index
    %get3A_26 = vector.load %arg4[%get3A_22, %get3A_23, %get3A_24, %get3A_25] : memref<2x1x1x128xf32, #tpu.memory_space<vmem>>, vector<1x1x1x128xf32>
    %get3A_27 = vector.shape_cast %get3A_26 : vector<1x1x1x128xf32> to vector<1x128xf32>
    %add3A_28 = arith.addf %get3A_21, %get3A_27 : vector<1x128xf32>
    %iota3A = tpu.iota {dimensions = array<i32: 0>} : vector<128x128xi32>
    %iota3A_29 = tpu.iota {dimensions = array<i32: 1>} : vector<128x128xi32>
    %eq3A_30 = arith.cmpi eq, %iota3A, %iota3A_29 : vector<128x128xi32>
    %jit3A = arith.constant 1.000000e+00 : f32
    %jit3A_31 = arith.constant 0.000000e+00 : f32
    %broadcast_in_dim3A = vector.broadcast %jit3A : f32 to vector<128x128xf32>
    %broadcast_in_dim3A_32 = vector.broadcast %jit3A_31 : f32 to vector<128x128xf32>
    %select_n3A = arith.select %eq3A_30, %broadcast_in_dim3A, %broadcast_in_dim3A_32 : vector<128x128xi1>, vector<128x128xf32>
    %dot_general3A = arith.constant dense<0.000000e+00> : vector<128x1xf32>
    %dot_general3A_33 = tpu.matmul %select_n3A, %get3A_15, %dot_general3A {dimension_numbers = #tpu.dot_dimension_numbers<[1], [1], [0], [0], [0, 0, 1, 0], [], []>, transpose_lhs_hint = false} : vector<128x128xf32>, vector<1x128xf32>, vector<128x1xf32> -> vector<128x1xf32>
    %dot_general3A_34 = arith.constant dense<0.000000e+00> : vector<128x1xf32>
    %dot_general3A_35 = tpu.matmul %select_n3A, %add3A_28, %dot_general3A_34 {dimension_numbers = #tpu.dot_dimension_numbers<[1], [1], [0], [0], [0, 0, 1, 0], [], []>, transpose_lhs_hint = false} : vector<128x128xf32>, vector<1x128xf32>, vector<128x1xf32> -> vector<128x1xf32>
    %mul3A = arith.constant 128 : i32
    %mul3A_36 = arith.muli %arg0, %mul3A : i32
    %iota3A_37 = tpu.iota {dimensions = array<i32: 0>} : vector<128x1xi32>
    %add3A_38 = vector.broadcast %mul3A_36 : i32 to vector<128x1xi32>
    %add3A_39 = arith.addi %add3A_38, %iota3A_37 : vector<128x1xi32>
    %lt3A = arith.constant 10000 : i32
    %lt3A_40 = vector.broadcast %lt3A : i32 to vector<128x1xi32>
    %lt3A_41 = arith.cmpi slt, %add3A_39, %lt3A_40 : vector<128x1xi32>
    %mul3A_42 = vector.broadcast %dot_general3A_33 : vector<128x1xf32> to vector<128x128xf32>
    %mul3A_43 = arith.mulf %add3A, %mul3A_42 : vector<128x128xf32>
    %get3A_44 = arith.constant 0 : index
    %get3A_45 = arith.constant 0 : index
    %get3A_46 = arith.constant 0 : index
    %get3A_47 = vector.load %arg5[%get3A_44, %get3A_45, %get3A_46] : memref<1x128x128xf32, #tpu.memory_space<vmem>>, vector<1x128x128xf32>
    %get3A_48 = vector.shape_cast %get3A_47 : vector<1x128x128xf32> to vector<128x128xf32>
    %dot_general3A_49 = arith.constant dense<0.000000e+00> : vector<128x128xf32>
    %dot_general3A_50 = tpu.matmul %mul3A_43, %get3A_48, %dot_general3A_49 {dimension_numbers = #tpu.dot_dimension_numbers<[1], [1], [0], [0], [0, 0, 1, 0], [], []>, transpose_lhs_hint = false} : vector<128x128xf32>, vector<128x128xf32>, vector<128x128xf32> -> vector<128x128xf32>
    %get3A_51 = arith.constant 0 : index
    %get3A_52 = arith.constant 0 : index
    %get3A_53 = vector.load %arg1[%get3A_51, %get3A_52] : memref<128x128xf32, #tpu.memory_space<vmem>>, vector<128x128xf32>
    %get3A_54 = arith.constant 0 : index
    %get3A_55 = arith.constant 0 : index
    %get3A_56 = arith.constant 0 : index
    %get3A_57 = vector.load %arg7[%get3A_54, %get3A_55, %get3A_56] : memref<1x128x128xf32, #tpu.memory_space<vmem>>, vector<1x128x128xf32>
    %get3A_58 = vector.shape_cast %get3A_57 : vector<1x128x128xf32> to vector<128x128xf32>
    %dot_general3A_59 = arith.constant dense<0.000000e+00> : vector<128x128xf32>
    %dot_general3A_60 = tpu.matmul %get3A_53, %get3A_58, %dot_general3A_59 {dimension_numbers = #tpu.dot_dimension_numbers<[1], [1], [0], [0], [0, 0, 1, 0], [], []>, transpose_lhs_hint = false} : vector<128x128xf32>, vector<128x128xf32>, vector<128x128xf32> -> vector<128x128xf32>
    %add3A_61 = arith.addf %dot_general3A_50, %dot_general3A_60 : vector<128x128xf32>
    %get3A_62 = arith.constant 0 : index
    %get3A_63 = arith.constant 0 : index
    %get3A_64 = arith.constant 0 : index
    %get3A_65 = vector.load %arg6[%get3A_62, %get3A_63, %get3A_64] : memref<1x1x128xf32, #tpu.memory_space<vmem>>, vector<1x1x128xf32>
    %get3A_66 = vector.shape_cast %get3A_65 : vector<1x1x128xf32> to vector<1x128xf32>
    %add3A_67 = vector.broadcast %get3A_66 : vector<1x128xf32> to vector<128x128xf32>
    %add3A_68 = arith.addf %add3A_61, %add3A_67 : vector<128x128xf32>
    %max3A = arith.constant 0.000000e+00 : f32
    %max3A_69 = vector.broadcast %max3A : f32 to vector<128x128xf32>
    %max3A_70 = arith.maximumf %add3A_68, %max3A_69 : vector<128x128xf32>
    %jit3A_71 = arith.constant 0.000000e+00 : f32
    %broadcast_in_dim3A_72 = vector.shape_cast %lt3A_41 : vector<128x1xi1> to vector<128x1xi1>
    %broadcast_in_dim3A_73 = vector.broadcast %broadcast_in_dim3A_72 : vector<128x1xi1> to vector<128x128xi1>
    %broadcast_in_dim3A_74 = vector.broadcast %jit3A_71 : f32 to vector<128x128xf32>
    %select_n3A_75 = arith.select %broadcast_in_dim3A_73, %max3A_70, %broadcast_in_dim3A_74 : vector<128x128xi1>, vector<128x128xf32>
    %get3A_76 = arith.constant 0 : index
    %get3A_77 = arith.constant 0 : index
    %get3A_78 = vector.load %arg13[%get3A_76, %get3A_77] : memref<1x128xf32, #tpu.memory_space<vmem>>, vector<1x128xf32>
    %reduce_sum3A = arith.constant dense<0.000000e+00> : vector<128xf32>
    %reduce_sum3A_79 = vector.multi_reduction <add>, %select_n3A_75, %reduce_sum3A [0] : vector<128x128xf32> to vector<128xf32>
    %broadcast_in_dim3A_80 = vector.shape_cast %reduce_sum3A_79 : vector<128xf32> to vector<1x128xf32>
    %add3A_81 = arith.addf %get3A_78, %broadcast_in_dim3A_80 : vector<1x128xf32>
    %swap3A = arith.constant 0 : index
    %swap3A_82 = arith.constant 0 : index
    %swap3A_83 = vector.load %arg13[%swap3A, %swap3A_82] : memref<1x128xf32, #tpu.memory_space<vmem>>, vector<1x128xf32>
    tpu.vector_store %arg13[%swap3A, %swap3A_82], %add3A_81 {strides = array<i32>} : memref<1x128xf32, #tpu.memory_space<vmem>>, vector<1x128xf32>,
    %get3A_84 = arith.constant 0 : index
    %get3A_85 = arith.constant 0 : index
    %get3A_86 = vector.load %arg12[%get3A_84, %get3A_85] : memref<1x128xf32, #tpu.memory_space<vmem>>, vector<1x128xf32>
    %mul3A_87 = vector.broadcast %dot_general3A_35 : vector<128x1xf32> to vector<128x128xf32>
    %mul3A_88 = arith.mulf %select_n3A_75, %mul3A_87 : vector<128x128xf32>
    %reduce_sum3A_89 = arith.constant dense<0.000000e+00> : vector<128xf32>
    %reduce_sum3A_90 = vector.multi_reduction <add>, %mul3A_88, %reduce_sum3A_89 [0] : vector<128x128xf32> to vector<128xf32>
    %broadcast_in_dim3A_91 = vector.shape_cast %reduce_sum3A_90 : vector<128xf32> to vector<1x128xf32>
    %add3A_92 = arith.addf %get3A_86, %broadcast_in_dim3A_91 : vector<1x128xf32>
    %swap3A_93 = arith.constant 0 : index
    %swap3A_94 = arith.constant 0 : index
    %swap3A_95 = vector.load %arg12[%swap3A_93, %swap3A_94] : memref<1x128xf32, #tpu.memory_space<vmem>>, vector<1x128xf32>
    tpu.vector_store %arg12[%swap3A_93, %swap3A_94], %add3A_92 {strides = array<i32>} : memref<1x128xf32, #tpu.memory_space<vmem>>, vector<1x128xf32>,
    %eq3A_96 = arith.constant 79 : i32
    %eq3A_97 = arith.cmpi eq, %arg0, %eq3A_96 : i32
    %convert_element_type3A_98 = arith.extui %eq3A_97 : i1 to i32
    %cond3A_99 = arith.constant 0 : i32
    %cond3A_100 = arith.cmpi ne, %convert_element_type3A_98, %cond3A_99 : i32
    scf.if %cond3A_100 {
      %get3A_101 = arith.constant 0 : index
      %get3A_102 = arith.constant 0 : index
      %get3A_103 = vector.load %arg12[%get3A_101, %get3A_102] : memref<1x128xf32, #tpu.memory_space<vmem>>, vector<1x128xf32>
      %get3A_104 = arith.constant 0 : index
      %get3A_105 = arith.constant 0 : index
      %get3A_106 = arith.constant 0 : index
      %get3A_107 = vector.load %arg8[%get3A_104, %get3A_105, %get3A_106] : memref<1x128x128xf32, #tpu.memory_space<vmem>>, vector<1x128x128xf32>
      %get3A_108 = vector.shape_cast %get3A_107 : vector<1x128x128xf32> to vector<128x128xf32>
      %dot_general3A_109 = arith.constant dense<0.000000e+00> : vector<1x128xf32>
      %dot_general3A_110 = tpu.matmul %get3A_103, %get3A_108, %dot_general3A_109 {dimension_numbers = #tpu.dot_dimension_numbers<[1], [1], [0], [0], [0, 0, 1, 0], [], []>, transpose_lhs_hint = false} : vector<1x128xf32>, vector<128x128xf32>, vector<1x128xf32> -> vector<1x128xf32>
      %get3A_111 = arith.constant 0 : index
      %get3A_112 = arith.constant 0 : index
      %get3A_113 = arith.constant 0 : index
      %get3A_114 = vector.load %arg9[%get3A_111, %get3A_112, %get3A_113] : memref<1x1x128xf32, #tpu.memory_space<vmem>>, vector<1x1x128xf32>
      %get3A_115 = vector.shape_cast %get3A_114 : vector<1x1x128xf32> to vector<1x128xf32>
      %mul3A_116 = arith.constant 1.000000e+04 : f32
      %mul3A_117 = vector.broadcast %mul3A_116 : f32 to vector<1x128xf32>
      %mul3A_118 = arith.mulf %mul3A_117, %get3A_115 : vector<1x128xf32>
      %add3A_119 = arith.addf %dot_general3A_110, %mul3A_118 : vector<1x128xf32>
      %get3A_120 = arith.constant 0 : index
      %get3A_121 = arith.constant 0 : index
      %get3A_122 = vector.load %arg13[%get3A_120, %get3A_121] : memref<1x128xf32, #tpu.memory_space<vmem>>, vector<1x128xf32>
      %get3A_123 = arith.constant 0 : index
      %get3A_124 = arith.constant 0 : index
      %get3A_125 = arith.constant 0 : index
      %get3A_126 = vector.load %arg10[%get3A_123, %get3A_124, %get3A_125] : memref<1x128x128xf32, #tpu.memory_space<vmem>>, vector<1x128x128xf32>
      %get3A_127 = vector.shape_cast %get3A_126 : vector<1x128x128xf32> to vector<128x128xf32>
      %dot_general3A_128 = arith.constant dense<0.000000e+00> : vector<1x128xf32>
      %dot_general3A_129 = tpu.matmul %get3A_122, %get3A_127, %dot_general3A_128 {dimension_numbers = #tpu.dot_dimension_numbers<[1], [1], [0], [0], [0, 0, 1, 0], [], []>, transpose_lhs_hint = false} : vector<1x128xf32>, vector<128x128xf32>, vector<1x128xf32> -> vector<1x128xf32>
      %add3A_130 = arith.addf %add3A_119, %dot_general3A_129 : vector<1x128xf32>
      %broadcast_in_dim3A_131 = vector.shape_cast %add3A_130 : vector<1x128xf32> to vector<1x128xf32>
      %broadcast_in_dim3A_132 = vector.broadcast %broadcast_in_dim3A_131 : vector<1x128xf32> to vector<8x128xf32>
      %swap3A_133 = arith.constant 0 : index
      %swap3A_134 = arith.constant 0 : index
      %swap3A_135 = vector.load %arg11[%swap3A_133, %swap3A_134] : memref<8x128xf32, #tpu.memory_space<vmem>>, vector<8x128xf32>
      tpu.vector_store %arg11[%swap3A_133, %swap3A_134], %broadcast_in_dim3A_132 {strides = array<i32>} : memref<8x128xf32, #tpu.memory_space<vmem>>, vector<8x128xf32>,
    } else {
    }
    return
  }
  func.func @transform_0(%arg0: i32) -> (i32, i32) {
    %c0_i32 = arith.constant 0 : i32
    %c0_i32_0 = arith.constant 0 : i32
    return %arg0, %c0_i32 : i32, i32
  }
  func.func @transform_1(%arg0: i32) -> (i32, i32, i32) {
    %c0_i32 = arith.constant 0 : i32
    %c0_i32_0 = arith.constant 0 : i32
    %c0_i32_1 = arith.constant 0 : i32
    return %c0_i32, %arg0, %c0_i32_0 : i32, i32, i32
  }
  func.func @transform_2(%arg0: i32) -> (i32, i32, i32) {
    %c0_i32 = arith.constant 0 : i32
    %c0_i32_0 = arith.constant 0 : i32
    %c0_i32_1 = arith.constant 0 : i32
    return %arg0, %c0_i32, %c0_i32_0 : i32, i32, i32
  }
  func.func @transform_3(%arg0: i32) -> (i32, i32, i32, i32) {
    %c0_i32 = arith.constant 0 : i32
    %c0_i32_0 = arith.constant 0 : i32
    %c0_i32_1 = arith.constant 0 : i32
    %c0_i32_2 = arith.constant 0 : i32
    return %c0_i32, %arg0, %c0_i32_0, %c0_i32_1 : i32, i32, i32, i32
  }
  func.func @transform_4(%arg0: i32) -> (i32, i32, i32) {
    %c0_i32 = arith.constant 0 : i32
    %c0_i32_0 = arith.constant 0 : i32
    %c0_i32_1 = arith.constant 0 : i32
    %c0_i32_2 = arith.constant 0 : i32
    return %c0_i32, %c0_i32_0, %c0_i32_1 : i32, i32, i32
  }
  func.func @transform_5(%arg0: i32) -> (i32, i32, i32) {
    %c0_i32 = arith.constant 0 : i32
    %c0_i32_0 = arith.constant 0 : i32
    %c0_i32_1 = arith.constant 0 : i32
    %c0_i32_2 = arith.constant 0 : i32
    return %c0_i32, %c0_i32_0, %c0_i32_1 : i32, i32, i32
  }
  func.func @transform_6(%arg0: i32) -> (i32, i32, i32) {
    %c0_i32 = arith.constant 0 : i32
    %c0_i32_0 = arith.constant 0 : i32
    %c0_i32_1 = arith.constant 0 : i32
    %c0_i32_2 = arith.constant 0 : i32
    return %c0_i32, %c0_i32_0, %c0_i32_1 : i32, i32, i32
  }
  func.func @transform_7(%arg0: i32) -> (i32, i32, i32) {
    %c0_i32 = arith.constant 0 : i32
    %c0_i32_0 = arith.constant 0 : i32
    %c0_i32_1 = arith.constant 0 : i32
    %c0_i32_2 = arith.constant 0 : i32
    return %c0_i32, %c0_i32_0, %c0_i32_1 : i32, i32, i32
  }
  func.func @transform_8(%arg0: i32) -> (i32, i32, i32) {
    %c0_i32 = arith.constant 0 : i32
    %c0_i32_0 = arith.constant 0 : i32
    %c0_i32_1 = arith.constant 0 : i32
    %c0_i32_2 = arith.constant 0 : i32
    return %c0_i32, %c0_i32_0, %c0_i32_1 : i32, i32, i32
  }
  func.func @transform_9(%arg0: i32) -> (i32, i32, i32) {
    %c0_i32 = arith.constant 0 : i32
    %c0_i32_0 = arith.constant 0 : i32
    %c0_i32_1 = arith.constant 0 : i32
    %c0_i32_2 = arith.constant 0 : i32
    return %c0_i32, %c0_i32_0, %c0_i32_1 : i32, i32, i32
  }
  func.func @transform_10(%arg0: i32) -> (i32, i32) {
    %c0_i32 = arith.constant 0 : i32
    %c0_i32_0 = arith.constant 0 : i32
    %c0_i32_1 = arith.constant 0 : i32
    return %c0_i32, %c0_i32_0 : i32, i32
  }
}

</mosaic_0001>

<sc_bundles>
// kernel: kernel.5.cloned.1.call-start
scs
__scs_entry_jumppad:
0x0: {  	(pc) =	sbr.rel $0x88, $3  }
0x1: {  	(tag) =	ssettag $0x0;
	lr =	simm.s32 $0x1  }
0x2: {  	[smem:$0x3F99] =	sst lr;
	_ =	strace $0xD0000000  }
0x3: {  	_ = 	snop  }
0x4: {  	_ = 	snop  }
0x5: {  	_ = 	snop  }
0x6: {  	_ = 	snop  }
0x7: {  	_ = 	snop  }
__scs_overlays_trampoline_lowered:
0x8: {  	[smem:$0x3FA8] =	sst s0  }
0x9: {  	[smem:$0x3FA9] =	sst s1  }
0xa: {  	[smem:$0x3FAA] =	sst s2  }
0xb: {  	[smem:$0x3FAB] =	sst s3  }
0xc: {  	[smem:$0x3FAC] =	sst s4  }
0xd: {  	[smem:$0x3FAD] =	sst s5  }
0xe: {  	[smem:$0x3FAE] =	sst s6  }
0xf: {  	[smem:$0x3FAF] =	sst s7  }
0x10: {  	[smem:$0x3FB0] =	sst s8  }
0x11: {  	[smem:$0x3FB1] =	sst s9;
	s0 =	simm.s32 @!p0 $0x0  }
0x12: {  	s1 =	sld [smem:$0x3F97];
	s0 =	simm.s32 @p0 $0x1  }
0x13: {  	[smem:$0x3FB2] =	sst s0;
	s0 =	simm.s32 @!p1 $0x0  }
0x14: {  	s2 =	sld [smem:$0x3F96];
	s0 =	simm.s32 @p1 $0x1  }
0x15: {  	[smem:$0x3FB3] =	sst s0;
	s0 =	simm.s32 @!p2 $0x0  }
0x16: {  	s3 =	sld [smem:$0x3FDB];
	s0 =	simm.s32 @p2 $0x1  }
0x17: {  	s4 =	simm.s32 $0x1BF5;
	[smem:$0x3FB5] =	sst s0  }
0x18: {  	s0 =	sld [smem:$0x3F98];
	_ =	swait.ge [sflag:s4], $0x0  }
0x19: {  	s7 =	sld [smem:$0x3F99]  }
0x1a: {  	s8 =	sadd.s32 $0xFFFFE003, lr  }
0x1b: {  	s9 =	sadd.s32 $0xFFFFFEF7, lr;
	s5 =	simm.s32 $0xFFFFFFFF;
	p2 =	slt.u32 s8, $0xFFFFF086  }
0x1c: {  	p1 =	slt.u32 s9, $0xF7A;
	s5 =	simm.s32 @!p2 $0x0  }
0x1d: {  	s5 =	simm.s32 @p1 $0x1;
	p0 =	seq.s32 s7, s2  }
0x1e: {  	s7 =	smul.u32 @!p0 $0xF7A, s2;
	p2 =	seq.s32 @!p0 s5, $0x0  }
0x1f: {  	s9 =	smul.u32 $0xF7A, s1;
	s8 =	simm.s32 @!p0 $0x1BF5;
	p2 =	por !p2, p0  }
0x20: {  	[sflag:s8] =	ssyncset.s32 @!p0 $0xFFFFF086;
	s6 =	sadd.s32 @!p0 s3, s7;
	s7 =	simm.s32 @!p0 $0x108  }
0x21: {  	s3 =	sadd.s32 s3, s9;
	s6 =	sadd.s32 @!p0 $0x88, s6;
	s7 =	simm.s32 @p2 $0x1082  }
0x22: {  	[simem:s7], [sflag:s8] =	dma.local @!p0 [hbm:s6], $0xF7A  }
0x23: {  	s9 =	sor.u32 $0xD0000000, s2;
	s6 =	simm.s32 $0x108;
	_ =	swait.ge @!p0 [sflag:s8], $0x0  }
0x24: {  	s3 =	sadd.s32 $0x88, s3;
	s6 =	simm.s32 @!p1 $0x1082;
	[sflag:s4] =	ssyncset.s32 $0xFFFFF086  }
0x25: {  	[simem:s6], [sflag:s4] =	dma.local [hbm:s3], $0xF7A  }
0x26: {  	[smem:$0x3F99] =	sst s1;
	(tag) =	ssettag s2;
	_ =	strace s9  }
0x27: {  	s1 =	sld [smem:$0x3FA9]  }
0x28: {  	s2 =	sld [smem:$0x3FAA]  }
0x29: {  	s4 =	sld [smem:$0x3FAC]  }
0x2a: {  	p0 =	seq.s32 s5, $0x0;
	s5 =	sld [smem:$0x3FAD]  }
0x2b: {  	s6 =	sld [smem:$0x3FAE]  }
0x2c: {  	s7 =	sld [smem:$0x3FAF]  }
0x2d: {  	s3 =	simm.s32 $0x108;
	s8 =	sld [smem:$0x3FB0]  }
0x2e: {  	s3 =	simm.s32 @!p0 $0x1082;
	s9 =	sld [smem:$0x3FB1]  }
0x2f: {  	lr =	sadd.s32 s0, s3;
	s0 =	sld [smem:$0x3FA8]  }
0x30: {  	s3 =	sld [smem:$0x3FAB]  }
0x31: {  	[smem:$0x3FB4] =	sst s10  }
0x32: {  	s10 =	sld [smem:$0x3FB2];
	_ =	sdelay $0x3  }
0x33: {  	p0 =	seq.s32 s10, $0x1;
	s10 =	sld [smem:$0x3FB4];
	_ =	sdelay $0x3  }
0x34: {  	[smem:$0x3FB4] =	sst s10  }
0x35: {  	s10 =	sld [smem:$0x3FB3];
	_ =	sdelay $0x3  }
0x36: {  	p1 =	seq.s32 s10, $0x1;
	s10 =	sld [smem:$0x3FB4];
	_ =	sdelay $0x3  }
0x37: {  	[smem:$0x3FB4] =	sst s10  }
0x38: {  	s10 =	sld [smem:$0x3FB5]  }
0x39: {  	_ = 	snop;
	(pc) =	sbr.ind lr, $3  }
0x3a: {  	_ = 	snop  }
0x3b: {  	_ = 	snop  }
0x3c: {  	p2 =	seq.s32 s10, $0x1;
	s10 =	sld [smem:$0x3FB4]  }
0x3d: {  	_ =	shalt  }
0x3e: {  	_ =	shalt  }
0x3f: {  	_ =	shalt  }
0x40: {  	_ =	shalt  }
0x41: {  	_ =	shalt  }
0x42: {  	_ =	shalt  }
0x43: {  	_ =	shalt  }
0x44: {  	_ =	shalt  }
0x45: {  	_ =	shalt  }
0x46: {  	_ =	shalt  }
0x47: {  	_ =	shalt  }
0x48: {  	_ =	shalt  }
0x49: {  	_ =	shalt  }
0x4a: {  	_ =	shalt  }
0x4b: {  	_ =	shalt  }
0x4c: {  	_ =	shalt  }
0x4d: {  	_ =	shalt  }
0x4e: {  	_ =	shalt  }
0x4f: {  	_ =	shalt  }
0x50: {  	_ =	shalt  }
0x51: {  	_ =	shalt  }
0x52: {  	_ =	shalt  }
0x53: {  	_ =	shalt  }
0x54: {  	_ =	shalt  }
0x55: {  	_ =	shalt  }
0x56: {  	_ =	shalt  }
0x57: {  	_ =	shalt  }
0x58: {  	_ =	shalt  }
0x59: {  	_ =	shalt  }
0x5a: {  	_ =	shalt  }
0x5b: {  	_ =	shalt  }
0x5c: {  	_ =	shalt  }
0x5d: {  	_ =	shalt  }
0x5e: {  	_ =	shalt  }
0x5f: {  	_ =	shalt  }
0x60: {  	_ =	shalt  }
0x61: {  	_ =	shalt  }
0x62: {  	_ =	shalt  }
0x63: {  	_ =	shalt  }
0x64: {  	_ =	shalt  }
0x65: {  	_ =	shalt  }
0x66: {  	_ =	shalt  }
0x67: {  	_ =	shalt  }
0x68: {  	_ =	shalt  }
0x69: {  	_ =	shalt  }
0x6a: {  	_ =	shalt  }
0x6b: {  	_ =	shalt  }
0x6c: {  	_ =	shalt  }
0x6d: {  	_ =	shalt  }
0x6e: {  	_ =	shalt  }
0x6f: {  	_ =	shalt  }
0x70: {  	_ =	shalt  }
0x71: {  	_ =	shalt  }
0x72: {  	_ =	shalt  }
0x73: {  	_ =	shalt  }
0x74: {  	_ =	shalt  }
0x75: {  	_ =	shalt  }
0x76: {  	_ =	shalt  }
0x77: {  	_ =	shalt  }
0x78: {  	_ =	shalt  }
0x79: {  	_ =	shalt  }
0x7a: {  	_ =	shalt  }
0x7b: {  	_ =	shalt  }
0x7c: {  	_ =	shalt  }
0x7d: {  	_ =	shalt  }
0x7e: {  	_ =	shalt  }
0x7f: {  	_ =	shalt  }
0x80: {  	_ =	shalt  }
0x81: {  	_ =	shalt  }
0x82: {  	_ =	shalt  }
0x83: {  	_ =	shalt  }
0x84: {  	_ =	shalt  }
0x85: {  	_ =	shalt  }
0x86: {  	_ =	shalt  }
0x87: {  	_ =	shalt  }
.Lfunc_end0:
.L_simem_size_0:
called_computation_lowered:
.L_overlay_start_0:
0x88: {  	s2 =	sld [smem:$0x3FD9]  }
0x89: {  	s3 =	sld [smem:$0x3FFE];
	_ =	sdelay $0x1  }
0x8a: {  	s1 =	srdreg.scid  }
0x8b: {  	s0 =	sand.u32 $0x1, s1  }
0x8c: {  	s16 =	sshll.u32 s0, $0xA;
	s2 =	sadd.s32 s3, s2  }
0x8d: {  	s2 =	sadd.s32 s2, s16  }
0x8e: {  	[smem:$0x3FC0] =	sst s2  }
0x8f: {  	_ = 	snop  }
0x90: {  	(tm) =	ssettm $0x1  }
0x91: {  	s17 =	sld [smem:$0x3FFB];
	_ =	sdelay $0x3  }
0x92: {  	_ =	strace s17  }
0x93: {  	s2 =	sld [smem:$0x3FFC];
	_ =	sdelay $0x3  }
0x94: {  	_ =	strace s2  }
0x95: {  	s2 =	sld [smem:$0x3FFD];
	_ =	sdelay $0x3  }
0x96: {  	_ =	strace s2  }
0x97: {  	_ =	strace $0x8FFFFFFF  }
0x98: {  	s18 =	sld [smem:$0x3FDB];
	_ =	sdelay $0x1  }
0x99: {  	s19 =	simm.s32 $_scs_section_size  }
0x9a: {  	s4 =	simm.s32 $_size__tile_overlayer_lowered;
	s5 =	simm.s32 $_tile_overlayer_lowered  }
0x9b: {  	s22 =	simm.s32 $0x1BFF;
	s21 =	sshll.u32 s5, $0x1;
	s2 =	sadd.s32 s19, s18  }
0x9c: {  	s6 =	simm.s32 $0x0;
	s20 =	sshll.u32 s4, $0x1;
	s4 =	sadd.s32 s21, s2  }
0x9d: {  	[timem:s6], [sflag:s22] =	dma.local [hbm:s4], s20  }
0x9e: {  	_ =	swait.ge [sflag:s22], s20  }
0x9f: {  	s3 =	ssub.s32 $0x0, s20;
	[sflag:s22] =	ssyncset.done $0x0  }
0xa0: {  	[sflag:s22] =	ssyncadd.s32 s3;
	_ =	sdelay $0x1  }
0xa1: {  	s23 =	simm.s32 $0x1B8B  }
0xa2: {  	_ =	swait.ge [sflag:s23], $0x1  }
0xa3: {  	[sflag:s23] =	ssyncset.done $0x0  }
0xa4: {  	s25 =	simm.s32 $0x1B8E;
	s24 =	sld [smem:$0x3FFE];
	[sflag:s23] =	ssyncadd.s32 $0xFFFFFFFF  }
0xa5: {  	s26 =	simm.s32 $execute0_lowered;
	[smem:$0x3FD2] =	sst s25  }
0xa6: {  	s4 =	sshll.u32 s26, $0x1;
	_ =	strace $0x80000046;
	[dreg:$0x1] =	wrdreg $0xFFFFFFFF  }
0xa7: {  	s28 =	simm.s32 $_size_execute0_lowered;
	s2 =	sadd.s32 s2, s4;
	[dreg:$0x0] =	wrdreg $0x0  }
0xa8: {  	s4 =	sshll.u32 s28, $0x1;
	[dreg:$0x2] =	wrdreg s2  }
0xa9: {  	[dreg:$0x3] =	wrdreg s4  }
0xaa: {  	[dreg:$0x4] =	wrdreg $0xC0  }
0xab: {  	_ =	task [dreg:s6], $0x5FFFF  }
0xac: {  	[dreg:$0x1] =	wrdreg $0xFFFFFFFF  }
0xad: {  	[dreg:$0x0] =	wrdreg $0x60  }
0xae: {  	[dreg:$0x2] =	wrdreg s24  }
0xaf: {  	[dreg:$0x3] =	wrdreg $0xAD800  }
0xb0: {  	[dreg:$0x4] =	wrdreg $0xAB000  }
0xb1: {  	[dreg:$0x5] =	wrdreg $0x9  }
0xb2: {  	_ =	task.clear_ibuf [dreg:s6], $0x6FFFF;
	_ =	strace $0x90000046  }
0xb3: {  	s29 =	simm.s32 $0x9;
	_ =	strace $0x80000048  }
0xb4: {  	_ =	swait.ge [sflag:s29], $0x1  }
0xb5: {  	[sflag:s29] =	ssyncadd.s32 $0xFFFFFFFF  }
0xb6: {  	_ =	strace $0x90000048  }
0xb7: {  	_ =	sfence  }
0xb8: {  	s30 =	sld [smem:$0x0];
	_ =	sdelay $0x2  }
0xb9: {  	s31 =	sshll.u32 s1, $0xD;
	s1 =	sshrl.u32 s1, $0x2  }
0xba: {  	s3 =	sand.u32 $0x4000, s31;
	s1 =	sadd.s32 s1, s30  }
0xbb: {  	s0 =	sor.u32 s3, s0;
	s1 =	sshll.u32 s1, $0x11  }
0xbc: {  	s0 =	sor.u32 s1, s0  }
0xbd: {  	s0 =	sadd.s32 $0x8F2B, s0  }
0xbe: {  	[sflag:s0] =	ssyncadd.remote.s32 $0x1  }
0xbf: {  	_ =	sfence.sel $0xFFFF  }
0xc0: {  	[dreg:$0x0] =	wrdreg $0xFFFFFFFF;
	(pc) =	sbr.abs _section_cstart, $3  }
0xc1: {  	[dreg:$0x1] =	wrdreg $0xFFFFFFFF  }
0xc2: {  	_ =	task.clear_ibuf [dreg:s6], $0x2FFFF;
	_ =	strace $0x9FFFFFFF  }
0xc3: {  	(tm) =	ssettm $0x7FFFFFFF  }
tec
execute0_lowered:
.L_overlay_start_1:
0x0: {  	(tag) =	ssettag $0x1  }
0x1: {  	s0 =	rddreg [dreg:$0x0]  }
0x2: {  	s1 =	rddreg [dreg:$0x1]  }
0x3: {  	s2 =	rddreg [dreg:$0x2]  }
0x4: {  	s4 =	simm.s32 $0x0;
	s5 =	srdreg.scid;
	s3 =	stileid.u32  }
0x5: {  	s28 =	simm.s32 $0x4;
	s29 =	simm.s32 $0x80;
	s25 =	smul.u32 $0x500, s3  }
0x6: {  	s30 =	simm.s32 $0x6800;
	s31 =	simm.s32 $0x1;
	s11 =	smul.u32 $0x14000, s3  }
0x7: {  	[smem:$0x7FF] =	sst s4;
	s8 =	sand.u32 $0x1, s5;
	s12 =	smul.u32 $0xA00, s3  }
0x8: {  	s9 =	sadd.s32 $0x2400, s0;
	s10 =	sadd.s32 $0xC400, s0;
	s13 =	smul.u32 $0x50000, s3  }
0x9: {  	s5 =	sadd.s32 $0x16400, s0;
	s15 =	smul.u32 $0x5000, s3;
	_ =	strace $0x80000047  }
0xa: {  	s6 =	sshll.u32 s8, $0x7;
	s7 =	smul.u32 $0x140000, s8;
	s26 =	ssub.s32 $0x2, s8  }
0xb: {  	p0 =	sne.s32 s8, $0x0;
	s8 =	simm.s32 $0x2;
	s6 =	sor.u32 s6, s25  }
0xc: {  	s14 =	sshrl.u32 s26, $0x1;
	s17 =	sshrl.u32 s12, $0x2;
	s18 =	sshrl.u32 s13, $0x2  }
0xd: {  	s19 =	sshrl.u32 s15, $0x3;
	s6 =	sshrl.u32 s6, $0x3;
	s7 =	sadd.s32 s11, s7  }
0xe: {  	s11 =	ssub.s32 s26, s14;
	s20 =	sadd.s32 $0x780, s19;
	s22 =	sadd.s32 s9, s19  }
0xf: {  	s23 =	sadd.s32 s10, s19;
	s24 =	sadd.s32 $0x280, s19;
	s12 =	sadd.s32 $0x500, s19  }
0x10: {  	s7 =	sshrl.u32 s7, $0x3;
	s16 =	sadd.s32 s6, s0;
	[dreg:$0x6] =	wrdreg s22  }
0x11: {  	s6 =	sadd.s32 s17, s2;
	s21 =	sadd.s32 s9, s20;
	[dreg:$0x7] =	wrdreg s23  }
0x12: {  	s13 =	sadd.s32 s10, s20;
	s25 =	sadd.s32 s9, s24;
	[dreg:$0x4] =	wrdreg s21  }
0x13: {  	s9 =	sadd.s32 s9, s12;
	s26 =	sadd.s32 s10, s12;
	[dreg:$0x5] =	wrdreg s13  }
0x14: {  	s23 =	simm.s32 $0x3;
	s12 =	simm.s32 $0x10;
	[dreg:$0x8] =	wrdreg s25  }
0x15: {  	s0 =	sadd.s32 s7, s0;
	s7 =	sadd.s32 s18, s1;
	[dreg:$0xa] =	wrdreg s9  }
0x16: {  	s13 =	sadd.s32 s10, s24;
	[dreg:$0xb] =	wrdreg s26;
	s16 =	sadd.s32 $0x3E400, s16  }
.Ltmp0:
0x17: {  	s18 =	smax.u32 s11, $0x1;
	s24 =	simm.s32 $0x5;
	(pc) =	sbr.rel .LBB2_1-.Ltmp0, $4  }
0x18: {  	s25 =	simm.s32 $0x2800;
	s26 =	simm.s32 $0x1400;
	s9 =	simm.s32 $0x2700  }
0x19: {  	s10 =	simm.s32 $0x2780;
	s11 =	simm.s32 $0x20;
	[dreg:$0x9] =	wrdreg s13  }
0x1a: {  	s17 =	sadd.s32 $0x3EE00, s0;
	s19 =	sadd.s32 $0x4000, s7;
	s20 =	sadd.s32 $0x8000, s7  }
0x1b: {  	v0 =	vimm.f32 $1.000000000e+00;
	v1 =	vimm.f32 $0.0e+00;
	s21 =	sadd.s32 $0xC000, s7;
	s22 =	sadd.s32 $0x10000, s7;
	s0 =	simm.s32 $0xA800  }
.LBB2_13:
0x1c: {  	[tilespmem:s30], [sflag:$0x2] =	stream.indirect.gather [hbm4b:s5+s29], $0x80, s14, s29, $0xb8;
	[tilespmem:$0x1ED80] =	vst v63  }
.LBB2_14:
0x1d: {  	_ =	swait.ge [sflag:s31], $0x4000  }
0x1e: {  	[sflag:s31] =	ssyncset.done $0x0  }
0x1f: {  	[sflag:s31] =	ssyncadd.s32 $0xFFFFC000  }
0x20: {  	[spmem:s2] =	stream.indirect.scatter.add.f32 [tilespmem:s0], [sflag:$0x3], $0x1, s9, s29, $0xb8;
	[tilespmem:$0x1ED80] =	vst v63  }
0x21: {  	_ = 	snop  }
0x22: {  	[spmem:s1] =	stream.indirect.scatter.add.f32 [tilespmem:s25], [sflag:$0x5], $0x80, s9, s29, $0xb8;
	[tilespmem:$0x1ED80] =	vst v63  }
0x23: {  	_ =	swait.ge [sflag:s24], $0x4000  }
0x24: {  	[sflag:s24] =	ssyncset.done $0x0  }
0x25: {  	[sflag:s24] =	ssyncadd.s32 $0xFFFFC000  }
0x26: {  	_ =	swait.ge [sflag:s23], $0x80  }
0x27: {  	[sflag:s23] =	ssyncset.done $0x0  }
0x28: {  	[sflag:s23] =	ssyncadd.s32 $0xFFFFFF80  }
0x29: {  	_ =	swait.ge [sflag:s8], $0x4000  }
0x2a: {  	[sflag:s8] =	ssyncset.done $0x0  }
0x2b: {  	[sflag:s8] =	ssyncadd.s32 $0xFFFFC000  }
0x2c: {  	[spmem:s2] =	stream.indirect.scatter.add.f32 [tilespmem:s0], [sflag:$0x3], $0x1, s10, s29, $0xb8;
	[tilespmem:$0x1ED80] =	vst v63  }
0x2d: {  	_ = 	snop  }
0x2e: {  	[spmem:s1] =	stream.indirect.scatter.add.f32 [tilespmem:s30], [sflag:$0x5], $0x80, s10, s29, $0xb8;
	[tilespmem:$0x1ED80] =	vst v63  }
0x2f: {  	_ =	swait.ge [sflag:s24], $0x4000  }
0x30: {  	[sflag:s24] =	ssyncset.done $0x0  }
0x31: {  	[sflag:s24] =	ssyncadd.s32 $0xFFFFC000  }
0x32: {  	_ =	swait.ge [sflag:s23], $0x80  }
0x33: {  	[sflag:s23] =	ssyncset.done $0x0  }
0x34: {  	s13 =	sshll.u32 s3, $0x6;
	[sflag:s23] =	ssyncadd.s32 $0xFFFFFF80  }
0x35: {  	s14 =	sshrl.u32 s6, $0x3;
	s13 =	sor.u32 $0x1C05, s13;
	[bflag:$0x0] =	sbarrier.arrive $0xFFFF  }
0x36: {  	[hbm:s16@s11], [sflag:s13] =	dma.strided [spmem:s14@s12], $0x50, s31, $0x10   }
0x37: {  	s4 =	sadd.s32 $0x1, s4;
	_ =	swait.ge [sflag:s24], $0x50  }
0x38: {  	p1 =	sne.s32 s4, s18;
	[sflag:s24] =	ssyncset.done $0x0  }
.Ltmp1:
0x39: {  	s15 =	sshrl.u32 s7, $0x3;
	[sflag:s24] =	ssyncadd.s32 $0xFFFFFFB0;
	(pc) =	sbr.rel @!p1 .LBB2_15-.Ltmp1, $4  }
0x3a: {  	[hbm:s17], [sflag:s13] =	dma.local [spmem:s15], $0x2800  }
0x3b: {  	_ =	swait.ge [sflag:s24], $0x2800  }
0x3c: {  	[sflag:s24] =	ssyncset.done $0x0  }
0x3d: {  	[sflag:s24] =	ssyncadd.s32 $0xFFFFD800  }
.LBB2_1:
0x3e: {  	[tilespmem:$0xA800] =	vst v0  }
0x3f: {  	[tilespmem:$0xA810] =	vst v0  }
0x40: {  	[tilespmem:$0xA820] =	vst v0  }
0x41: {  	[tilespmem:$0xA830] =	vst v0  }
0x42: {  	[tilespmem:$0xA840] =	vst v0  }
0x43: {  	[tilespmem:$0xA850] =	vst v0  }
0x44: {  	[tilespmem:$0xA860] =	vst v0  }
0x45: {  	[tilespmem:$0xA870] =	vst v0;
	s13 =	simm.s32 $0x0;
	s14 =	simm.s32 $0x200  }
.LBB2_2:
0x46: {  	p1 =	sne.s32 s14, $0xFE00;
	[tilespmem:s13+$0x2870] =	vst v1  }
0x47: {  	[tilespmem:s13+$0x2800] =	vst v1  }
0x48: {  	[tilespmem:s13+$0x2810] =	vst v1  }
.Ltmp2:
0x49: {  	[tilespmem:s13+$0x2820] =	vst v1;
	(pc) =	sbr.rel @p1 .LBB2_2-.Ltmp2, $4  }
0x4a: {  	[tilespmem:s13+$0x2830] =	vst v1  }
0x4b: {  	[tilespmem:s13+$0x2840] =	vst v1  }
0x4c: {  	[tilespmem:s13+$0x2850] =	vst v1  }
0x4d: {  	[tilespmem:s13+$0x2860] =	vst v1;
	s13 =	sshra.s32 s14, $0x2;
	s14 =	sadd.s32 $0x200, s14  }
0x4e: {  	[tilespmem:s13+$0x2870] =	vst v1  }
0x4f: {  	[tilespmem:s13+$0x2800] =	vst v1  }
0x50: {  	[tilespmem:s13+$0x2810] =	vst v1  }
0x51: {  	[tilespmem:s13+$0x2820] =	vst v1  }
0x52: {  	[tilespmem:s13+$0x2830] =	vst v1  }
0x53: {  	[tilespmem:s13+$0x2840] =	vst v1  }
0x54: {  	[tilespmem:s13+$0x2850] =	vst v1  }
0x55: {  	[tilespmem:s13+$0x2860] =	vst v1  }
0x56: {  	[tilespmem:$0xA880] =	vst v1  }
0x57: {  	[tilespmem:$0xA890] =	vst v1  }
0x58: {  	[tilespmem:$0xA8A0] =	vst v1  }
0x59: {  	[tilespmem:$0xA8B0] =	vst v1  }
0x5a: {  	[tilespmem:$0xA8C0] =	vst v1  }
0x5b: {  	[tilespmem:$0xA8D0] =	vst v1  }
0x5c: {  	[tilespmem:$0xA8E0] =	vst v1  }
0x5d: {  	[tilespmem:$0xA8F0] =	vst v1  }
0x5e: {  	[tilespmem:$0xA900] =	vst v1  }
0x5f: {  	[tilespmem:$0xA910] =	vst v1  }
0x60: {  	[tilespmem:$0xA920] =	vst v1  }
0x61: {  	[tilespmem:$0xA930] =	vst v1  }
0x62: {  	[tilespmem:$0xA940] =	vst v1  }
0x63: {  	[tilespmem:$0xA950] =	vst v1  }
0x64: {  	[tilespmem:$0xA960] =	vst v1  }
0x65: {  	[tilespmem:$0xA970] =	vst v1  }
0x66: {  	[tilespmem:$0xA980] =	vst v1  }
0x67: {  	[tilespmem:$0xA990] =	vst v1  }
0x68: {  	[tilespmem:$0xA9A0] =	vst v1  }
0x69: {  	[tilespmem:$0xA9B0] =	vst v1  }
0x6a: {  	[tilespmem:$0xA9C0] =	vst v1  }
0x6b: {  	[tilespmem:$0xA9D0] =	vst v1  }
0x6c: {  	[tilespmem:$0xA9E0] =	vst v1  }
0x6d: {  	[tilespmem:$0xA9F0] =	vst v1  }
0x6e: {  	[tilespmem:$0xAA00] =	vst v1  }
0x6f: {  	[tilespmem:$0xAA10] =	vst v1  }
0x70: {  	[tilespmem:$0xAA20] =	vst v1  }
0x71: {  	[tilespmem:$0xAA30] =	vst v1  }
0x72: {  	[tilespmem:$0xAA40] =	vst v1  }
0x73: {  	[tilespmem:$0xAA50] =	vst v1  }
0x74: {  	[tilespmem:$0xAA60] =	vst v1  }
0x75: {  	[tilespmem:$0xAA70] =	vst v1  }
0x76: {  	[tilespmem:$0xAA80] =	vst v1  }
0x77: {  	[tilespmem:$0xAA90] =	vst v1  }
0x78: {  	[tilespmem:$0xAAA0] =	vst v1  }
0x79: {  	[tilespmem:$0xAAB0] =	vst v1  }
0x7a: {  	[tilespmem:$0xAAC0] =	vst v1  }
0x7b: {  	[tilespmem:$0xAAD0] =	vst v1  }
0x7c: {  	[tilespmem:$0xAAE0] =	vst v1  }
0x7d: {  	s15 =	simm.s32 $0xA880;
	[tilespmem:$0xAAF0] =	vst v1  }
0x7e: {  	[spmem:s6] =	stream.linear.scatter [tilespmem:s15], [sflag:$0x5], $0x280, $0x38;
	[tilespmem:$0x1ED80] =	vst v63  }
0x7f: {  	_ =	swait.ge [sflag:s24], $0x280  }
0x80: {  	[sflag:s24] =	ssyncset.done $0x0  }
0x81: {  	[sflag:s24] =	ssyncadd.s32 $0xFFFFFD80  }
0x82: {  	[spmem:s7] =	stream.linear.scatter [tilespmem:s25], [sflag:$0x5], $0x4000, $0x38;
	[tilespmem:$0x1ED80] =	vst v63  }
0x83: {  	_ =	swait.ge [sflag:s24], $0x4000  }
0x84: {  	[sflag:s24] =	ssyncset.done $0x0  }
0x85: {  	[sflag:s24] =	ssyncadd.s32 $0xFFFFC000  }
0x86: {  	[spmem:s19] =	stream.linear.scatter [tilespmem:s25], [sflag:$0x5], $0x4000, $0x38;
	[tilespmem:$0x1ED80] =	vst v63  }
0x87: {  	_ =	swait.ge [sflag:s24], $0x4000  }
0x88: {  	[sflag:s24] =	ssyncset.done $0x0  }
0x89: {  	[sflag:s24] =	ssyncadd.s32 $0xFFFFC000  }
0x8a: {  	[spmem:s20] =	stream.linear.scatter [tilespmem:s25], [sflag:$0x5], $0x4000, $0x38;
	[tilespmem:$0x1ED80] =	vst v63  }
0x8b: {  	_ =	swait.ge [sflag:s24], $0x4000  }
0x8c: {  	[sflag:s24] =	ssyncset.done $0x0  }
0x8d: {  	[sflag:s24] =	ssyncadd.s32 $0xFFFFC000  }
0x8e: {  	[spmem:s21] =	stream.linear.scatter [tilespmem:s25], [sflag:$0x5], $0x4000, $0x38;
	[tilespmem:$0x1ED80] =	vst v63  }
0x8f: {  	_ =	swait.ge [sflag:s24], $0x4000  }
0x90: {  	[sflag:s24] =	ssyncset.done $0x0  }
0x91: {  	[sflag:s24] =	ssyncadd.s32 $0xFFFFC000  }
0x92: {  	[spmem:s22] =	stream.linear.scatter [tilespmem:s25], [sflag:$0x5], $0x4000, $0x38;
	[tilespmem:$0x1ED80] =	vst v63  }
.Ltmp3:
0x93: {  	_ =	swait.ge [sflag:s24], $0x4000;
	(pc) =	sbr.rel @p0 .LBB2_11-.Ltmp3, $4  }
0x94: {  	[sflag:s24] =	ssyncset.done $0x0  }
0x95: {  	[sflag:s24] =	ssyncadd.s32 $0xFFFFC000  }
0x96: {  	[bflag:$0x0] =	sbarrier.arrive $0xFFFF  }
0x97: {  	s13 =	simm.s32 $0x0  }
0x98: {  	s14 =	rddreg [dreg:$0x6]  }
0x99: {  	[tilespmem:s13], [sflag:$0x4] =	stream.linear.gather [hbm4b:s14+s13], $0x1400, $0x38;
	[tilespmem:$0x1ED80] =	vst v63  }
0x9a: {  	s15 =	rddreg [dreg:$0x7]  }
0x9b: {  	[tilespmem:s26], [sflag:$0x4] =	stream.linear.gather [hbm4b:s15+s13], $0x1400, $0x38;
	[tilespmem:$0x1ED80] =	vst v63  }
0x9c: {  	_ =	swait.ge [sflag:s28], $0x1400  }
0x9d: {  	[sflag:s28] =	ssyncset.done $0x0  }
0x9e: {  	[sflag:s28] =	ssyncadd.s32 $0xFFFFEC00  }
0x9f: {  	_ =	swait.ge [sflag:s28], $0x1400  }
0xa0: {  	[sflag:s28] =	ssyncset.done $0x0  }
0xa1: {  	[sflag:s28] =	ssyncadd.s32 $0xFFFFEC00  }
0xa2: {  	[tilespmem:s25], [sflag:$0x1] =	stream.indirect.gather [hbm4b:s5+s29], $0x80, s13, s29, $0xb8;
	[tilespmem:$0x1ED80] =	vst v63  }
0xa3: {  	_ = 	snop  }
0xa4: {  	[tilespmem:s30], [sflag:$0x2] =	stream.indirect.gather [hbm4b:s5+s29], $0x80, s29, s29, $0xb8;
	[tilespmem:$0x1ED80] =	vst v63  }
0xa5: {  	_ =	swait.ge [sflag:s31], $0x4000  }
0xa6: {  	[sflag:s31] =	ssyncset.done $0x0  }
0xa7: {  	s15 =	simm.s32 $0x1400;
	[sflag:s31] =	ssyncadd.s32 $0xFFFFC000  }
0xa8: {  	[spmem:s2] =	stream.indirect.scatter.add.f32 [tilespmem:s0], [sflag:$0x3], $0x1, s15, s29, $0xb8;
	[tilespmem:$0x1ED80] =	vst v63  }
0xa9: {  	_ = 	snop  }
0xaa: {  	[spmem:s1] =	stream.indirect.scatter.add.f32 [tilespmem:s25], [sflag:$0x5], $0x80, s15, s29, $0xb8;
	[tilespmem:$0x1ED80] =	vst v63  }
0xab: {  	_ =	swait.ge [sflag:s24], $0x4000  }
0xac: {  	[sflag:s24] =	ssyncset.done $0x0  }
0xad: {  	[sflag:s24] =	ssyncadd.s32 $0xFFFFC000  }
0xae: {  	_ =	swait.ge [sflag:s23], $0x80  }
0xaf: {  	[sflag:s23] =	ssyncset.done $0x0  }
0xb0: {  	s14 =	simm.s32 $0x100;
	[sflag:s23] =	ssyncadd.s32 $0xFFFFFF80  }
0xb1: {  	[tilespmem:s25], [sflag:$0x1] =	stream.indirect.gather [hbm4b:s5+s29], $0x80, s14, s29, $0xb8;
	[tilespmem:$0x1ED80] =	vst v63  }
0xb2: {  	_ =	swait.ge [sflag:s8], $0x4000  }
0xb3: {  	[sflag:s8] =	ssyncset.done $0x0  }
0xb4: {  	s15 =	simm.s32 $0x1480;
	[sflag:s8] =	ssyncadd.s32 $0xFFFFC000  }
0xb5: {  	[spmem:s2] =	stream.indirect.scatter.add.f32 [tilespmem:s0], [sflag:$0x3], $0x1, s15, s29, $0xb8;
	[tilespmem:$0x1ED80] =	vst v63  }
0xb6: {  	_ = 	snop  }
0xb7: {  	[spmem:s1] =	stream.indirect.scatter.add.f32 [tilespmem:s30], [sflag:$0x5], $0x80, s15, s29, $0xb8;
	[tilespmem:$0x1ED80] =	vst v63  }
0xb8: {  	_ =	swait.ge [sflag:s24], $0x4000  }
0xb9: {  	[sflag:s24] =	ssyncset.done $0x0  }
0xba: {  	[sflag:s24] =	ssyncadd.s32 $0xFFFFC000  }
0xbb: {  	_ =	swait.ge [sflag:s23], $0x80  }
0xbc: {  	[sflag:s23] =	ssyncset.done $0x0  }
0xbd: {  	s13 =	simm.s32 $0x400;
	s14 =	simm.s32 $0x180;
	[sflag:s23] =	ssyncadd.s32 $0xFFFFFF80  }
.LBB2_5:
0xbe: {  	[tilespmem:s30], [sflag:$0x2] =	stream.indirect.gather [hbm4b:s5+s29], $0x80, s14, s29, $0xb8;
	[tilespmem:$0x1ED80] =	vst v63  }
0xbf: {  	s14 =	smov.u32 s13  }
0xc0: {  	p1 =	sne.s32 s13, $0x4800;
	s13 =	sadd.s32 $0x400, s13;
	_ =	swait.ge [sflag:s31], $0x4000  }
0xc1: {  	s14 =	sshra.s32 s14, $0x2;
	[sflag:s31] =	ssyncset.done $0x0  }
0xc2: {  	s15 =	sadd.s32 $0x1400, s14;
	[sflag:s31] =	ssyncadd.s32 $0xFFFFC000  }
0xc3: {  	[spmem:s2] =	stream.indirect.scatter.add.f32 [tilespmem:s0], [sflag:$0x3], $0x1, s15, s29, $0xb8;
	[tilespmem:$0x1ED80] =	vst v63  }
0xc4: {  	_ = 	snop  }
0xc5: {  	[spmem:s1] =	stream.indirect.scatter.add.f32 [tilespmem:s25], [sflag:$0x5], $0x80, s15, s29, $0xb8;
	[tilespmem:$0x1ED80] =	vst v63  }
0xc6: {  	_ =	swait.ge [sflag:s24], $0x4000  }
0xc7: {  	[sflag:s24] =	ssyncset.done $0x0  }
0xc8: {  	[sflag:s24] =	ssyncadd.s32 $0xFFFFC000  }
0xc9: {  	_ =	swait.ge [sflag:s23], $0x80  }
0xca: {  	[sflag:s23] =	ssyncset.done $0x0  }
0xcb: {  	s15 =	sadd.s32 $0x100, s14;
	[sflag:s23] =	ssyncadd.s32 $0xFFFFFF80  }
0xcc: {  	[tilespmem:s25], [sflag:$0x1] =	stream.indirect.gather [hbm4b:s5+s29], $0x80, s15, s29, $0xb8;
	[tilespmem:$0x1ED80] =	vst v63  }
0xcd: {  	_ =	swait.ge [sflag:s8], $0x4000  }
0xce: {  	[sflag:s8] =	ssyncset.done $0x0  }
0xcf: {  	s15 =	sadd.s32 $0x1480, s14;
	[sflag:s8] =	ssyncadd.s32 $0xFFFFC000  }
0xd0: {  	[spmem:s2] =	stream.indirect.scatter.add.f32 [tilespmem:s0], [sflag:$0x3], $0x1, s15, s29, $0xb8;
	[tilespmem:$0x1ED80] =	vst v63  }
0xd1: {  	_ = 	snop  }
0xd2: {  	[spmem:s1] =	stream.indirect.scatter.add.f32 [tilespmem:s30], [sflag:$0x5], $0x80, s15, s29, $0xb8;
	[tilespmem:$0x1ED80] =	vst v63  }
0xd3: {  	_ =	swait.ge [sflag:s24], $0x4000  }
.Ltmp4:
0xd4: {  	[sflag:s24] =	ssyncset.done $0x0;
	(pc) =	sbr.rel @p1 .LBB2_5-.Ltmp4, $4  }
0xd5: {  	[sflag:s24] =	ssyncadd.s32 $0xFFFFC000  }
0xd6: {  	_ =	swait.ge [sflag:s23], $0x80  }
0xd7: {  	[sflag:s23] =	ssyncset.done $0x0  }
0xd8: {  	s14 =	sadd.s32 $0x180, s14;
	[sflag:s23] =	ssyncadd.s32 $0xFFFFFF80  }
0xd9: {  	[tilespmem:s30], [sflag:$0x2] =	stream.indirect.gather [hbm4b:s5+s29], $0x80, s14, s29, $0xb8;
	[tilespmem:$0x1ED80] =	vst v63  }
0xda: {  	_ =	swait.ge [sflag:s31], $0x4000  }
0xdb: {  	[sflag:s31] =	ssyncset.done $0x0  }
0xdc: {  	[sflag:s31] =	ssyncadd.s32 $0xFFFFC000  }
0xdd: {  	[spmem:s2] =	stream.indirect.scatter.add.f32 [tilespmem:s0], [sflag:$0x3], $0x1, s9, s29, $0xb8;
	[tilespmem:$0x1ED80] =	vst v63  }
0xde: {  	_ = 	snop  }
0xdf: {  	[spmem:s1] =	stream.indirect.scatter.add.f32 [tilespmem:s25], [sflag:$0x5], $0x80, s9, s29, $0xb8;
	[tilespmem:$0x1ED80] =	vst v63  }
0xe0: {  	_ =	swait.ge [sflag:s24], $0x4000  }
0xe1: {  	[sflag:s24] =	ssyncset.done $0x0  }
0xe2: {  	[sflag:s24] =	ssyncadd.s32 $0xFFFFC000  }
0xe3: {  	_ =	swait.ge [sflag:s23], $0x80  }
0xe4: {  	[sflag:s23] =	ssyncset.done $0x0  }
0xe5: {  	[sflag:s23] =	ssyncadd.s32 $0xFFFFFF80  }
0xe6: {  	_ =	swait.ge [sflag:s8], $0x4000  }
0xe7: {  	[sflag:s8] =	ssyncset.done $0x0  }
0xe8: {  	[sflag:s8] =	ssyncadd.s32 $0xFFFFC000  }
0xe9: {  	[spmem:s2] =	stream.indirect.scatter.add.f32 [tilespmem:s0], [sflag:$0x3], $0x1, s10, s29, $0xb8;
	[tilespmem:$0x1ED80] =	vst v63  }
0xea: {  	_ = 	snop  }
0xeb: {  	[spmem:s1] =	stream.indirect.scatter.add.f32 [tilespmem:s30], [sflag:$0x5], $0x80, s10, s29, $0xb8;
	[tilespmem:$0x1ED80] =	vst v63  }
0xec: {  	_ =	swait.ge [sflag:s24], $0x4000  }
0xed: {  	[sflag:s24] =	ssyncset.done $0x0  }
0xee: {  	[sflag:s24] =	ssyncadd.s32 $0xFFFFC000  }
0xef: {  	_ =	swait.ge [sflag:s23], $0x80  }
0xf0: {  	[sflag:s23] =	ssyncset.done $0x0  }
0xf1: {  	s13 =	simm.s32 $0x0;
	s15 =	rddreg [dreg:$0x8];
	[sflag:s23] =	ssyncadd.s32 $0xFFFFFF80  }
0xf2: {  	[tilespmem:s13], [sflag:$0x4] =	stream.linear.gather [hbm4b:s15+s13], $0x1400, $0x38;
	[tilespmem:$0x1ED80] =	vst v63  }
0xf3: {  	s15 =	rddreg [dreg:$0x9]  }
0xf4: {  	[tilespmem:s26], [sflag:$0x4] =	stream.linear.gather [hbm4b:s15+s13], $0x1400, $0x38;
	[tilespmem:$0x1ED80] =	vst v63  }
0xf5: {  	_ =	swait.ge [sflag:s28], $0x1400  }
0xf6: {  	[sflag:s28] =	ssyncset.done $0x0  }
0xf7: {  	[sflag:s28] =	ssyncadd.s32 $0xFFFFEC00  }
0xf8: {  	_ =	swait.ge [sflag:s28], $0x1400  }
0xf9: {  	[sflag:s28] =	ssyncset.done $0x0  }
0xfa: {  	[sflag:s28] =	ssyncadd.s32 $0xFFFFEC00  }
0xfb: {  	[tilespmem:s25], [sflag:$0x1] =	stream.indirect.gather [hbm4b:s5+s29], $0x80, s13, s29, $0xb8;
	[tilespmem:$0x1ED80] =	vst v63  }
0xfc: {  	_ = 	snop  }
0xfd: {  	[tilespmem:s30], [sflag:$0x2] =	stream.indirect.gather [hbm4b:s5+s29], $0x80, s29, s29, $0xb8;
	[tilespmem:$0x1ED80] =	vst v63  }
0xfe: {  	_ =	swait.ge [sflag:s31], $0x4000  }
0xff: {  	[sflag:s31] =	ssyncset.done $0x0  }
0x100: {  	s15 =	simm.s32 $0x1400;
	[sflag:s31] =	ssyncadd.s32 $0xFFFFC000  }
0x101: {  	[spmem:s2] =	stream.indirect.scatter.add.f32 [tilespmem:s0], [sflag:$0x3], $0x1, s15, s29, $0xb8;
	[tilespmem:$0x1ED80] =	vst v63  }
0x102: {  	_ = 	snop  }
0x103: {  	[spmem:s1] =	stream.indirect.scatter.add.f32 [tilespmem:s25], [sflag:$0x5], $0x80, s15, s29, $0xb8;
	[tilespmem:$0x1ED80] =	vst v63  }
0x104: {  	_ =	swait.ge [sflag:s24], $0x4000  }
0x105: {  	[sflag:s24] =	ssyncset.done $0x0  }
0x106: {  	[sflag:s24] =	ssyncadd.s32 $0xFFFFC000  }
0x107: {  	_ =	swait.ge [sflag:s23], $0x80  }
0x108: {  	[sflag:s23] =	ssyncset.done $0x0  }
0x109: {  	s14 =	simm.s32 $0x100;
	[sflag:s23] =	ssyncadd.s32 $0xFFFFFF80  }
0x10a: {  	[tilespmem:s25], [sflag:$0x1] =	stream.indirect.gather [hbm4b:s5+s29], $0x80, s14, s29, $0xb8;
	[tilespmem:$0x1ED80] =	vst v63  }
0x10b: {  	_ =	swait.ge [sflag:s8], $0x4000  }
0x10c: {  	[sflag:s8] =	ssyncset.done $0x0  }
0x10d: {  	s15 =	simm.s32 $0x1480;
	[sflag:s8] =	ssyncadd.s32 $0xFFFFC000  }
0x10e: {  	[spmem:s2] =	stream.indirect.scatter.add.f32 [tilespmem:s0], [sflag:$0x3], $0x1, s15, s29, $0xb8;
	[tilespmem:$0x1ED80] =	vst v63  }
0x10f: {  	_ = 	snop  }
0x110: {  	[spmem:s1] =	stream.indirect.scatter.add.f32 [tilespmem:s30], [sflag:$0x5], $0x80, s15, s29, $0xb8;
	[tilespmem:$0x1ED80] =	vst v63  }
0x111: {  	_ =	swait.ge [sflag:s24], $0x4000  }
0x112: {  	[sflag:s24] =	ssyncset.done $0x0  }
0x113: {  	[sflag:s24] =	ssyncadd.s32 $0xFFFFC000  }
0x114: {  	_ =	swait.ge [sflag:s23], $0x80  }
0x115: {  	[sflag:s23] =	ssyncset.done $0x0  }
0x116: {  	s13 =	simm.s32 $0x400;
	s14 =	simm.s32 $0x180;
	[sflag:s23] =	ssyncadd.s32 $0xFFFFFF80  }
.LBB2_7:
0x117: {  	[tilespmem:s30], [sflag:$0x2] =	stream.indirect.gather [hbm4b:s5+s29], $0x80, s14, s29, $0xb8;
	[tilespmem:$0x1ED80] =	vst v63  }
0x118: {  	s14 =	smov.u32 s13  }
0x119: {  	p1 =	sne.s32 s13, $0x4800;
	s13 =	sadd.s32 $0x400, s13;
	_ =	swait.ge [sflag:s31], $0x4000  }
0x11a: {  	s14 =	sshra.s32 s14, $0x2;
	[sflag:s31] =	ssyncset.done $0x0  }
0x11b: {  	s15 =	sadd.s32 $0x1400, s14;
	[sflag:s31] =	ssyncadd.s32 $0xFFFFC000  }
0x11c: {  	[spmem:s2] =	stream.indirect.scatter.add.f32 [tilespmem:s0], [sflag:$0x3], $0x1, s15, s29, $0xb8;
	[tilespmem:$0x1ED80] =	vst v63  }
0x11d: {  	_ = 	snop  }
0x11e: {  	[spmem:s1] =	stream.indirect.scatter.add.f32 [tilespmem:s25], [sflag:$0x5], $0x80, s15, s29, $0xb8;
	[tilespmem:$0x1ED80] =	vst v63  }
0x11f: {  	_ =	swait.ge [sflag:s24], $0x4000  }
0x120: {  	[sflag:s24] =	ssyncset.done $0x0  }
0x121: {  	[sflag:s24] =	ssyncadd.s32 $0xFFFFC000  }
0x122: {  	_ =	swait.ge [sflag:s23], $0x80  }
0x123: {  	[sflag:s23] =	ssyncset.done $0x0  }
0x124: {  	s15 =	sadd.s32 $0x100, s14;
	[sflag:s23] =	ssyncadd.s32 $0xFFFFFF80  }
0x125: {  	[tilespmem:s25], [sflag:$0x1] =	stream.indirect.gather [hbm4b:s5+s29], $0x80, s15, s29, $0xb8;
	[tilespmem:$0x1ED80] =	vst v63  }
0x126: {  	_ =	swait.ge [sflag:s8], $0x4000  }
0x127: {  	[sflag:s8] =	ssyncset.done $0x0  }
0x128: {  	s15 =	sadd.s32 $0x1480, s14;
	[sflag:s8] =	ssyncadd.s32 $0xFFFFC000  }
0x129: {  	[spmem:s2] =	stream.indirect.scatter.add.f32 [tilespmem:s0], [sflag:$0x3], $0x1, s15, s29, $0xb8;
	[tilespmem:$0x1ED80] =	vst v63  }
0x12a: {  	_ = 	snop  }
0x12b: {  	[spmem:s1] =	stream.indirect.scatter.add.f32 [tilespmem:s30], [sflag:$0x5], $0x80, s15, s29, $0xb8;
	[tilespmem:$0x1ED80] =	vst v63  }
0x12c: {  	_ =	swait.ge [sflag:s24], $0x4000  }
.Ltmp5:
0x12d: {  	[sflag:s24] =	ssyncset.done $0x0;
	(pc) =	sbr.rel @p1 .LBB2_7-.Ltmp5, $4  }
0x12e: {  	[sflag:s24] =	ssyncadd.s32 $0xFFFFC000  }
0x12f: {  	_ =	swait.ge [sflag:s23], $0x80  }
0x130: {  	[sflag:s23] =	ssyncset.done $0x0  }
0x131: {  	s14 =	sadd.s32 $0x180, s14;
	[sflag:s23] =	ssyncadd.s32 $0xFFFFFF80  }
0x132: {  	[tilespmem:s30], [sflag:$0x2] =	stream.indirect.gather [hbm4b:s5+s29], $0x80, s14, s29, $0xb8;
	[tilespmem:$0x1ED80] =	vst v63  }
0x133: {  	_ =	swait.ge [sflag:s31], $0x4000  }
0x134: {  	[sflag:s31] =	ssyncset.done $0x0  }
0x135: {  	[sflag:s31] =	ssyncadd.s32 $0xFFFFC000  }
0x136: {  	[spmem:s2] =	stream.indirect.scatter.add.f32 [tilespmem:s0], [sflag:$0x3], $0x1, s9, s29, $0xb8;
	[tilespmem:$0x1ED80] =	vst v63  }
0x137: {  	_ = 	snop  }
0x138: {  	[spmem:s1] =	stream.indirect.scatter.add.f32 [tilespmem:s25], [sflag:$0x5], $0x80, s9, s29, $0xb8;
	[tilespmem:$0x1ED80] =	vst v63  }
0x139: {  	_ =	swait.ge [sflag:s24], $0x4000  }
0x13a: {  	[sflag:s24] =	ssyncset.done $0x0  }
0x13b: {  	[sflag:s24] =	ssyncadd.s32 $0xFFFFC000  }
0x13c: {  	_ =	swait.ge [sflag:s23], $0x80  }
0x13d: {  	[sflag:s23] =	ssyncset.done $0x0  }
0x13e: {  	[sflag:s23] =	ssyncadd.s32 $0xFFFFFF80  }
0x13f: {  	_ =	swait.ge [sflag:s8], $0x4000  }
0x140: {  	[sflag:s8] =	ssyncset.done $0x0  }
0x141: {  	[sflag:s8] =	ssyncadd.s32 $0xFFFFC000  }
0x142: {  	[spmem:s2] =	stream.indirect.scatter.add.f32 [tilespmem:s0], [sflag:$0x3], $0x1, s10, s29, $0xb8;
	[tilespmem:$0x1ED80] =	vst v63  }
0x143: {  	_ = 	snop  }
0x144: {  	[spmem:s1] =	stream.indirect.scatter.add.f32 [tilespmem:s30], [sflag:$0x5], $0x80, s10, s29, $0xb8;
	[tilespmem:$0x1ED80] =	vst v63  }
0x145: {  	_ =	swait.ge [sflag:s24], $0x4000  }
0x146: {  	[sflag:s24] =	ssyncset.done $0x0  }
0x147: {  	[sflag:s24] =	ssyncadd.s32 $0xFFFFC000  }
0x148: {  	_ =	swait.ge [sflag:s23], $0x80  }
0x149: {  	[sflag:s23] =	ssyncset.done $0x0  }
0x14a: {  	s13 =	simm.s32 $0x0;
	s15 =	rddreg [dreg:$0xa];
	[sflag:s23] =	ssyncadd.s32 $0xFFFFFF80  }
0x14b: {  	[tilespmem:s13], [sflag:$0x4] =	stream.linear.gather [hbm4b:s15+s13], $0x1400, $0x38;
	[tilespmem:$0x1ED80] =	vst v63  }
0x14c: {  	s15 =	rddreg [dreg:$0xb]  }
0x14d: {  	[tilespmem:s26], [sflag:$0x4] =	stream.linear.gather [hbm4b:s15+s13], $0x1400, $0x38;
	[tilespmem:$0x1ED80] =	vst v63  }
0x14e: {  	_ =	swait.ge [sflag:s28], $0x1400  }
0x14f: {  	[sflag:s28] =	ssyncset.done $0x0  }
0x150: {  	[sflag:s28] =	ssyncadd.s32 $0xFFFFEC00  }
0x151: {  	_ =	swait.ge [sflag:s28], $0x1400  }
0x152: {  	[sflag:s28] =	ssyncset.done $0x0  }
0x153: {  	[sflag:s28] =	ssyncadd.s32 $0xFFFFEC00  }
0x154: {  	[tilespmem:s25], [sflag:$0x1] =	stream.indirect.gather [hbm4b:s5+s29], $0x80, s13, s29, $0xb8;
	[tilespmem:$0x1ED80] =	vst v63  }
0x155: {  	_ = 	snop  }
0x156: {  	[tilespmem:s30], [sflag:$0x2] =	stream.indirect.gather [hbm4b:s5+s29], $0x80, s29, s29, $0xb8;
	[tilespmem:$0x1ED80] =	vst v63  }
0x157: {  	_ =	swait.ge [sflag:s31], $0x4000  }
0x158: {  	[sflag:s31] =	ssyncset.done $0x0  }
0x159: {  	s15 =	simm.s32 $0x1400;
	[sflag:s31] =	ssyncadd.s32 $0xFFFFC000  }
0x15a: {  	[spmem:s2] =	stream.indirect.scatter.add.f32 [tilespmem:s0], [sflag:$0x3], $0x1, s15, s29, $0xb8;
	[tilespmem:$0x1ED80] =	vst v63  }
0x15b: {  	_ = 	snop  }
0x15c: {  	[spmem:s1] =	stream.indirect.scatter.add.f32 [tilespmem:s25], [sflag:$0x5], $0x80, s15, s29, $0xb8;
	[tilespmem:$0x1ED80] =	vst v63  }
0x15d: {  	_ =	swait.ge [sflag:s24], $0x4000  }
0x15e: {  	[sflag:s24] =	ssyncset.done $0x0  }
0x15f: {  	[sflag:s24] =	ssyncadd.s32 $0xFFFFC000  }
0x160: {  	_ =	swait.ge [sflag:s23], $0x80  }
0x161: {  	[sflag:s23] =	ssyncset.done $0x0  }
0x162: {  	s14 =	simm.s32 $0x100;
	[sflag:s23] =	ssyncadd.s32 $0xFFFFFF80  }
0x163: {  	[tilespmem:s25], [sflag:$0x1] =	stream.indirect.gather [hbm4b:s5+s29], $0x80, s14, s29, $0xb8;
	[tilespmem:$0x1ED80] =	vst v63  }
0x164: {  	_ =	swait.ge [sflag:s8], $0x4000  }
0x165: {  	[sflag:s8] =	ssyncset.done $0x0  }
0x166: {  	s15 =	simm.s32 $0x1480;
	[sflag:s8] =	ssyncadd.s32 $0xFFFFC000  }
0x167: {  	[spmem:s2] =	stream.indirect.scatter.add.f32 [tilespmem:s0], [sflag:$0x3], $0x1, s15, s29, $0xb8;
	[tilespmem:$0x1ED80] =	vst v63  }
0x168: {  	_ = 	snop  }
0x169: {  	[spmem:s1] =	stream.indirect.scatter.add.f32 [tilespmem:s30], [sflag:$0x5], $0x80, s15, s29, $0xb8;
	[tilespmem:$0x1ED80] =	vst v63  }
0x16a: {  	_ =	swait.ge [sflag:s24], $0x4000  }
0x16b: {  	[sflag:s24] =	ssyncset.done $0x0  }
0x16c: {  	[sflag:s24] =	ssyncadd.s32 $0xFFFFC000  }
0x16d: {  	_ =	swait.ge [sflag:s23], $0x80  }
0x16e: {  	[sflag:s23] =	ssyncset.done $0x0  }
0x16f: {  	s13 =	simm.s32 $0x400;
	s14 =	simm.s32 $0x180;
	[sflag:s23] =	ssyncadd.s32 $0xFFFFFF80  }
.LBB2_9:
0x170: {  	[tilespmem:s30], [sflag:$0x2] =	stream.indirect.gather [hbm4b:s5+s29], $0x80, s14, s29, $0xb8;
	[tilespmem:$0x1ED80] =	vst v63  }
0x171: {  	s14 =	smov.u32 s13  }
0x172: {  	p1 =	seq.s32 s13, $0x4800;
	s13 =	sadd.s32 $0x400, s13;
	_ =	swait.ge [sflag:s31], $0x4000  }
0x173: {  	s14 =	sshra.s32 s14, $0x2;
	[sflag:s31] =	ssyncset.done $0x0  }
0x174: {  	s15 =	sadd.s32 $0x1400, s14;
	[sflag:s31] =	ssyncadd.s32 $0xFFFFC000  }
0x175: {  	[spmem:s2] =	stream.indirect.scatter.add.f32 [tilespmem:s0], [sflag:$0x3], $0x1, s15, s29, $0xb8;
	[tilespmem:$0x1ED80] =	vst v63  }
0x176: {  	_ = 	snop  }
0x177: {  	[spmem:s1] =	stream.indirect.scatter.add.f32 [tilespmem:s25], [sflag:$0x5], $0x80, s15, s29, $0xb8;
	[tilespmem:$0x1ED80] =	vst v63  }
0x178: {  	_ =	swait.ge [sflag:s24], $0x4000  }
0x179: {  	[sflag:s24] =	ssyncset.done $0x0  }
0x17a: {  	[sflag:s24] =	ssyncadd.s32 $0xFFFFC000  }
0x17b: {  	_ =	swait.ge [sflag:s23], $0x80  }
0x17c: {  	[sflag:s23] =	ssyncset.done $0x0  }
0x17d: {  	s15 =	sadd.s32 $0x100, s14;
	[sflag:s23] =	ssyncadd.s32 $0xFFFFFF80  }
0x17e: {  	[tilespmem:s25], [sflag:$0x1] =	stream.indirect.gather [hbm4b:s5+s29], $0x80, s15, s29, $0xb8;
	[tilespmem:$0x1ED80] =	vst v63  }
0x17f: {  	_ =	swait.ge [sflag:s8], $0x4000  }
0x180: {  	[sflag:s8] =	ssyncset.done $0x0  }
0x181: {  	s15 =	sadd.s32 $0x1480, s14;
	[sflag:s8] =	ssyncadd.s32 $0xFFFFC000  }
0x182: {  	[spmem:s2] =	stream.indirect.scatter.add.f32 [tilespmem:s0], [sflag:$0x3], $0x1, s15, s29, $0xb8;
	[tilespmem:$0x1ED80] =	vst v63  }
0x183: {  	_ = 	snop  }
0x184: {  	[spmem:s1] =	stream.indirect.scatter.add.f32 [tilespmem:s30], [sflag:$0x5], $0x80, s15, s29, $0xb8;
	[tilespmem:$0x1ED80] =	vst v63  }
0x185: {  	_ =	swait.ge [sflag:s24], $0x4000  }
.Ltmp6:
0x186: {  	[sflag:s24] =	ssyncset.done $0x0;
	(pc) =	sbr.rel @!p1 .LBB2_9-.Ltmp6, $4  }
0x187: {  	[sflag:s24] =	ssyncadd.s32 $0xFFFFC000  }
0x188: {  	_ =	swait.ge [sflag:s23], $0x80  }
0x189: {  	[sflag:s23] =	ssyncset.done $0x0  }
0x18a: {  	s14 =	sadd.s32 $0x180, s14;
	[sflag:s23] =	ssyncadd.s32 $0xFFFFFF80  }
.Ltmp7:
0x18b: {  	(pc) =	sbr.rel .LBB2_14-.Ltmp7, $2  }
0x18c: {  	_ =	sdelay $0x2  }
0x18d: {  	[tilespmem:s30], [sflag:$0x2] =	stream.indirect.gather [hbm4b:s5+s29], $0x80, s14, s29, $0xb8;
	[tilespmem:$0x1ED80] =	vst v63  }
.LBB2_11:
0x18e: {  	s14 =	rddreg [dreg:$0x4]  }
0x18f: {  	[tilespmem:s13], [sflag:$0x4] =	stream.linear.gather [hbm4b:s14+s13], $0x1400, $0x38;
	[tilespmem:$0x1ED80] =	vst v63  }
0x190: {  	s15 =	rddreg [dreg:$0x5]  }
0x191: {  	[tilespmem:s26], [sflag:$0x4] =	stream.linear.gather [hbm4b:s15+s13], $0x1400, $0x38;
	[tilespmem:$0x1ED80] =	vst v63  }
0x192: {  	_ =	swait.ge [sflag:s28], $0x1400  }
0x193: {  	[sflag:s28] =	ssyncset.done $0x0  }
0x194: {  	[sflag:s28] =	ssyncadd.s32 $0xFFFFEC00  }
0x195: {  	_ =	swait.ge [sflag:s28], $0x1400  }
0x196: {  	[sflag:s28] =	ssyncset.done $0x0  }
0x197: {  	[sflag:s28] =	ssyncadd.s32 $0xFFFFEC00  }
0x198: {  	[tilespmem:s25], [sflag:$0x1] =	stream.indirect.gather [hbm4b:s5+s29], $0x80, s13, s29, $0xb8;
	[tilespmem:$0x1ED80] =	vst v63  }
0x199: {  	_ = 	snop  }
0x19a: {  	[tilespmem:s30], [sflag:$0x2] =	stream.indirect.gather [hbm4b:s5+s29], $0x80, s29, s29, $0xb8;
	[tilespmem:$0x1ED80] =	vst v63  }
0x19b: {  	_ =	swait.ge [sflag:s31], $0x4000  }
0x19c: {  	[sflag:s31] =	ssyncset.done $0x0  }
0x19d: {  	s15 =	simm.s32 $0x1400;
	[sflag:s31] =	ssyncadd.s32 $0xFFFFC000  }
0x19e: {  	[spmem:s2] =	stream.indirect.scatter.add.f32 [tilespmem:s0], [sflag:$0x3], $0x1, s15, s29, $0xb8;
	[tilespmem:$0x1ED80] =	vst v63  }
0x19f: {  	_ = 	snop  }
0x1a0: {  	[spmem:s1] =	stream.indirect.scatter.add.f32 [tilespmem:s25], [sflag:$0x5], $0x80, s15, s29, $0xb8;
	[tilespmem:$0x1ED80] =	vst v63  }
0x1a1: {  	_ =	swait.ge [sflag:s24], $0x4000  }
0x1a2: {  	[sflag:s24] =	ssyncset.done $0x0  }
0x1a3: {  	[sflag:s24] =	ssyncadd.s32 $0xFFFFC000  }
0x1a4: {  	_ =	swait.ge [sflag:s23], $0x80  }
0x1a5: {  	[sflag:s23] =	ssyncset.done $0x0  }
0x1a6: {  	s14 =	simm.s32 $0x100;
	[sflag:s23] =	ssyncadd.s32 $0xFFFFFF80  }
0x1a7: {  	[tilespmem:s25], [sflag:$0x1] =	stream.indirect.gather [hbm4b:s5+s29], $0x80, s14, s29, $0xb8;
	[tilespmem:$0x1ED80] =	vst v63  }
0x1a8: {  	_ =	swait.ge [sflag:s8], $0x4000  }
0x1a9: {  	[sflag:s8] =	ssyncset.done $0x0  }
0x1aa: {  	s15 =	simm.s32 $0x1480;
	[sflag:s8] =	ssyncadd.s32 $0xFFFFC000  }
0x1ab: {  	[spmem:s2] =	stream.indirect.scatter.add.f32 [tilespmem:s0], [sflag:$0x3], $0x1, s15, s29, $0xb8;
	[tilespmem:$0x1ED80] =	vst v63  }
0x1ac: {  	_ = 	snop  }
0x1ad: {  	[spmem:s1] =	stream.indirect.scatter.add.f32 [tilespmem:s30], [sflag:$0x5], $0x80, s15, s29, $0xb8;
	[tilespmem:$0x1ED80] =	vst v63  }
0x1ae: {  	_ =	swait.ge [sflag:s24], $0x4000  }
0x1af: {  	[sflag:s24] =	ssyncset.done $0x0  }
0x1b0: {  	[sflag:s24] =	ssyncadd.s32 $0xFFFFC000  }
0x1b1: {  	_ =	swait.ge [sflag:s23], $0x80  }
0x1b2: {  	[sflag:s23] =	ssyncset.done $0x0  }
0x1b3: {  	s13 =	simm.s32 $0x400;
	s14 =	simm.s32 $0x180;
	[sflag:s23] =	ssyncadd.s32 $0xFFFFFF80  }
.LBB2_12:
0x1b4: {  	[tilespmem:s30], [sflag:$0x2] =	stream.indirect.gather [hbm4b:s5+s29], $0x80, s14, s29, $0xb8;
	[tilespmem:$0x1ED80] =	vst v63  }
0x1b5: {  	s14 =	smov.u32 s13  }
0x1b6: {  	p1 =	sne.s32 s13, $0x4800;
	s13 =	sadd.s32 $0x400, s13;
	_ =	swait.ge [sflag:s31], $0x4000  }
0x1b7: {  	s14 =	sshra.s32 s14, $0x2;
	[sflag:s31] =	ssyncset.done $0x0  }
0x1b8: {  	s15 =	sadd.s32 $0x1400, s14;
	[sflag:s31] =	ssyncadd.s32 $0xFFFFC000  }
0x1b9: {  	[spmem:s2] =	stream.indirect.scatter.add.f32 [tilespmem:s0], [sflag:$0x3], $0x1, s15, s29, $0xb8;
	[tilespmem:$0x1ED80] =	vst v63  }
0x1ba: {  	_ = 	snop  }
0x1bb: {  	[spmem:s1] =	stream.indirect.scatter.add.f32 [tilespmem:s25], [sflag:$0x5], $0x80, s15, s29, $0xb8;
	[tilespmem:$0x1ED80] =	vst v63  }
0x1bc: {  	_ =	swait.ge [sflag:s24], $0x4000  }
0x1bd: {  	[sflag:s24] =	ssyncset.done $0x0  }
0x1be: {  	[sflag:s24] =	ssyncadd.s32 $0xFFFFC000  }
0x1bf: {  	_ =	swait.ge [sflag:s23], $0x80  }
0x1c0: {  	[sflag:s23] =	ssyncset.done $0x0  }
0x1c1: {  	s15 =	sadd.s32 $0x100, s14;
	[sflag:s23] =	ssyncadd.s32 $0xFFFFFF80  }
0x1c2: {  	[tilespmem:s25], [sflag:$0x1] =	stream.indirect.gather [hbm4b:s5+s29], $0x80, s15, s29, $0xb8;
	[tilespmem:$0x1ED80] =	vst v63  }
0x1c3: {  	_ =	swait.ge [sflag:s8], $0x4000  }
0x1c4: {  	[sflag:s8] =	ssyncset.done $0x0  }
0x1c5: {  	s15 =	sadd.s32 $0x1480, s14;
	[sflag:s8] =	ssyncadd.s32 $0xFFFFC000  }
0x1c6: {  	[spmem:s2] =	stream.indirect.scatter.add.f32 [tilespmem:s0], [sflag:$0x3], $0x1, s15, s29, $0xb8;
	[tilespmem:$0x1ED80] =	vst v63  }
0x1c7: {  	_ = 	snop  }
0x1c8: {  	[spmem:s1] =	stream.indirect.scatter.add.f32 [tilespmem:s30], [sflag:$0x5], $0x80, s15, s29, $0xb8;
	[tilespmem:$0x1ED80] =	vst v63  }
0x1c9: {  	_ =	swait.ge [sflag:s24], $0x4000  }
.Ltmp8:
0x1ca: {  	[sflag:s24] =	ssyncset.done $0x0;
	(pc) =	sbr.rel @p1 .LBB2_12-.Ltmp8, $4  }
0x1cb: {  	[sflag:s24] =	ssyncadd.s32 $0xFFFFC000  }
0x1cc: {  	_ =	swait.ge [sflag:s23], $0x80  }
0x1cd: {  	[sflag:s23] =	ssyncset.done $0x0  }
0x1ce: {  	s14 =	sadd.s32 $0x180, s14;
	[sflag:s23] =	ssyncadd.s32 $0xFFFFFF80  }
.Ltmp9:
0x1cf: {  	_ = 	snop;
	(pc) =	sbr.rel .LBB2_13-.Ltmp9, $1  }
0x1d0: {  	_ =	sdelay $0x3  }
.LBB2_15:
0x1d1: {  	_ =	sfence.sel $0x180000  }
0x1d2: {  	[bflag:$0x0] =	sbarrier.arrive $0xFFFF  }
0x1d3: {  	_ =	strace $0x90000047  }
0x1d4: {  	[bflag:$0x2] =	sbarrier.arrive $0xFFFF  }
0x1d5: {  	p0 =	sne.s32 s3, $0x0;
	s0 =	rddreg [dreg:$0x3]  }
0x1d6: {  	s0 =	sadd.s32 @!p0 $0x100000, s0  }
0x1d7: {  	[sflag:s0] =	ssyncadd.tile.s32 @!p0 $0x1;
	_ =	shalt  }
.Lfunc_end2:
_tile_overlayer_lowered:
.L_overlay_start_2:
0x1d8: {  	(tag) =	ssettag $0x2  }
0x1d9: {  	s0 =	rddreg [dreg:$0x0];
	s2 =	stileid.u32  }
0x1da: {  	s1 =	rddreg [dreg:$0x1];
	p0 =	sne.s32 s2, $0x0  }
0x1db: {  	s3 =	rddreg [dreg:$0x2];
	[bflag:$0x3] =	sbarrier.arrive $0xFFFF;
	s2 =	simm.s32 @!p0 $0x1C05  }
0x1dc: {  	[timem:s3], [sflag:s2] =	dma.local @!p0 [hbm:s0], s1  }
0x1dd: {  	s0 =	simm.s32 @!p0 $0x5  }
0x1de: {  	_ =	swait.ge @!p0 [sflag:s0], s1  }
0x1df: {  	s1 =	ssub.s32 @!p0 $0x0, s1;
	[sflag:s0] =	ssyncset.done @!p0 $0x0  }
0x1e0: {  	[sflag:s0] =	ssyncadd.s32 @!p0 s1  }
0x1e1: {  	[bflag:$0x3] =	sbarrier.arrive $0xFFFF  }
0x1e2: {  	_ =	shalt  }

// kernel: kernel.8.cloned.1.call-start
scs
__scs_entry_jumppad:
0x0: {  	(pc) =	sbr.rel $0x88, $3  }
0x1: {  	(tag) =	ssettag $0x0;
	lr =	simm.s32 $0x1  }
0x2: {  	[smem:$0x3F99] =	sst lr;
	_ =	strace $0xD0000000  }
0x3: {  	_ = 	snop  }
0x4: {  	_ = 	snop  }
0x5: {  	_ = 	snop  }
0x6: {  	_ = 	snop  }
0x7: {  	_ = 	snop  }
__scs_overlays_trampoline_lowered:
0x8: {  	[smem:$0x3FA8] =	sst s0  }
0x9: {  	[smem:$0x3FA9] =	sst s1  }
0xa: {  	[smem:$0x3FAA] =	sst s2  }
0xb: {  	[smem:$0x3FAB] =	sst s3  }
0xc: {  	[smem:$0x3FAC] =	sst s4  }
0xd: {  	[smem:$0x3FAD] =	sst s5  }
0xe: {  	[smem:$0x3FAE] =	sst s6  }
0xf: {  	[smem:$0x3FAF] =	sst s7  }
0x10: {  	[smem:$0x3FB0] =	sst s8  }
0x11: {  	[smem:$0x3FB1] =	sst s9;
	s0 =	simm.s32 @!p0 $0x0  }
0x12: {  	s1 =	sld [smem:$0x3F97];
	s0 =	simm.s32 @p0 $0x1  }
0x13: {  	[smem:$0x3FB2] =	sst s0;
	s0 =	simm.s32 @!p1 $0x0  }
0x14: {  	s2 =	sld [smem:$0x3F96];
	s0 =	simm.s32 @p1 $0x1  }
0x15: {  	[smem:$0x3FB3] =	sst s0;
	s0 =	simm.s32 @!p2 $0x0  }
0x16: {  	s3 =	sld [smem:$0x3FDB];
	s0 =	simm.s32 @p2 $0x1  }
0x17: {  	s4 =	simm.s32 $0x1BF5;
	[smem:$0x3FB5] =	sst s0  }
0x18: {  	s0 =	sld [smem:$0x3F98];
	_ =	swait.ge [sflag:s4], $0x0  }
0x19: {  	s7 =	sld [smem:$0x3F99]  }
0x1a: {  	s8 =	sadd.s32 $0xFFFFE003, lr  }
0x1b: {  	s9 =	sadd.s32 $0xFFFFFEF7, lr;
	s5 =	simm.s32 $0xFFFFFFFF;
	p2 =	slt.u32 s8, $0xFFFFF086  }
0x1c: {  	p1 =	slt.u32 s9, $0xF7A;
	s5 =	simm.s32 @!p2 $0x0  }
0x1d: {  	s5 =	simm.s32 @p1 $0x1;
	p0 =	seq.s32 s7, s2  }
0x1e: {  	s7 =	smul.u32 @!p0 $0xF7A, s2;
	p2 =	seq.s32 @!p0 s5, $0x0  }
0x1f: {  	s9 =	smul.u32 $0xF7A, s1;
	s8 =	simm.s32 @!p0 $0x1BF5;
	p2 =	por !p2, p0  }
0x20: {  	[sflag:s8] =	ssyncset.s32 @!p0 $0xFFFFF086;
	s6 =	sadd.s32 @!p0 s3, s7;
	s7 =	simm.s32 @!p0 $0x108  }
0x21: {  	s3 =	sadd.s32 s3, s9;
	s6 =	sadd.s32 @!p0 $0x88, s6;
	s7 =	simm.s32 @p2 $0x1082  }
0x22: {  	[simem:s7], [sflag:s8] =	dma.local @!p0 [hbm:s6], $0xF7A  }
0x23: {  	s9 =	sor.u32 $0xD0000000, s2;
	s6 =	simm.s32 $0x108;
	_ =	swait.ge @!p0 [sflag:s8], $0x0  }
0x24: {  	s3 =	sadd.s32 $0x88, s3;
	s6 =	simm.s32 @!p1 $0x1082;
	[sflag:s4] =	ssyncset.s32 $0xFFFFF086  }
0x25: {  	[simem:s6], [sflag:s4] =	dma.local [hbm:s3], $0xF7A  }
0x26: {  	[smem:$0x3F99] =	sst s1;
	(tag) =	ssettag s2;
	_ =	strace s9  }
0x27: {  	s1 =	sld [smem:$0x3FA9]  }
0x28: {  	s2 =	sld [smem:$0x3FAA]  }
0x29: {  	s4 =	sld [smem:$0x3FAC]  }
0x2a: {  	p0 =	seq.s32 s5, $0x0;
	s5 =	sld [smem:$0x3FAD]  }
0x2b: {  	s6 =	sld [smem:$0x3FAE]  }
0x2c: {  	s7 =	sld [smem:$0x3FAF]  }
0x2d: {  	s3 =	simm.s32 $0x108;
	s8 =	sld [smem:$0x3FB0]  }
0x2e: {  	s3 =	simm.s32 @!p0 $0x1082;
	s9 =	sld [smem:$0x3FB1]  }
0x2f: {  	lr =	sadd.s32 s0, s3;
	s0 =	sld [smem:$0x3FA8]  }
0x30: {  	s3 =	sld [smem:$0x3FAB]  }
0x31: {  	[smem:$0x3FB4] =	sst s10  }
0x32: {  	s10 =	sld [smem:$0x3FB2];
	_ =	sdelay $0x3  }
0x33: {  	p0 =	seq.s32 s10, $0x1;
	s10 =	sld [smem:$0x3FB4];
	_ =	sdelay $0x3  }
0x34: {  	[smem:$0x3FB4] =	sst s10  }
0x35: {  	s10 =	sld [smem:$0x3FB3];
	_ =	sdelay $0x3  }
0x36: {  	p1 =	seq.s32 s10, $0x1;
	s10 =	sld [smem:$0x3FB4];
	_ =	sdelay $0x3  }
0x37: {  	[smem:$0x3FB4] =	sst s10  }
0x38: {  	s10 =	sld [smem:$0x3FB5]  }
0x39: {  	_ = 	snop;
	(pc) =	sbr.ind lr, $3  }
0x3a: {  	_ = 	snop  }
0x3b: {  	_ = 	snop  }
0x3c: {  	p2 =	seq.s32 s10, $0x1;
	s10 =	sld [smem:$0x3FB4]  }
0x3d: {  	_ =	shalt  }
0x3e: {  	_ =	shalt  }
0x3f: {  	_ =	shalt  }
0x40: {  	_ =	shalt  }
0x41: {  	_ =	shalt  }
0x42: {  	_ =	shalt  }
0x43: {  	_ =	shalt  }
0x44: {  	_ =	shalt  }
0x45: {  	_ =	shalt  }
0x46: {  	_ =	shalt  }
0x47: {  	_ =	shalt  }
0x48: {  	_ =	shalt  }
0x49: {  	_ =	shalt  }
0x4a: {  	_ =	shalt  }
0x4b: {  	_ =	shalt  }
0x4c: {  	_ =	shalt  }
0x4d: {  	_ =	shalt  }
0x4e: {  	_ =	shalt  }
0x4f: {  	_ =	shalt  }
0x50: {  	_ =	shalt  }
0x51: {  	_ =	shalt  }
0x52: {  	_ =	shalt  }
0x53: {  	_ =	shalt  }
0x54: {  	_ =	shalt  }
0x55: {  	_ =	shalt  }
0x56: {  	_ =	shalt  }
0x57: {  	_ =	shalt  }
0x58: {  	_ =	shalt  }
0x59: {  	_ =	shalt  }
0x5a: {  	_ =	shalt  }
0x5b: {  	_ =	shalt  }
0x5c: {  	_ =	shalt  }
0x5d: {  	_ =	shalt  }
0x5e: {  	_ =	shalt  }
0x5f: {  	_ =	shalt  }
0x60: {  	_ =	shalt  }
0x61: {  	_ =	shalt  }
0x62: {  	_ =	shalt  }
0x63: {  	_ =	shalt  }
0x64: {  	_ =	shalt  }
0x65: {  	_ =	shalt  }
0x66: {  	_ =	shalt  }
0x67: {  	_ =	shalt  }
0x68: {  	_ =	shalt  }
0x69: {  	_ =	shalt  }
0x6a: {  	_ =	shalt  }
0x6b: {  	_ =	shalt  }
0x6c: {  	_ =	shalt  }
0x6d: {  	_ =	shalt  }
0x6e: {  	_ =	shalt  }
0x6f: {  	_ =	shalt  }
0x70: {  	_ =	shalt  }
0x71: {  	_ =	shalt  }
0x72: {  	_ =	shalt  }
0x73: {  	_ =	shalt  }
0x74: {  	_ =	shalt  }
0x75: {  	_ =	shalt  }
0x76: {  	_ =	shalt  }
0x77: {  	_ =	shalt  }
0x78: {  	_ =	shalt  }
0x79: {  	_ =	shalt  }
0x7a: {  	_ =	shalt  }
0x7b: {  	_ =	shalt  }
0x7c: {  	_ =	shalt  }
0x7d: {  	_ =	shalt  }
0x7e: {  	_ =	shalt  }
0x7f: {  	_ =	shalt  }
0x80: {  	_ =	shalt  }
0x81: {  	_ =	shalt  }
0x82: {  	_ =	shalt  }
0x83: {  	_ =	shalt  }
0x84: {  	_ =	shalt  }
0x85: {  	_ =	shalt  }
0x86: {  	_ =	shalt  }
0x87: {  	_ =	shalt  }
.Lfunc_end0:
.L_simem_size_0:
called_computation.1_lowered:
.L_overlay_start_0:
0x88: {  	s2 =	sld [smem:$0x3FD9]  }
0x89: {  	s3 =	sld [smem:$0x3FFE];
	_ =	sdelay $0x1  }
0x8a: {  	s1 =	srdreg.scid  }
0x8b: {  	s0 =	sand.u32 $0x1, s1  }
0x8c: {  	s16 =	sshll.u32 s0, $0xA;
	s2 =	sadd.s32 s3, s2  }
0x8d: {  	s2 =	sadd.s32 s2, s16  }
0x8e: {  	[smem:$0x3FC0] =	sst s2  }
0x8f: {  	_ = 	snop  }
0x90: {  	(tm) =	ssettm $0x1  }
0x91: {  	s17 =	sld [smem:$0x3FFB];
	_ =	sdelay $0x3  }
0x92: {  	_ =	strace s17  }
0x93: {  	s2 =	sld [smem:$0x3FFC];
	_ =	sdelay $0x3  }
0x94: {  	_ =	strace s2  }
0x95: {  	s2 =	sld [smem:$0x3FFD];
	_ =	sdelay $0x3  }
0x96: {  	_ =	strace s2  }
0x97: {  	_ =	strace $0x8FFFFFFF  }
0x98: {  	s18 =	sld [smem:$0x3FDB];
	_ =	sdelay $0x1  }
0x99: {  	s19 =	simm.s32 $_scs_section_size  }
0x9a: {  	s4 =	simm.s32 $_size__tile_overlayer_lowered;
	s5 =	simm.s32 $_tile_overlayer_lowered  }
0x9b: {  	s22 =	simm.s32 $0x1BFF;
	s21 =	sshll.u32 s5, $0x1;
	s2 =	sadd.s32 s19, s18  }
0x9c: {  	s6 =	simm.s32 $0x0;
	s20 =	sshll.u32 s4, $0x1;
	s4 =	sadd.s32 s21, s2  }
0x9d: {  	[timem:s6], [sflag:s22] =	dma.local [hbm:s4], s20  }
0x9e: {  	_ =	swait.ge [sflag:s22], s20  }
0x9f: {  	s3 =	ssub.s32 $0x0, s20;
	[sflag:s22] =	ssyncset.done $0x0  }
0xa0: {  	[sflag:s22] =	ssyncadd.s32 s3;
	_ =	sdelay $0x1  }
0xa1: {  	s23 =	simm.s32 $0x1B8B  }
0xa2: {  	_ =	swait.ge [sflag:s23], $0x1  }
0xa3: {  	[sflag:s23] =	ssyncset.done $0x0  }
0xa4: {  	s25 =	simm.s32 $0x1B8E;
	s24 =	sld [smem:$0x3FFE];
	[sflag:s23] =	ssyncadd.s32 $0xFFFFFFFF  }
0xa5: {  	s26 =	simm.s32 $execute0_lowered;
	[smem:$0x3FD2] =	sst s25  }
0xa6: {  	s4 =	sshll.u32 s26, $0x1;
	_ =	strace $0x80000049;
	[dreg:$0x1] =	wrdreg $0xFFFFFFFF  }
0xa7: {  	s28 =	simm.s32 $_size_execute0_lowered;
	s2 =	sadd.s32 s2, s4;
	[dreg:$0x0] =	wrdreg $0x0  }
0xa8: {  	s4 =	sshll.u32 s28, $0x1;
	[dreg:$0x2] =	wrdreg s2  }
0xa9: {  	[dreg:$0x3] =	wrdreg s4  }
0xaa: {  	[dreg:$0x4] =	wrdreg $0xC0  }
0xab: {  	_ =	task [dreg:s6], $0x5FFFF  }
0xac: {  	[dreg:$0x1] =	wrdreg $0xFFFFFFFF  }
0xad: {  	[dreg:$0x0] =	wrdreg $0x60  }
0xae: {  	[dreg:$0x2] =	wrdreg s24  }
0xaf: {  	[dreg:$0x3] =	wrdreg $0xCB000  }
0xb0: {  	[dreg:$0x4] =	wrdreg $0x9  }
0xb1: {  	_ =	task.clear_ibuf [dreg:s6], $0x5FFFF;
	_ =	strace $0x90000049  }
0xb2: {  	s29 =	simm.s32 $0x9;
	_ =	strace $0x8000004B  }
0xb3: {  	_ =	swait.ge [sflag:s29], $0x1  }
0xb4: {  	[sflag:s29] =	ssyncadd.s32 $0xFFFFFFFF  }
0xb5: {  	_ =	strace $0x9000004B  }
0xb6: {  	_ =	sfence  }
0xb7: {  	s30 =	sld [smem:$0x0];
	_ =	sdelay $0x2  }
0xb8: {  	s31 =	sshll.u32 s1, $0xD;
	s1 =	sshrl.u32 s1, $0x2  }
0xb9: {  	s3 =	sand.u32 $0x4000, s31;
	s1 =	sadd.s32 s1, s30  }
0xba: {  	s0 =	sor.u32 s3, s0;
	s1 =	sshll.u32 s1, $0x11  }
0xbb: {  	s0 =	sor.u32 s1, s0  }
0xbc: {  	s0 =	sadd.s32 $0x8F2B, s0  }
0xbd: {  	[sflag:s0] =	ssyncadd.remote.s32 $0x1  }
0xbe: {  	_ =	sfence.sel $0xFFFF  }
0xbf: {  	[dreg:$0x0] =	wrdreg $0xFFFFFFFF;
	(pc) =	sbr.abs _section_cstart, $3  }
0xc0: {  	[dreg:$0x1] =	wrdreg $0xFFFFFFFF  }
0xc1: {  	_ =	task.clear_ibuf [dreg:s6], $0x2FFFF;
	_ =	strace $0x9FFFFFFF  }
0xc2: {  	(tm) =	ssettm $0x7FFFFFFF  }
0xc3: {  	_ =	shalt  }
tec
execute0_lowered:
.L_overlay_start_1:
0x0: {  	(tag) =	ssettag $0x1  }
0x1: {  	s6 =	rddreg [dreg:$0x0];
	s1 =	srdreg.scid  }
0x2: {  	s0 =	stileid.u32;
	s2 =	rddreg [dreg:$0x1]  }
0x3: {  	s3 =	simm.s32 $0x0;
	s14 =	simm.s32 $0x1;
	s15 =	simm.s32 $0x80  }
0x4: {  	s16 =	simm.s32 $0x100;
	s17 =	simm.s32 $0x5000;
	s18 =	simm.s32 $0x7800  }
0x5: {  	s19 =	simm.s32 $0x2800;
	s20 =	simm.s32 $0xA000;
	s21 =	simm.s32 $0xC800  }
0x6: {  	s24 =	simm.s32 $0x20;
	s25 =	simm.s32 $0x10;
	s4 =	smul.u32 $0x5000, s0  }
0x7: {  	s22 =	sand.u32 $0x1, s1;
	s1 =	rddreg [dreg:$0x2];
	s29 =	smul.u32 $0x500, s0  }
0x8: {  	[smem:$0x7FF] =	sst s3;
	s11 =	smul.u32 $0x280, s0;
	s23 =	sshll.u32 s0, $0x6  }
0x9: {  	s5 =	smul.u32 $0x2800, s22;
	_ =	strace $0x8000004A;
	s7 =	sshll.u32 s22, $0x7  }
0xa: {  	s9 =	ssub.s32 $0x2, s22;
	p0 =	sne.s32 s22, $0x0;
	s22 =	sor.u32 $0x1C01, s23  }
0xb: {  	s30 =	sshrl.u32 s11, $0x3;
	s31 =	sshrl.u32 s9, $0x1;
	s4 =	sadd.s32 s5, s4  }
0xc: {  	s5 =	sor.u32 s7, s29;
	s10 =	sadd.s32 s30, s6;
	s13 =	ssub.s32 s9, s31  }
0xd: {  	s4 =	sshrl.u32 s4, $0x3;
	s5 =	sshrl.u32 s5, $0x3;
	s10 =	sadd.s32 $0x8F800, s10  }
0xe: {  	s8 =	sadd.s32 s4, s6;
	s4 =	sadd.s32 $0x3E400, s6;
	s12 =	sadd.s32 s5, s6  }
0xf: {  	s5 =	sadd.s32 s11, s2;
	s6 =	sadd.s32 $0x3E410, s6;
	s11 =	sadd.s32 $0xA000, s11  }
0x10: {  	s7 =	sadd.s32 $0x2400, s8;
	s8 =	sadd.s32 $0xC400, s8;
	s9 =	sadd.s32 $0x8EE00, s12  }
0x11: {  	v0 =	vimm.f32 $0.0e+00;
	s12 =	smax.u32 s13, $0x1;
	s13 =	simm.s32 $0xC880;
	s23 =	sshrl.u32 s5, $0x3  }
.LBB2_1:
0x12: {  	[tilespmem:$0xC880] =	vst v0  }
0x13: {  	[tilespmem:$0xC890] =	vst v0  }
0x14: {  	[tilespmem:$0xC8A0] =	vst v0  }
0x15: {  	[tilespmem:$0xC8B0] =	vst v0  }
0x16: {  	[tilespmem:$0xC8C0] =	vst v0  }
0x17: {  	[tilespmem:$0xC8D0] =	vst v0  }
0x18: {  	[tilespmem:$0xC8E0] =	vst v0  }
0x19: {  	[tilespmem:$0xC8F0] =	vst v0  }
0x1a: {  	[tilespmem:$0xC900] =	vst v0  }
0x1b: {  	[tilespmem:$0xC910] =	vst v0  }
0x1c: {  	[tilespmem:$0xC920] =	vst v0  }
0x1d: {  	[tilespmem:$0xC930] =	vst v0  }
0x1e: {  	[tilespmem:$0xC940] =	vst v0  }
0x1f: {  	[tilespmem:$0xC950] =	vst v0  }
0x20: {  	[tilespmem:$0xC960] =	vst v0  }
0x21: {  	[tilespmem:$0xC970] =	vst v0  }
0x22: {  	[tilespmem:$0xC980] =	vst v0  }
0x23: {  	[tilespmem:$0xC990] =	vst v0  }
0x24: {  	[tilespmem:$0xC9A0] =	vst v0  }
0x25: {  	[tilespmem:$0xC9B0] =	vst v0  }
0x26: {  	[tilespmem:$0xC9C0] =	vst v0  }
0x27: {  	[tilespmem:$0xC9D0] =	vst v0  }
0x28: {  	[tilespmem:$0xC9E0] =	vst v0  }
0x29: {  	[tilespmem:$0xC9F0] =	vst v0  }
0x2a: {  	[tilespmem:$0xCA00] =	vst v0  }
0x2b: {  	[tilespmem:$0xCA10] =	vst v0  }
0x2c: {  	[tilespmem:$0xCA20] =	vst v0  }
0x2d: {  	[tilespmem:$0xCA30] =	vst v0  }
0x2e: {  	[tilespmem:$0xCA40] =	vst v0  }
0x2f: {  	[tilespmem:$0xCA50] =	vst v0  }
0x30: {  	[tilespmem:$0xCA60] =	vst v0  }
0x31: {  	[tilespmem:$0xCA70] =	vst v0  }
0x32: {  	[tilespmem:$0xCA80] =	vst v0  }
0x33: {  	[tilespmem:$0xCA90] =	vst v0  }
0x34: {  	[tilespmem:$0xCAA0] =	vst v0  }
0x35: {  	[tilespmem:$0xCAB0] =	vst v0  }
0x36: {  	[tilespmem:$0xCAC0] =	vst v0  }
0x37: {  	[tilespmem:$0xCAD0] =	vst v0  }
0x38: {  	[tilespmem:$0xCAE0] =	vst v0  }
0x39: {  	[tilespmem:$0xCAF0] =	vst v0  }
0x3a: {  	[spmem:s5] =	stream.linear.scatter [tilespmem:s13], [sflag:$0x1], $0x280, $0x38;
	[tilespmem:$0xCD80] =	vst v63  }
0x3b: {  	_ =	swait.ge [sflag:s14], $0x280  }
0x3c: {  	[sflag:s14] =	ssyncset.done $0x0  }
0x3d: {  	[sflag:s14] =	ssyncadd.s32 $0xFFFFFD80  }
0x3e: {  	[tilespmem:s17], [sflag:$0x1] =	stream.strided.gather [hbm4b:s4+s15], $0x2800, s16, s15, $0x38;
	[tilespmem:$0xCD80] =	vst v63  }
0x3f: {  	_ =	swait.ge [sflag:s14], $0x2800  }
0x40: {  	[sflag:s14] =	ssyncset.done $0x0  }
0x41: {  	[sflag:s14] =	ssyncadd.s32 $0xFFFFD800  }
0x42: {  	[tilespmem:s18], [sflag:$0x1] =	stream.strided.gather [hbm4b:s6+s15], $0x2800, s16, s15, $0x38;
	[tilespmem:$0xCD80] =	vst v63  }
0x43: {  	_ =	swait.ge [sflag:s14], $0x2800  }
0x44: {  	[sflag:s14] =	ssyncset.done $0x0  }
0x45: {  	s26 =	simm.s32 $0x0;
	[sflag:s14] =	ssyncadd.s32 $0xFFFFD800  }
0x46: {  	v1 =	vld [tilespmem:s26+$0x5000]  }
0x47: {  	v2 =	vld [tilespmem:s26+$0x7800]  }
0x48: {  	s28 =	simm.s32 $0x10  }
0x49: {  	v3 =	vld [tilespmem:s28+$0x5000]  }
0x4a: {  	v4 =	vld [tilespmem:s28+$0x7800];
	_ =	sdelay $0x1  }
0x4b: {  	v1 =	vadd.f32 v2, v1;
	_ =	sdelay $0x1  }
0x4c: {  	v1 =	vmax.f32 v1, $1.000000000e+00  }
0x4d: {  	v2 =	vadd.f32 v4, v3;
	(erf) = vrcp.f32 v1;
	_ =	sdelay $0x1  }
0x4e: {  	s29 =	simm.s32 $0x20;
	v3 =	vmax.f32 v2, $1.000000000e+00  }
0x4f: {  	v2 =	vld [tilespmem:s29+$0x7800];
	(erf) = vrcp.f32 v3  }
0x50: {  	v1 =	vld [tilespmem:s29+$0x5000];
	_ =	sdelay $0x1  }
0x51: {  	s30 =	simm.s32 $0xC0  }
.LBB2_2:
0x52: {  	p1 =	sne.s32 s30, $0x9FC0  }
.Ltmp0:
0x53: {  	s31 =	sshra.s32 s30, $0x2;
	(pc) =	sbr.rel @p1 .LBB2_2-.Ltmp0, $4  }
0x54: {  	s30 =	sadd.s32 $0x40, s30;
	v4 =	vpop (erf);
	v3 =	vadd.f32 v2, v1;
	v1 =	vld [tilespmem:s31+$0x5000]  }
0x55: {  	v2 =	vld [tilespmem:s31+$0x7800];
	[tilespmem:s26+$0xA000] =	vst v4;
	s26 =	smov.u32 s28;
	s28 =	smov.u32 s29;
	s29 =	smov.u32 s31  }
0x56: {  	v3 =	vmax.f32 v3, $1.000000000e+00  }
0x57: {  	(erf) = vrcp.f32 v3  }
0x58: {  	_ =	sdelay $0x1  }
0x59: {  	v1 =	vadd.f32 v2, v1;
	_ =	sdelay $0x1  }
0x5a: {  	v1 =	vmax.f32 v1, $1.000000000e+00  }
0x5b: {  	(erf) = vrcp.f32 v1;
	_ =	sdelay $0x6  }
0x5c: {  	v1 =	vpop (erf)  }
0x5d: {  	[tilespmem:s26+$0xA000] =	vst v1;
	v1 =	vpop (erf)  }
0x5e: {  	[tilespmem:s28+$0xA000] =	vst v1;
	v1 =	vpop (erf)  }
0x5f: {  	s26 =	simm.s32 $0x0;
	[tilespmem:s29+$0xA000] =	vst v1  }
0x60: {  	[tilespmem:s26], [sflag:$0x1] =	stream.linear.gather [hbm4b:s7+s26], $0x2800, $0x38;
	[tilespmem:$0xCD80] =	vst v63  }
0x61: {  	_ =	swait.ge [sflag:s14], $0x2800  }
0x62: {  	[sflag:s14] =	ssyncset.done $0x0  }
0x63: {  	[sflag:s14] =	ssyncadd.s32 $0xFFFFD800  }
0x64: {  	[tilespmem:s19], [sflag:$0x1] =	stream.linear.gather [hbm4b:s8+s26], $0x2800, $0x38;
	[tilespmem:$0xCD80] =	vst v63  }
0x65: {  	_ =	swait.ge [sflag:s14], $0x2800  }
0x66: {  	[sflag:s14] =	ssyncset.done $0x0  }
0x67: {  	[sflag:s14] =	ssyncadd.s32 $0xFFFFD800  }
0x68: {  	[bflag:$0x0] =	sbarrier.arrive $0xFFFF  }
.LBB2_4:
0x69: {  	s28 =	sshra.s32 s26, $0x2  }
0x6a: {  	v1 =	vld [tilespmem:s28+$0x2800];
	_ =	sdelay $0x7  }
0x6b: {  	v1 =	vld.idx.msk [tilespmem:v1+s20+$0x0], $0xffff;
	_ =	sdelay $0x4  }
0x6c: {  	[tilespmem:$0xC800] =	vst v1  }
0x6d: {  	v1 =	vld [tilespmem:s28+$0x2810];
	_ =	sdelay $0x7  }
0x6e: {  	v1 =	vld.idx.msk [tilespmem:v1+s20+$0x0], $0xffff;
	_ =	sdelay $0x4  }
0x6f: {  	[tilespmem:$0xC810] =	vst v1  }
0x70: {  	v1 =	vld [tilespmem:s28+$0x2820];
	_ =	sdelay $0x7  }
0x71: {  	v1 =	vld.idx.msk [tilespmem:v1+s20+$0x0], $0xffff;
	_ =	sdelay $0x4  }
0x72: {  	[tilespmem:$0xC820] =	vst v1  }
0x73: {  	v1 =	vld [tilespmem:s28+$0x2830];
	_ =	sdelay $0x7  }
0x74: {  	v1 =	vld.idx.msk [tilespmem:v1+s20+$0x0], $0xffff;
	_ =	sdelay $0x4  }
0x75: {  	[tilespmem:$0xC830] =	vst v1  }
0x76: {  	v1 =	vld [tilespmem:s28+$0x2840];
	_ =	sdelay $0x7  }
0x77: {  	v1 =	vld.idx.msk [tilespmem:v1+s20+$0x0], $0xffff;
	_ =	sdelay $0x4  }
0x78: {  	[tilespmem:$0xC840] =	vst v1  }
0x79: {  	v1 =	vld [tilespmem:s28+$0x2850];
	_ =	sdelay $0x7  }
0x7a: {  	v1 =	vld.idx.msk [tilespmem:v1+s20+$0x0], $0xffff;
	_ =	sdelay $0x4  }
0x7b: {  	[tilespmem:$0xC850] =	vst v1  }
0x7c: {  	v1 =	vld [tilespmem:s28+$0x2860];
	_ =	sdelay $0x7  }
0x7d: {  	v1 =	vld.idx.msk [tilespmem:v1+s20+$0x0], $0xffff;
	_ =	sdelay $0x4  }
0x7e: {  	[tilespmem:$0xC860] =	vst v1  }
0x7f: {  	v1 =	vld [tilespmem:s28+$0x2870];
	_ =	sdelay $0x7  }
0x80: {  	v1 =	vld.idx.msk [tilespmem:v1+s20+$0x0], $0xffff;
	_ =	sdelay $0x3  }
0x81: {  	p1 =	sne.s32 s26, $0x9E00  }
.Ltmp1:
0x82: {  	[tilespmem:$0xC870] =	vst v1;
	(pc) =	sbr.rel @p1 .LBB2_4-.Ltmp1, $4  }
0x83: {  	[spmem:s2] =	stream.indirect.scatter.add.f32 [tilespmem:s21], [sflag:$0x1], $0x1, s28, s15, $0xb8;
	[tilespmem:$0xCD80] =	vst v63  }
0x84: {  	_ =	swait.ge [sflag:s14], $0x80  }
0x85: {  	[sflag:s14] =	ssyncset.done $0x0  }
0x86: {  	s26 =	sadd.s32 $0x200, s26;
	[sflag:s14] =	ssyncadd.s32 $0xFFFFFF80  }
0x87: {  	[bflag:$0x0] =	sbarrier.arrive $0xFFFF  }
0x88: {  	[hbm:s9@s24], [sflag:s22] =	dma.strided [spmem:s23@s25], $0x50, s14, $0x10   }
0x89: {  	_ =	swait.ge [sflag:s14], $0x50  }
0x8a: {  	s3 =	sadd.s32 $0x1, s3;
	[sflag:s14] =	ssyncset.done $0x0  }
0x8b: {  	s26 =	simm.s32 @!p0 $0x0;
	p1 =	sne.s32 s3, s12;
	[sflag:s14] =	ssyncadd.s32 $0xFFFFFFB0  }
0x8c: {  	[hbm4b:s10+s26] =	stream.linear.scatter @!p0 [tilespmem:s11], [sflag:$0x1], $0x280, $0x38;
	[tilespmem:$0xCD80] =	vst v63  }
.Ltmp2:
0x8d: {  	_ = 	snop;
	(pc) =	sbr.rel @p1 .LBB2_1-.Ltmp2, $4  }
0x8e: {  	s26 =	simm.s32 @!p0 $0x1  }
0x8f: {  	_ =	swait.ge @!p0 [sflag:s26], $0x280  }
0x90: {  	[sflag:s26] =	ssyncset.done @!p0 $0x0  }
0x91: {  	[sflag:s26] =	ssyncadd.s32 @!p0 $0xFFFFFD80  }
0x92: {  	_ =	sfence.sel $0x180000  }
0x93: {  	[bflag:$0x0] =	sbarrier.arrive $0xFFFF  }
0x94: {  	p0 =	sne.s32 s0, $0x0;
	_ =	strace $0x9000004A  }
0x95: {  	s0 =	sadd.s32 @!p0 $0x100000, s1;
	[bflag:$0x2] =	sbarrier.arrive $0xFFFF  }
0x96: {  	[sflag:s0] =	ssyncadd.tile.s32 @!p0 $0x1;
	_ =	shalt  }
.Lfunc_end2:
_tile_overlayer_lowered:
.L_overlay_start_2:
0x97: {  	(tag) =	ssettag $0x2  }
0x98: {  	s0 =	rddreg [dreg:$0x0];
	s2 =	stileid.u32  }
0x99: {  	s1 =	rddreg [dreg:$0x1];
	p0 =	sne.s32 s2, $0x0  }
0x9a: {  	s3 =	rddreg [dreg:$0x2];
	[bflag:$0x3] =	sbarrier.arrive $0xFFFF;
	s2 =	simm.s32 @!p0 $0x1C01  }
0x9b: {  	[timem:s3], [sflag:s2] =	dma.local @!p0 [hbm:s0], s1  }
0x9c: {  	s0 =	simm.s32 @!p0 $0x1  }
0x9d: {  	_ =	swait.ge @!p0 [sflag:s0], s1  }
0x9e: {  	s1 =	ssub.s32 @!p0 $0x0, s1;
	[sflag:s0] =	ssyncset.done @!p0 $0x0  }
0x9f: {  	[sflag:s0] =	ssyncadd.s32 @!p0 s1  }
0xa0: {  	[bflag:$0x3] =	sbarrier.arrive $0xFFFF  }
0xa1: {  	_ =	shalt  }

</sc_bundles>
